<compile_context>
chip_gen: v7x
topology: tpu7x:2x2x1
jax: 0.10.2.dev20260603
libtpu: 0.0.44.dev20260713+nightly
codegen_flags: <defaults>
</compile_context>

<pallas_src>
import functools

import jax
import jax.numpy as jnp
from jax import lax
from jax.experimental import pallas as pl
from jax.experimental.pallas import tpu as pltpu

_H = 12


def _mem_body(x_ref, wt_ref, b_ref, pwt_ref, pb_ref, mem_ref, k_ref, v_ref,
              *, hd, scale, fpp, hw, hwp):
    C = x_ref.shape[-1]
    rows = fpp * hwp
    xf = x_ref[...]
    qkv = jnp.dot(xf, wt_ref[...], preferred_element_type=jnp.float32) + b_ref[0]
    kb = qkv[:, C:2 * C].astype(jnp.bfloat16)
    vb = qkv[:, 2 * C:].astype(jnp.bfloat16)
    r = lax.broadcasted_iota(jnp.int32, (rows, 1), 0)
    valid = (r - (r // hwp) * hwp) < hw
    vb = vb * valid.astype(jnp.bfloat16)
    ones_col = jnp.broadcast_to(valid.astype(jnp.bfloat16), (rows, hd))
    mem_parts, k_parts, v_parts = [], [], []
    for f in range(fpp):
        base = f * hwp
        outs = []
        for h in range(_H):
            q = (qkv[base:base + hwp, h * hd:(h + 1) * hd] * scale).astype(jnp.bfloat16)
            k = kb[base:base + hwp, h * hd:(h + 1) * hd]
            vx = jnp.concatenate([vb[base:base + hwp, h * hd:(h + 1) * hd],
                                  ones_col[base:base + hwp]], axis=1)
            logits = lax.dot_general(q, k, (((1,), (1,)), ((), ())),
                                     preferred_element_type=jnp.float32)
            p = jnp.exp(logits).astype(jnp.bfloat16)
            o_ext = jnp.dot(p, vx, preferred_element_type=jnp.float32)
            outs.append((o_ext[:, :hd] / o_ext[:, hd:hd + 1]).astype(jnp.bfloat16))
        o = jnp.concatenate(outs, axis=-1)
        y = (jnp.dot(o, pwt_ref[...], preferred_element_type=jnp.float32)
             + pb_ref[0]).astype(jnp.bfloat16)
        mem_parts.append(y[:hw])
        k_parts.append(kb[base:base + hw])
        v_parts.append(vb[base:base + hw])
    mem_ref[...] = jnp.concatenate(mem_parts, axis=0)
    k_ref[...] = jnp.concatenate(k_parts, axis=0)
    v_ref[...] = jnp.concatenate(v_parts, axis=0)


def _cq_body(bu_ref, x_ref, xcls_ref, wt_ref, b_ref, pwt_ref, pb_ref,
             km_ref, vm_ref, mem_ref, out_ref, *, hd, scale):
    C = x_ref.shape[-1]
    Mq = x_ref.shape[1]
    xf = x_ref[0]
    qkv = jnp.dot(xf, wt_ref[...], preferred_element_type=jnp.float32) + b_ref[0]
    kb = qkv[:, C:2 * C].astype(jnp.bfloat16)
    vb = qkv[:, 2 * C:].astype(jnp.bfloat16)
    km = km_ref[0]
    vm = vm_ref[0]
    i = lax.broadcasted_iota(jnp.int32, (Mq, Mq), 0)
    j = lax.broadcasted_iota(jnp.int32, (Mq, Mq), 1)
    allowed = (j == 0) == (i == 0)
    ones_c = jnp.ones((Mq, hd), jnp.bfloat16)
    ones_m = jnp.ones((km.shape[0], hd), jnp.bfloat16)
    outs = []
    for h in range(_H):
        q = (qkv[:, h * hd:(h + 1) * hd] * scale).astype(jnp.bfloat16)
        kc = kb[:, h * hd:(h + 1) * hd]
        vcx = jnp.concatenate([vb[:, h * hd:(h + 1) * hd], ones_c], axis=1)
        kmh = km[:, h * hd:(h + 1) * hd]
        vmx = jnp.concatenate([vm[:, h * hd:(h + 1) * hd], ones_m], axis=1)
        ll = lax.dot_general(q, kc, (((1,), (1,)), ((), ())),
                             preferred_element_type=jnp.float32)
        ll = jnp.where(allowed, ll, -1e30)
        lm = lax.dot_general(q, kmh, (((1,), (1,)), ((), ())),
                             preferred_element_type=jnp.float32)
        pc = jnp.exp(ll).astype(jnp.bfloat16)
        pm = jnp.exp(lm).astype(jnp.bfloat16)
        o_ext = (jnp.dot(pc, vcx, preferred_element_type=jnp.float32)
                 + jnp.dot(pm, vmx, preferred_element_type=jnp.float32))
        outs.append((o_ext[:, :hd] / o_ext[:, hd:hd + 1]).astype(jnp.bfloat16))
    o = jnp.concatenate(outs, axis=-1)
    y = jnp.dot(o, pwt_ref[...], preferred_element_type=jnp.float32) + pb_ref[0]
    out_ref[0, :Mq] = y
    cls_row = jnp.where(bu_ref[0] != 0, y[:1], xcls_ref[0])
    out_ref[0, :1] = cls_row
    out_ref[0, Mq:] = mem_ref[0].astype(jnp.float32)


def kernel(x, qkv_w, qkv_b, proj_w, proj_b, hw, T, backbone_update):
    Bz, Nn, C = x.shape
    HW_s = 196
    T_s = (Nn - 1 - HW_s) // HW_s
    hd = C // _H
    scale = hd ** -0.5
    BT = Bz * T_s
    Mq = 1 + HW_s

    qkv_wt = qkv_w.T.astype(jnp.bfloat16)
    proj_wt = proj_w.T.astype(jnp.bfloat16)
    qkv_b2 = qkv_b.reshape(1, 3 * C)
    proj_b2 = proj_b.reshape(1, C)
    HWp = 200
    xb = x.astype(jnp.bfloat16)
    x_cq = xb[:, :Mq, :]
    x_cls = x[:, :1, :]
    x_mem = jnp.pad(
        x[:, Mq:, :].reshape(Bz, T_s, HW_s, C),
        ((0, 0), (0, 0), (0, HWp - HW_s), (0, 0)),
    ).astype(jnp.bfloat16).reshape(BT * HWp, C)
    bu = jnp.asarray(backbone_update, jnp.int32).reshape(1)

    FPP = 4
    mem_out, k_mem, v_mem = pl.pallas_call(
        functools.partial(_mem_body, hd=hd, scale=scale, fpp=FPP,
                          hw=HW_s, hwp=HWp),
        grid=(BT // FPP,),
        in_specs=[
            pl.BlockSpec((FPP * HWp, C), lambda i: (i, 0)),
            pl.BlockSpec((C, 3 * C), lambda i: (0, 0)),
            pl.BlockSpec((1, 3 * C), lambda i: (0, 0)),
            pl.BlockSpec((C, C), lambda i: (0, 0)),
            pl.BlockSpec((1, C), lambda i: (0, 0)),
        ],
        out_specs=[
            pl.BlockSpec((FPP * HW_s, C), lambda i: (i, 0)),
            pl.BlockSpec((FPP * HW_s, C), lambda i: (i, 0)),
            pl.BlockSpec((FPP * HW_s, C), lambda i: (i, 0)),
        ],
        out_shape=[jax.ShapeDtypeStruct((BT * HW_s, C), jnp.bfloat16)] * 3,
        compiler_params=pltpu.CompilerParams(dimension_semantics=("parallel",)),
    )(x_mem, qkv_wt, qkv_b2, proj_wt, proj_b2)

    km = k_mem.reshape(Bz, T_s * HW_s, C)
    vm = v_mem.reshape(Bz, T_s * HW_s, C)
    mem3 = mem_out.reshape(Bz, T_s * HW_s, C)

    out = pl.pallas_call(
        functools.partial(_cq_body, hd=hd, scale=scale),
        grid=(Bz,),
        in_specs=[
            pl.BlockSpec(memory_space=pltpu.SMEM),
            pl.BlockSpec((1, Mq, C), lambda b: (b, 0, 0)),
            pl.BlockSpec((1, 1, C), lambda b: (b, 0, 0)),
            pl.BlockSpec((C, 3 * C), lambda b: (0, 0)),
            pl.BlockSpec((1, 3 * C), lambda b: (0, 0)),
            pl.BlockSpec((C, C), lambda b: (0, 0)),
            pl.BlockSpec((1, C), lambda b: (0, 0)),
            pl.BlockSpec((1, T_s * HW_s, C), lambda b: (b, 0, 0)),
            pl.BlockSpec((1, T_s * HW_s, C), lambda b: (b, 0, 0)),
            pl.BlockSpec((1, T_s * HW_s, C), lambda b: (b, 0, 0)),
        ],
        out_specs=pl.BlockSpec((1, Nn, C), lambda b: (b, 0, 0)),
        out_shape=jax.ShapeDtypeStruct((Bz, Nn, C), jnp.float32),
        compiler_params=pltpu.CompilerParams(
            dimension_semantics=("parallel",),
            vmem_limit_bytes=100 * 1024 * 1024),
    )(bu, x_cq, x_cls, qkv_wt, qkv_b2, proj_wt, proj_b2, km, vm, mem3)

    return out

# --- scband reference (transcript-rebuilt; emitter-appended) ---
"""Pipeline reference for scband-attention-89335319756981 (READ-ONLY COPY).

The authoritative reference and input builder live on the scoring server;
editing this copy changes nothing except your own understanding.
"""

import jax, jax.numpy as jnp
import numpy as np

B, HW, TT, C, H = 8, 196, 16, 768, 12
N = 1 + HW + TT * HW


def setup_inputs(seed: int = 0) -> dict:
    key = jax.random.key(seed)
    k0, k1, k2 = jax.random.split(key, 3)
    x = jax.random.normal(k0, (B, N, C), dtype=jnp.float32)
    qkv_w = jax.random.normal(k1, (3 * C, C), dtype=jnp.float32) * 0.02
    qkv_b = jnp.zeros((3 * C,), dtype=jnp.float32)
    proj_w = jax.random.normal(k2, (C, C), dtype=jnp.float32) * 0.02
    proj_b = jnp.zeros((C,), dtype=jnp.float32)
    return {"x": x, "qkv_w": qkv_w, "qkv_b": qkv_b, "proj_w": proj_w, "proj_b": proj_b, "hw": HW, "T": TT, "backbone_update": 1}


def reference(x, qkv_w, qkv_b, proj_w, proj_b, hw, T, backbone_update):
    Bz, Nn, Cc = x.shape
    hd = Cc // H
    hw_s = HW
    T_s = TT
    scale = hd ** (-0.5) + 0.0 * (hw + T)
    qkv = x @ qkv_w.T + qkv_b
    qkv = qkv.reshape(Bz, Nn, 3, H, hd).transpose(2, 0, 3, 1, 4)
    q, k, v = qkv[0], qkv[1], qkv[2]
    cls_q, query_q, mem_q = q[:, :, :1], q[:, :, 1:1 + hw_s], q[:, :, 1 + hw_s:]
    cls_k, query_k, mem_k = k[:, :, :1], k[:, :, 1:1 + hw_s], k[:, :, 1 + hw_s:]
    cls_v, query_v, mem_v = v[:, :, :1], v[:, :, 1:1 + hw_s], v[:, :, 1 + hw_s:]
    # per-frame memory self-attention: b h (t n) c -> (b t) h n c
    mqf = mem_q.reshape(Bz, H, T_s, hw_s, hd).transpose(0, 2, 1, 3, 4).reshape(Bz * T_s, H, hw_s, hd)
    mkf = mem_k.reshape(Bz, H, T_s, hw_s, hd).transpose(0, 2, 1, 3, 4).reshape(Bz * T_s, H, hw_s, hd)
    mvf = mem_v.reshape(Bz, H, T_s, hw_s, hd).transpose(0, 2, 1, 3, 4).reshape(Bz * T_s, H, hw_s, hd)
    mem_attn = jax.nn.softmax(mqf @ mkf.transpose(0, 1, 3, 2) * scale, axis=-1)
    memory = (mem_attn @ mvf).transpose(0, 2, 1, 3).reshape(Bz * T_s, hw_s, Cc)
    memory = memory @ proj_w.T + proj_b
    memory = memory.reshape(Bz, T_s * hw_s, Cc)
    # query attends to [query, memory]
    qm_k = jnp.concatenate([query_k, mem_k], axis=2)
    qm_v = jnp.concatenate([query_v, mem_v], axis=2)
    q_attn = jax.nn.softmax(query_q @ qm_k.transpose(0, 1, 3, 2) * scale, axis=-1)
    query = (q_attn @ qm_v).transpose(0, 2, 1, 3).reshape(Bz, hw_s, Cc)
    query = query @ proj_w.T + proj_b
    cm_k = jnp.concatenate([cls_k, mem_k], axis=2)
    cm_v = jnp.concatenate([cls_v, mem_v], axis=2)
    c_attn = jax.nn.softmax(cls_q @ cm_k.transpose(0, 1, 3, 2) * scale, axis=-1)
    cls_token_attn = (c_attn @ cm_v).transpose(0, 2, 1, 3).reshape(Bz, 1, Cc)
    cls_token_attn = cls_token_attn @ proj_w.T + proj_b
    cls_token = jnp.where(backbone_update != 0, cls_token_attn, x[:, :1, :])
    return jnp.concatenate([cls_token, query, memory], axis=1)

if __name__ == "__main__":
    import jax
    _d = setup_inputs()
    print(jax.jit(kernel)(*tuple(_d.values())))

</pallas_src>

<mosaic_0001>
module attributes {stable_mosaic.version = 14 : i64} {
  func.func @_cq_body(%arg0: i32, %arg1: memref<1xi32, #tpu.memory_space<smem>>, %arg2: memref<1x197x768xbf16, #tpu.memory_space<vmem>>, %arg3: memref<1x1x768xf32, #tpu.memory_space<vmem>>, %arg4: memref<768x2304xbf16, #tpu.memory_space<vmem>>, %arg5: memref<1x2304xf32, #tpu.memory_space<vmem>>, %arg6: memref<768x768xbf16, #tpu.memory_space<vmem>>, %arg7: memref<1x768xf32, #tpu.memory_space<vmem>>, %arg8: memref<1x3136x768xbf16, #tpu.memory_space<vmem>>, %arg9: memref<1x3136x768xbf16, #tpu.memory_space<vmem>>, %arg10: memref<1x3136x768xbf16, #tpu.memory_space<vmem>>, %arg11: memref<1x3333x768xf32, #tpu.memory_space<vmem>>) attributes {dimension_semantics = [#tpu.dimension_semantics<parallel>], iteration_bounds = array<i64: 8>, scalar_prefetch = 0 : i64, scratch_operands = 0 : i64, tpu.core_type = #tpu.core_type<tc>, window_params = [{transform_indices = @transform_0, window_bounds = array<i64: 1>}, {transform_indices = @transform_1, window_bounds = array<i64: 1, 197, 768>}, {transform_indices = @transform_2, window_bounds = array<i64: 1, 1, 768>}, {pipeline_mode = #tpu.pipeline_mode<synchronous>, transform_indices = @transform_3, window_bounds = array<i64: 768, 2304>}, {pipeline_mode = #tpu.pipeline_mode<synchronous>, transform_indices = @transform_4, window_bounds = array<i64: 1, 2304>}, {pipeline_mode = #tpu.pipeline_mode<synchronous>, transform_indices = @transform_5, window_bounds = array<i64: 768, 768>}, {pipeline_mode = #tpu.pipeline_mode<synchronous>, transform_indices = @transform_6, window_bounds = array<i64: 1, 768>}, {transform_indices = @transform_7, window_bounds = array<i64: 1, 3136, 768>}, {transform_indices = @transform_8, window_bounds = array<i64: 1, 3136, 768>}, {transform_indices = @transform_9, window_bounds = array<i64: 1, 3136, 768>}, {transform_indices = @transform_10, window_bounds = array<i64: 1, 3333, 768>}]} {
    %get3A = arith.constant 0 : index
    %get3A_0 = arith.constant 0 : index
    %get3A_1 = arith.constant 0 : index
    %get3A_2 = vector.load %arg2[%get3A, %get3A_0, %get3A_1] : memref<1x197x768xbf16, #tpu.memory_space<vmem>>, vector<1x197x768xbf16>
    %get3A_3 = vector.shape_cast %get3A_2 : vector<1x197x768xbf16> to vector<197x768xbf16>
    %get3A_4 = arith.constant 0 : index
    %get3A_5 = arith.constant 0 : index
    %get3A_6 = vector.load %arg4[%get3A_4, %get3A_5] : memref<768x2304xbf16, #tpu.memory_space<vmem>>, vector<768x2304xbf16>
    %dot_general3A = arith.constant dense<0.000000e+00> : vector<197x2304xf32>
    %dot_general3A_7 = tpu.matmul %get3A_3, %get3A_6, %dot_general3A {dimension_numbers = #tpu.dot_dimension_numbers<[1], [0], [0], [1], [0, 0, 1, 1], [], []>, transpose_lhs_hint = false} : vector<197x768xbf16>, vector<768x2304xbf16>, vector<197x2304xf32> -> vector<197x2304xf32>
    %get3A_8 = arith.constant 0 : index
    %get3A_9 = arith.constant 0 : index
    %get3A_10 = vector.load %arg5[%get3A_8, %get3A_9] : memref<1x2304xf32, #tpu.memory_space<vmem>>, vector<1x2304xf32>
    %get3A_11 = vector.shape_cast %get3A_10 : vector<1x2304xf32> to vector<2304xf32>
    %broadcast_in_dim3A = vector.shape_cast %get3A_11 : vector<2304xf32> to vector<1x2304xf32>
    %add3A = vector.broadcast %broadcast_in_dim3A : vector<1x2304xf32> to vector<197x2304xf32>
    %add3A_12 = arith.addf %dot_general3A_7, %add3A : vector<197x2304xf32>
    %slice3A = vector.extract_strided_slice %add3A_12 {offsets = [0, 768], sizes = [197, 768], strides = [1, 1]} : vector<197x2304xf32> to vector<197x768xf32>
    %convert_element_type3A = arith.truncf %slice3A : vector<197x768xf32> to vector<197x768xbf16>
    %slice3A_13 = vector.extract_strided_slice %add3A_12 {offsets = [0, 1536], sizes = [197, 768], strides = [1, 1]} : vector<197x2304xf32> to vector<197x768xf32>
    %convert_element_type3A_14 = arith.truncf %slice3A_13 : vector<197x768xf32> to vector<197x768xbf16>
    %get3A_15 = arith.constant 0 : index
    %get3A_16 = arith.constant 0 : index
    %get3A_17 = arith.constant 0 : index
    %get3A_18 = vector.load %arg8[%get3A_15, %get3A_16, %get3A_17] : memref<1x3136x768xbf16, #tpu.memory_space<vmem>>, vector<1x3136x768xbf16>
    %get3A_19 = vector.shape_cast %get3A_18 : vector<1x3136x768xbf16> to vector<3136x768xbf16>
    %get3A_20 = arith.constant 0 : index
    %get3A_21 = arith.constant 0 : index
    %get3A_22 = arith.constant 0 : index
    %get3A_23 = vector.load %arg9[%get3A_20, %get3A_21, %get3A_22] : memref<1x3136x768xbf16, #tpu.memory_space<vmem>>, vector<1x3136x768xbf16>
    %get3A_24 = vector.shape_cast %get3A_23 : vector<1x3136x768xbf16> to vector<3136x768xbf16>
    %iota3A = tpu.iota {dimensions = array<i32: 0>} : vector<197x197xi32>
    %iota3A_25 = tpu.iota {dimensions = array<i32: 1>} : vector<197x197xi32>
    %eq3A = arith.constant 0 : i32
    %eq3A_26 = vector.broadcast %eq3A : i32 to vector<197x197xi32>
    %eq3A_27 = arith.cmpi eq, %iota3A_25, %eq3A_26 : vector<197x197xi32>
    %eq3A_28 = arith.constant 0 : i32
    %eq3A_29 = vector.broadcast %eq3A_28 : i32 to vector<197x197xi32>
    %eq3A_30 = arith.cmpi eq, %iota3A, %eq3A_29 : vector<197x197xi32>
    %eq3A_31 = arith.xori %eq3A_27, %eq3A_30 : vector<197x197xi1>
    %eq3A_32 = arith.constant dense<true> : vector<197x197xi1>
    %eq3A_33 = arith.xori %eq3A_31, %eq3A_32 : vector<197x197xi1>
    %broadcast_in_dim3A_34 = arith.constant 1.000000e+00 : bf16
    %broadcast_in_dim3A_35 = vector.broadcast %broadcast_in_dim3A_34 : bf16 to vector<197x64xbf16>
    %broadcast_in_dim3A_36 = arith.constant 1.000000e+00 : bf16
    %broadcast_in_dim3A_37 = vector.broadcast %broadcast_in_dim3A_36 : bf16 to vector<3136x64xbf16>
    %slice3A_38 = vector.extract_strided_slice %add3A_12 {offsets = [0, 0], sizes = [197, 64], strides = [1, 1]} : vector<197x2304xf32> to vector<197x64xf32>
    %mul3A = arith.constant 1.250000e-01 : f32
    %mul3A_39 = vector.broadcast %mul3A : f32 to vector<197x64xf32>
    %mul3A_40 = arith.mulf %slice3A_38, %mul3A_39 : vector<197x64xf32>
    %convert_element_type3A_41 = arith.truncf %mul3A_40 : vector<197x64xf32> to vector<197x64xbf16>
    %slice3A_42 = vector.extract_strided_slice %convert_element_type3A {offsets = [0, 0], sizes = [197, 64], strides = [1, 1]} : vector<197x768xbf16> to vector<197x64xbf16>
    %slice3A_43 = vector.extract_strided_slice %convert_element_type3A_14 {offsets = [0, 0], sizes = [197, 64], strides = [1, 1]} : vector<197x768xbf16> to vector<197x64xbf16>
    %concatenate3A = tpu.concatenate %slice3A_43, %broadcast_in_dim3A_35 in 1 : vector<197x64xbf16>, vector<197x64xbf16> -> vector<197x128xbf16>
    %slice3A_44 = vector.extract_strided_slice %get3A_19 {offsets = [0, 0], sizes = [3136, 64], strides = [1, 1]} : vector<3136x768xbf16> to vector<3136x64xbf16>
    %slice3A_45 = vector.extract_strided_slice %get3A_24 {offsets = [0, 0], sizes = [3136, 64], strides = [1, 1]} : vector<3136x768xbf16> to vector<3136x64xbf16>
    %concatenate3A_46 = tpu.concatenate %slice3A_45, %broadcast_in_dim3A_37 in 1 : vector<3136x64xbf16>, vector<3136x64xbf16> -> vector<3136x128xbf16>
    %dot_general3A_47 = arith.constant dense<0.000000e+00> : vector<197x197xf32>
    %dot_general3A_48 = tpu.matmul %convert_element_type3A_41, %slice3A_42, %dot_general3A_47 {dimension_numbers = #tpu.dot_dimension_numbers<[1], [1], [0], [0], [0, 0, 1, 0], [], []>, transpose_lhs_hint = false} : vector<197x64xbf16>, vector<197x64xbf16>, vector<197x197xf32> -> vector<197x197xf32>
    %jit3A = arith.constant -1.000000e+30 : f32
    %broadcast_in_dim3A_49 = vector.broadcast %jit3A : f32 to vector<197x197xf32>
    %select_n3A = arith.select %eq3A_33, %dot_general3A_48, %broadcast_in_dim3A_49 : vector<197x197xi1>, vector<197x197xf32>
    %dot_general3A_50 = arith.constant dense<0.000000e+00> : vector<197x3136xf32>
    %dot_general3A_51 = tpu.matmul %convert_element_type3A_41, %slice3A_44, %dot_general3A_50 {dimension_numbers = #tpu.dot_dimension_numbers<[1], [1], [0], [0], [0, 0, 1, 0], [], []>, transpose_lhs_hint = false} : vector<197x64xbf16>, vector<3136x64xbf16>, vector<197x3136xf32> -> vector<197x3136xf32>
    %exp3A = math.exp %select_n3A : vector<197x197xf32>
    %convert_element_type3A_52 = arith.truncf %exp3A : vector<197x197xf32> to vector<197x197xbf16>
    %exp3A_53 = math.exp %dot_general3A_51 : vector<197x3136xf32>
    %convert_element_type3A_54 = arith.truncf %exp3A_53 : vector<197x3136xf32> to vector<197x3136xbf16>
    %dot_general3A_55 = arith.constant dense<0.000000e+00> : vector<197x128xf32>
    %dot_general3A_56 = tpu.matmul %convert_element_type3A_52, %concatenate3A, %dot_general3A_55 {dimension_numbers = #tpu.dot_dimension_numbers<[1], [0], [0], [1], [0, 0, 1, 1], [], []>, transpose_lhs_hint = false} : vector<197x197xbf16>, vector<197x128xbf16>, vector<197x128xf32> -> vector<197x128xf32>
    %dot_general3A_57 = arith.constant dense<0.000000e+00> : vector<197x128xf32>
    %dot_general3A_58 = tpu.matmul %convert_element_type3A_54, %concatenate3A_46, %dot_general3A_57 {dimension_numbers = #tpu.dot_dimension_numbers<[1], [0], [0], [1], [0, 0, 1, 1], [], []>, transpose_lhs_hint = false} : vector<197x3136xbf16>, vector<3136x128xbf16>, vector<197x128xf32> -> vector<197x128xf32>
    %add3A_59 = arith.addf %dot_general3A_56, %dot_general3A_58 : vector<197x128xf32>
    %slice3A_60 = vector.extract_strided_slice %add3A_59 {offsets = [0, 0], sizes = [197, 64], strides = [1, 1]} : vector<197x128xf32> to vector<197x64xf32>
    %slice3A_61 = vector.extract_strided_slice %add3A_59 {offsets = [0, 64], sizes = [197, 1], strides = [1, 1]} : vector<197x128xf32> to vector<197x1xf32>
    %div3A = vector.broadcast %slice3A_61 : vector<197x1xf32> to vector<197x64xf32>
    %div3A_62 = arith.divf %slice3A_60, %div3A : vector<197x64xf32>
    %convert_element_type3A_63 = arith.truncf %div3A_62 : vector<197x64xf32> to vector<197x64xbf16>
    %slice3A_64 = vector.extract_strided_slice %add3A_12 {offsets = [0, 64], sizes = [197, 64], strides = [1, 1]} : vector<197x2304xf32> to vector<197x64xf32>
    %mul3A_65 = arith.constant 1.250000e-01 : f32
    %mul3A_66 = vector.broadcast %mul3A_65 : f32 to vector<197x64xf32>
    %mul3A_67 = arith.mulf %slice3A_64, %mul3A_66 : vector<197x64xf32>
    %convert_element_type3A_68 = arith.truncf %mul3A_67 : vector<197x64xf32> to vector<197x64xbf16>
    %slice3A_69 = vector.extract_strided_slice %convert_element_type3A {offsets = [0, 64], sizes = [197, 64], strides = [1, 1]} : vector<197x768xbf16> to vector<197x64xbf16>
    %slice3A_70 = vector.extract_strided_slice %convert_element_type3A_14 {offsets = [0, 64], sizes = [197, 64], strides = [1, 1]} : vector<197x768xbf16> to vector<197x64xbf16>
    %concatenate3A_71 = tpu.concatenate %slice3A_70, %broadcast_in_dim3A_35 in 1 : vector<197x64xbf16>, vector<197x64xbf16> -> vector<197x128xbf16>
    %slice3A_72 = vector.extract_strided_slice %get3A_19 {offsets = [0, 64], sizes = [3136, 64], strides = [1, 1]} : vector<3136x768xbf16> to vector<3136x64xbf16>
    %slice3A_73 = vector.extract_strided_slice %get3A_24 {offsets = [0, 64], sizes = [3136, 64], strides = [1, 1]} : vector<3136x768xbf16> to vector<3136x64xbf16>
    %concatenate3A_74 = tpu.concatenate %slice3A_73, %broadcast_in_dim3A_37 in 1 : vector<3136x64xbf16>, vector<3136x64xbf16> -> vector<3136x128xbf16>
    %dot_general3A_75 = arith.constant dense<0.000000e+00> : vector<197x197xf32>
    %dot_general3A_76 = tpu.matmul %convert_element_type3A_68, %slice3A_69, %dot_general3A_75 {dimension_numbers = #tpu.dot_dimension_numbers<[1], [1], [0], [0], [0, 0, 1, 0], [], []>, transpose_lhs_hint = false} : vector<197x64xbf16>, vector<197x64xbf16>, vector<197x197xf32> -> vector<197x197xf32>
    %jit3A_77 = arith.constant -1.000000e+30 : f32
    %broadcast_in_dim3A_78 = vector.broadcast %jit3A_77 : f32 to vector<197x197xf32>
    %select_n3A_79 = arith.select %eq3A_33, %dot_general3A_76, %broadcast_in_dim3A_78 : vector<197x197xi1>, vector<197x197xf32>
    %dot_general3A_80 = arith.constant dense<0.000000e+00> : vector<197x3136xf32>
    %dot_general3A_81 = tpu.matmul %convert_element_type3A_68, %slice3A_72, %dot_general3A_80 {dimension_numbers = #tpu.dot_dimension_numbers<[1], [1], [0], [0], [0, 0, 1, 0], [], []>, transpose_lhs_hint = false} : vector<197x64xbf16>, vector<3136x64xbf16>, vector<197x3136xf32> -> vector<197x3136xf32>
    %exp3A_82 = math.exp %select_n3A_79 : vector<197x197xf32>
    %convert_element_type3A_83 = arith.truncf %exp3A_82 : vector<197x197xf32> to vector<197x197xbf16>
    %exp3A_84 = math.exp %dot_general3A_81 : vector<197x3136xf32>
    %convert_element_type3A_85 = arith.truncf %exp3A_84 : vector<197x3136xf32> to vector<197x3136xbf16>
    %dot_general3A_86 = arith.constant dense<0.000000e+00> : vector<197x128xf32>
    %dot_general3A_87 = tpu.matmul %convert_element_type3A_83, %concatenate3A_71, %dot_general3A_86 {dimension_numbers = #tpu.dot_dimension_numbers<[1], [0], [0], [1], [0, 0, 1, 1], [], []>, transpose_lhs_hint = false} : vector<197x197xbf16>, vector<197x128xbf16>, vector<197x128xf32> -> vector<197x128xf32>
    %dot_general3A_88 = arith.constant dense<0.000000e+00> : vector<197x128xf32>
    %dot_general3A_89 = tpu.matmul %convert_element_type3A_85, %concatenate3A_74, %dot_general3A_88 {dimension_numbers = #tpu.dot_dimension_numbers<[1], [0], [0], [1], [0, 0, 1, 1], [], []>, transpose_lhs_hint = false} : vector<197x3136xbf16>, vector<3136x128xbf16>, vector<197x128xf32> -> vector<197x128xf32>
    %add3A_90 = arith.addf %dot_general3A_87, %dot_general3A_89 : vector<197x128xf32>
    %slice3A_91 = vector.extract_strided_slice %add3A_90 {offsets = [0, 0], sizes = [197, 64], strides = [1, 1]} : vector<197x128xf32> to vector<197x64xf32>
    %slice3A_92 = vector.extract_strided_slice %add3A_90 {offsets = [0, 64], sizes = [197, 1], strides = [1, 1]} : vector<197x128xf32> to vector<197x1xf32>
    %div3A_93 = vector.broadcast %slice3A_92 : vector<197x1xf32> to vector<197x64xf32>
    %div3A_94 = arith.divf %slice3A_91, %div3A_93 : vector<197x64xf32>
    %convert_element_type3A_95 = arith.truncf %div3A_94 : vector<197x64xf32> to vector<197x64xbf16>
    %slice3A_96 = vector.extract_strided_slice %add3A_12 {offsets = [0, 128], sizes = [197, 64], strides = [1, 1]} : vector<197x2304xf32> to vector<197x64xf32>
    %mul3A_97 = arith.constant 1.250000e-01 : f32
    %mul3A_98 = vector.broadcast %mul3A_97 : f32 to vector<197x64xf32>
    %mul3A_99 = arith.mulf %slice3A_96, %mul3A_98 : vector<197x64xf32>
    %convert_element_type3A_100 = arith.truncf %mul3A_99 : vector<197x64xf32> to vector<197x64xbf16>
    %slice3A_101 = vector.extract_strided_slice %convert_element_type3A {offsets = [0, 128], sizes = [197, 64], strides = [1, 1]} : vector<197x768xbf16> to vector<197x64xbf16>
    %slice3A_102 = vector.extract_strided_slice %convert_element_type3A_14 {offsets = [0, 128], sizes = [197, 64], strides = [1, 1]} : vector<197x768xbf16> to vector<197x64xbf16>
    %concatenate3A_103 = tpu.concatenate %slice3A_102, %broadcast_in_dim3A_35 in 1 : vector<197x64xbf16>, vector<197x64xbf16> -> vector<197x128xbf16>
    %slice3A_104 = vector.extract_strided_slice %get3A_19 {offsets = [0, 128], sizes = [3136, 64], strides = [1, 1]} : vector<3136x768xbf16> to vector<3136x64xbf16>
    %slice3A_105 = vector.extract_strided_slice %get3A_24 {offsets = [0, 128], sizes = [3136, 64], strides = [1, 1]} : vector<3136x768xbf16> to vector<3136x64xbf16>
    %concatenate3A_106 = tpu.concatenate %slice3A_105, %broadcast_in_dim3A_37 in 1 : vector<3136x64xbf16>, vector<3136x64xbf16> -> vector<3136x128xbf16>
    %dot_general3A_107 = arith.constant dense<0.000000e+00> : vector<197x197xf32>
    %dot_general3A_108 = tpu.matmul %convert_element_type3A_100, %slice3A_101, %dot_general3A_107 {dimension_numbers = #tpu.dot_dimension_numbers<[1], [1], [0], [0], [0, 0, 1, 0], [], []>, transpose_lhs_hint = false} : vector<197x64xbf16>, vector<197x64xbf16>, vector<197x197xf32> -> vector<197x197xf32>
    %jit3A_109 = arith.constant -1.000000e+30 : f32
    %broadcast_in_dim3A_110 = vector.broadcast %jit3A_109 : f32 to vector<197x197xf32>
    %select_n3A_111 = arith.select %eq3A_33, %dot_general3A_108, %broadcast_in_dim3A_110 : vector<197x197xi1>, vector<197x197xf32>
    %dot_general3A_112 = arith.constant dense<0.000000e+00> : vector<197x3136xf32>
    %dot_general3A_113 = tpu.matmul %convert_element_type3A_100, %slice3A_104, %dot_general3A_112 {dimension_numbers = #tpu.dot_dimension_numbers<[1], [1], [0], [0], [0, 0, 1, 0], [], []>, transpose_lhs_hint = false} : vector<197x64xbf16>, vector<3136x64xbf16>, vector<197x3136xf32> -> vector<197x3136xf32>
    %exp3A_114 = math.exp %select_n3A_111 : vector<197x197xf32>
    %convert_element_type3A_115 = arith.truncf %exp3A_114 : vector<197x197xf32> to vector<197x197xbf16>
    %exp3A_116 = math.exp %dot_general3A_113 : vector<197x3136xf32>
    %convert_element_type3A_117 = arith.truncf %exp3A_116 : vector<197x3136xf32> to vector<197x3136xbf16>
    %dot_general3A_118 = arith.constant dense<0.000000e+00> : vector<197x128xf32>
    %dot_general3A_119 = tpu.matmul %convert_element_type3A_115, %concatenate3A_103, %dot_general3A_118 {dimension_numbers = #tpu.dot_dimension_numbers<[1], [0], [0], [1], [0, 0, 1, 1], [], []>, transpose_lhs_hint = false} : vector<197x197xbf16>, vector<197x128xbf16>, vector<197x128xf32> -> vector<197x128xf32>
    %dot_general3A_120 = arith.constant dense<0.000000e+00> : vector<197x128xf32>
    %dot_general3A_121 = tpu.matmul %convert_element_type3A_117, %concatenate3A_106, %dot_general3A_120 {dimension_numbers = #tpu.dot_dimension_numbers<[1], [0], [0], [1], [0, 0, 1, 1], [], []>, transpose_lhs_hint = false} : vector<197x3136xbf16>, vector<3136x128xbf16>, vector<197x128xf32> -> vector<197x128xf32>
    %add3A_122 = arith.addf %dot_general3A_119, %dot_general3A_121 : vector<197x128xf32>
    %slice3A_123 = vector.extract_strided_slice %add3A_122 {offsets = [0, 0], sizes = [197, 64], strides = [1, 1]} : vector<197x128xf32> to vector<197x64xf32>
    %slice3A_124 = vector.extract_strided_slice %add3A_122 {offsets = [0, 64], sizes = [197, 1], strides = [1, 1]} : vector<197x128xf32> to vector<197x1xf32>
    %div3A_125 = vector.broadcast %slice3A_124 : vector<197x1xf32> to vector<197x64xf32>
    %div3A_126 = arith.divf %slice3A_123, %div3A_125 : vector<197x64xf32>
    %convert_element_type3A_127 = arith.truncf %div3A_126 : vector<197x64xf32> to vector<197x64xbf16>
    %slice3A_128 = vector.extract_strided_slice %add3A_12 {offsets = [0, 192], sizes = [197, 64], strides = [1, 1]} : vector<197x2304xf32> to vector<197x64xf32>
    %mul3A_129 = arith.constant 1.250000e-01 : f32
    %mul3A_130 = vector.broadcast %mul3A_129 : f32 to vector<197x64xf32>
    %mul3A_131 = arith.mulf %slice3A_128, %mul3A_130 : vector<197x64xf32>
    %convert_element_type3A_132 = arith.truncf %mul3A_131 : vector<197x64xf32> to vector<197x64xbf16>
    %slice3A_133 = vector.extract_strided_slice %convert_element_type3A {offsets = [0, 192], sizes = [197, 64], strides = [1, 1]} : vector<197x768xbf16> to vector<197x64xbf16>
    %slice3A_134 = vector.extract_strided_slice %convert_element_type3A_14 {offsets = [0, 192], sizes = [197, 64], strides = [1, 1]} : vector<197x768xbf16> to vector<197x64xbf16>
    %concatenate3A_135 = tpu.concatenate %slice3A_134, %broadcast_in_dim3A_35 in 1 : vector<197x64xbf16>, vector<197x64xbf16> -> vector<197x128xbf16>
    %slice3A_136 = vector.extract_strided_slice %get3A_19 {offsets = [0, 192], sizes = [3136, 64], strides = [1, 1]} : vector<3136x768xbf16> to vector<3136x64xbf16>
    %slice3A_137 = vector.extract_strided_slice %get3A_24 {offsets = [0, 192], sizes = [3136, 64], strides = [1, 1]} : vector<3136x768xbf16> to vector<3136x64xbf16>
    %concatenate3A_138 = tpu.concatenate %slice3A_137, %broadcast_in_dim3A_37 in 1 : vector<3136x64xbf16>, vector<3136x64xbf16> -> vector<3136x128xbf16>
    %dot_general3A_139 = arith.constant dense<0.000000e+00> : vector<197x197xf32>
    %dot_general3A_140 = tpu.matmul %convert_element_type3A_132, %slice3A_133, %dot_general3A_139 {dimension_numbers = #tpu.dot_dimension_numbers<[1], [1], [0], [0], [0, 0, 1, 0], [], []>, transpose_lhs_hint = false} : vector<197x64xbf16>, vector<197x64xbf16>, vector<197x197xf32> -> vector<197x197xf32>
    %jit3A_141 = arith.constant -1.000000e+30 : f32
    %broadcast_in_dim3A_142 = vector.broadcast %jit3A_141 : f32 to vector<197x197xf32>
    %select_n3A_143 = arith.select %eq3A_33, %dot_general3A_140, %broadcast_in_dim3A_142 : vector<197x197xi1>, vector<197x197xf32>
    %dot_general3A_144 = arith.constant dense<0.000000e+00> : vector<197x3136xf32>
    %dot_general3A_145 = tpu.matmul %convert_element_type3A_132, %slice3A_136, %dot_general3A_144 {dimension_numbers = #tpu.dot_dimension_numbers<[1], [1], [0], [0], [0, 0, 1, 0], [], []>, transpose_lhs_hint = false} : vector<197x64xbf16>, vector<3136x64xbf16>, vector<197x3136xf32> -> vector<197x3136xf32>
    %exp3A_146 = math.exp %select_n3A_143 : vector<197x197xf32>
    %convert_element_type3A_147 = arith.truncf %exp3A_146 : vector<197x197xf32> to vector<197x197xbf16>
    %exp3A_148 = math.exp %dot_general3A_145 : vector<197x3136xf32>
    %convert_element_type3A_149 = arith.truncf %exp3A_148 : vector<197x3136xf32> to vector<197x3136xbf16>
    %dot_general3A_150 = arith.constant dense<0.000000e+00> : vector<197x128xf32>
    %dot_general3A_151 = tpu.matmul %convert_element_type3A_147, %concatenate3A_135, %dot_general3A_150 {dimension_numbers = #tpu.dot_dimension_numbers<[1], [0], [0], [1], [0, 0, 1, 1], [], []>, transpose_lhs_hint = false} : vector<197x197xbf16>, vector<197x128xbf16>, vector<197x128xf32> -> vector<197x128xf32>
    %dot_general3A_152 = arith.constant dense<0.000000e+00> : vector<197x128xf32>
    %dot_general3A_153 = tpu.matmul %convert_element_type3A_149, %concatenate3A_138, %dot_general3A_152 {dimension_numbers = #tpu.dot_dimension_numbers<[1], [0], [0], [1], [0, 0, 1, 1], [], []>, transpose_lhs_hint = false} : vector<197x3136xbf16>, vector<3136x128xbf16>, vector<197x128xf32> -> vector<197x128xf32>
    %add3A_154 = arith.addf %dot_general3A_151, %dot_general3A_153 : vector<197x128xf32>
    %slice3A_155 = vector.extract_strided_slice %add3A_154 {offsets = [0, 0], sizes = [197, 64], strides = [1, 1]} : vector<197x128xf32> to vector<197x64xf32>
    %slice3A_156 = vector.extract_strided_slice %add3A_154 {offsets = [0, 64], sizes = [197, 1], strides = [1, 1]} : vector<197x128xf32> to vector<197x1xf32>
    %div3A_157 = vector.broadcast %slice3A_156 : vector<197x1xf32> to vector<197x64xf32>
    %div3A_158 = arith.divf %slice3A_155, %div3A_157 : vector<197x64xf32>
    %convert_element_type3A_159 = arith.truncf %div3A_158 : vector<197x64xf32> to vector<197x64xbf16>
    %slice3A_160 = vector.extract_strided_slice %add3A_12 {offsets = [0, 256], sizes = [197, 64], strides = [1, 1]} : vector<197x2304xf32> to vector<197x64xf32>
    %mul3A_161 = arith.constant 1.250000e-01 : f32
    %mul3A_162 = vector.broadcast %mul3A_161 : f32 to vector<197x64xf32>
    %mul3A_163 = arith.mulf %slice3A_160, %mul3A_162 : vector<197x64xf32>
    %convert_element_type3A_164 = arith.truncf %mul3A_163 : vector<197x64xf32> to vector<197x64xbf16>
    %slice3A_165 = vector.extract_strided_slice %convert_element_type3A {offsets = [0, 256], sizes = [197, 64], strides = [1, 1]} : vector<197x768xbf16> to vector<197x64xbf16>
    %slice3A_166 = vector.extract_strided_slice %convert_element_type3A_14 {offsets = [0, 256], sizes = [197, 64], strides = [1, 1]} : vector<197x768xbf16> to vector<197x64xbf16>
    %concatenate3A_167 = tpu.concatenate %slice3A_166, %broadcast_in_dim3A_35 in 1 : vector<197x64xbf16>, vector<197x64xbf16> -> vector<197x128xbf16>
    %slice3A_168 = vector.extract_strided_slice %get3A_19 {offsets = [0, 256], sizes = [3136, 64], strides = [1, 1]} : vector<3136x768xbf16> to vector<3136x64xbf16>
    %slice3A_169 = vector.extract_strided_slice %get3A_24 {offsets = [0, 256], sizes = [3136, 64], strides = [1, 1]} : vector<3136x768xbf16> to vector<3136x64xbf16>
    %concatenate3A_170 = tpu.concatenate %slice3A_169, %broadcast_in_dim3A_37 in 1 : vector<3136x64xbf16>, vector<3136x64xbf16> -> vector<3136x128xbf16>
    %dot_general3A_171 = arith.constant dense<0.000000e+00> : vector<197x197xf32>
    %dot_general3A_172 = tpu.matmul %convert_element_type3A_164, %slice3A_165, %dot_general3A_171 {dimension_numbers = #tpu.dot_dimension_numbers<[1], [1], [0], [0], [0, 0, 1, 0], [], []>, transpose_lhs_hint = false} : vector<197x64xbf16>, vector<197x64xbf16>, vector<197x197xf32> -> vector<197x197xf32>
    %jit3A_173 = arith.constant -1.000000e+30 : f32
    %broadcast_in_dim3A_174 = vector.broadcast %jit3A_173 : f32 to vector<197x197xf32>
    %select_n3A_175 = arith.select %eq3A_33, %dot_general3A_172, %broadcast_in_dim3A_174 : vector<197x197xi1>, vector<197x197xf32>
    %dot_general3A_176 = arith.constant dense<0.000000e+00> : vector<197x3136xf32>
    %dot_general3A_177 = tpu.matmul %convert_element_type3A_164, %slice3A_168, %dot_general3A_176 {dimension_numbers = #tpu.dot_dimension_numbers<[1], [1], [0], [0], [0, 0, 1, 0], [], []>, transpose_lhs_hint = false} : vector<197x64xbf16>, vector<3136x64xbf16>, vector<197x3136xf32> -> vector<197x3136xf32>
    %exp3A_178 = math.exp %select_n3A_175 : vector<197x197xf32>
    %convert_element_type3A_179 = arith.truncf %exp3A_178 : vector<197x197xf32> to vector<197x197xbf16>
    %exp3A_180 = math.exp %dot_general3A_177 : vector<197x3136xf32>
    %convert_element_type3A_181 = arith.truncf %exp3A_180 : vector<197x3136xf32> to vector<197x3136xbf16>
    %dot_general3A_182 = arith.constant dense<0.000000e+00> : vector<197x128xf32>
    %dot_general3A_183 = tpu.matmul %convert_element_type3A_179, %concatenate3A_167, %dot_general3A_182 {dimension_numbers = #tpu.dot_dimension_numbers<[1], [0], [0], [1], [0, 0, 1, 1], [], []>, transpose_lhs_hint = false} : vector<197x197xbf16>, vector<197x128xbf16>, vector<197x128xf32> -> vector<197x128xf32>
    %dot_general3A_184 = arith.constant dense<0.000000e+00> : vector<197x128xf32>
    %dot_general3A_185 = tpu.matmul %convert_element_type3A_181, %concatenate3A_170, %dot_general3A_184 {dimension_numbers = #tpu.dot_dimension_numbers<[1], [0], [0], [1], [0, 0, 1, 1], [], []>, transpose_lhs_hint = false} : vector<197x3136xbf16>, vector<3136x128xbf16>, vector<197x128xf32> -> vector<197x128xf32>
    %add3A_186 = arith.addf %dot_general3A_183, %dot_general3A_185 : vector<197x128xf32>
    %slice3A_187 = vector.extract_strided_slice %add3A_186 {offsets = [0, 0], sizes = [197, 64], strides = [1, 1]} : vector<197x128xf32> to vector<197x64xf32>
    %slice3A_188 = vector.extract_strided_slice %add3A_186 {offsets = [0, 64], sizes = [197, 1], strides = [1, 1]} : vector<197x128xf32> to vector<197x1xf32>
    %div3A_189 = vector.broadcast %slice3A_188 : vector<197x1xf32> to vector<197x64xf32>
    %div3A_190 = arith.divf %slice3A_187, %div3A_189 : vector<197x64xf32>
    %convert_element_type3A_191 = arith.truncf %div3A_190 : vector<197x64xf32> to vector<197x64xbf16>
    %slice3A_192 = vector.extract_strided_slice %add3A_12 {offsets = [0, 320], sizes = [197, 64], strides = [1, 1]} : vector<197x2304xf32> to vector<197x64xf32>
    %mul3A_193 = arith.constant 1.250000e-01 : f32
    %mul3A_194 = vector.broadcast %mul3A_193 : f32 to vector<197x64xf32>
    %mul3A_195 = arith.mulf %slice3A_192, %mul3A_194 : vector<197x64xf32>
    %convert_element_type3A_196 = arith.truncf %mul3A_195 : vector<197x64xf32> to vector<197x64xbf16>
    %slice3A_197 = vector.extract_strided_slice %convert_element_type3A {offsets = [0, 320], sizes = [197, 64], strides = [1, 1]} : vector<197x768xbf16> to vector<197x64xbf16>
    %slice3A_198 = vector.extract_strided_slice %convert_element_type3A_14 {offsets = [0, 320], sizes = [197, 64], strides = [1, 1]} : vector<197x768xbf16> to vector<197x64xbf16>
    %concatenate3A_199 = tpu.concatenate %slice3A_198, %broadcast_in_dim3A_35 in 1 : vector<197x64xbf16>, vector<197x64xbf16> -> vector<197x128xbf16>
    %slice3A_200 = vector.extract_strided_slice %get3A_19 {offsets = [0, 320], sizes = [3136, 64], strides = [1, 1]} : vector<3136x768xbf16> to vector<3136x64xbf16>
    %slice3A_201 = vector.extract_strided_slice %get3A_24 {offsets = [0, 320], sizes = [3136, 64], strides = [1, 1]} : vector<3136x768xbf16> to vector<3136x64xbf16>
    %concatenate3A_202 = tpu.concatenate %slice3A_201, %broadcast_in_dim3A_37 in 1 : vector<3136x64xbf16>, vector<3136x64xbf16> -> vector<3136x128xbf16>
    %dot_general3A_203 = arith.constant dense<0.000000e+00> : vector<197x197xf32>
    %dot_general3A_204 = tpu.matmul %convert_element_type3A_196, %slice3A_197, %dot_general3A_203 {dimension_numbers = #tpu.dot_dimension_numbers<[1], [1], [0], [0], [0, 0, 1, 0], [], []>, transpose_lhs_hint = false} : vector<197x64xbf16>, vector<197x64xbf16>, vector<197x197xf32> -> vector<197x197xf32>
    %jit3A_205 = arith.constant -1.000000e+30 : f32
    %broadcast_in_dim3A_206 = vector.broadcast %jit3A_205 : f32 to vector<197x197xf32>
    %select_n3A_207 = arith.select %eq3A_33, %dot_general3A_204, %broadcast_in_dim3A_206 : vector<197x197xi1>, vector<197x197xf32>
    %dot_general3A_208 = arith.constant dense<0.000000e+00> : vector<197x3136xf32>
    %dot_general3A_209 = tpu.matmul %convert_element_type3A_196, %slice3A_200, %dot_general3A_208 {dimension_numbers = #tpu.dot_dimension_numbers<[1], [1], [0], [0], [0, 0, 1, 0], [], []>, transpose_lhs_hint = false} : vector<197x64xbf16>, vector<3136x64xbf16>, vector<197x3136xf32> -> vector<197x3136xf32>
    %exp3A_210 = math.exp %select_n3A_207 : vector<197x197xf32>
    %convert_element_type3A_211 = arith.truncf %exp3A_210 : vector<197x197xf32> to vector<197x197xbf16>
    %exp3A_212 = math.exp %dot_general3A_209 : vector<197x3136xf32>
    %convert_element_type3A_213 = arith.truncf %exp3A_212 : vector<197x3136xf32> to vector<197x3136xbf16>
    %dot_general3A_214 = arith.constant dense<0.000000e+00> : vector<197x128xf32>
    %dot_general3A_215 = tpu.matmul %convert_element_type3A_211, %concatenate3A_199, %dot_general3A_214 {dimension_numbers = #tpu.dot_dimension_numbers<[1], [0], [0], [1], [0, 0, 1, 1], [], []>, transpose_lhs_hint = false} : vector<197x197xbf16>, vector<197x128xbf16>, vector<197x128xf32> -> vector<197x128xf32>
    %dot_general3A_216 = arith.constant dense<0.000000e+00> : vector<197x128xf32>
    %dot_general3A_217 = tpu.matmul %convert_element_type3A_213, %concatenate3A_202, %dot_general3A_216 {dimension_numbers = #tpu.dot_dimension_numbers<[1], [0], [0], [1], [0, 0, 1, 1], [], []>, transpose_lhs_hint = false} : vector<197x3136xbf16>, vector<3136x128xbf16>, vector<197x128xf32> -> vector<197x128xf32>
    %add3A_218 = arith.addf %dot_general3A_215, %dot_general3A_217 : vector<197x128xf32>
    %slice3A_219 = vector.extract_strided_slice %add3A_218 {offsets = [0, 0], sizes = [197, 64], strides = [1, 1]} : vector<197x128xf32> to vector<197x64xf32>
    %slice3A_220 = vector.extract_strided_slice %add3A_218 {offsets = [0, 64], sizes = [197, 1], strides = [1, 1]} : vector<197x128xf32> to vector<197x1xf32>
    %div3A_221 = vector.broadcast %slice3A_220 : vector<197x1xf32> to vector<197x64xf32>
    %div3A_222 = arith.divf %slice3A_219, %div3A_221 : vector<197x64xf32>
    %convert_element_type3A_223 = arith.truncf %div3A_222 : vector<197x64xf32> to vector<197x64xbf16>
    %slice3A_224 = vector.extract_strided_slice %add3A_12 {offsets = [0, 384], sizes = [197, 64], strides = [1, 1]} : vector<197x2304xf32> to vector<197x64xf32>
    %mul3A_225 = arith.constant 1.250000e-01 : f32
    %mul3A_226 = vector.broadcast %mul3A_225 : f32 to vector<197x64xf32>
    %mul3A_227 = arith.mulf %slice3A_224, %mul3A_226 : vector<197x64xf32>
    %convert_element_type3A_228 = arith.truncf %mul3A_227 : vector<197x64xf32> to vector<197x64xbf16>
    %slice3A_229 = vector.extract_strided_slice %convert_element_type3A {offsets = [0, 384], sizes = [197, 64], strides = [1, 1]} : vector<197x768xbf16> to vector<197x64xbf16>
    %slice3A_230 = vector.extract_strided_slice %convert_element_type3A_14 {offsets = [0, 384], sizes = [197, 64], strides = [1, 1]} : vector<197x768xbf16> to vector<197x64xbf16>
    %concatenate3A_231 = tpu.concatenate %slice3A_230, %broadcast_in_dim3A_35 in 1 : vector<197x64xbf16>, vector<197x64xbf16> -> vector<197x128xbf16>
    %slice3A_232 = vector.extract_strided_slice %get3A_19 {offsets = [0, 384], sizes = [3136, 64], strides = [1, 1]} : vector<3136x768xbf16> to vector<3136x64xbf16>
    %slice3A_233 = vector.extract_strided_slice %get3A_24 {offsets = [0, 384], sizes = [3136, 64], strides = [1, 1]} : vector<3136x768xbf16> to vector<3136x64xbf16>
    %concatenate3A_234 = tpu.concatenate %slice3A_233, %broadcast_in_dim3A_37 in 1 : vector<3136x64xbf16>, vector<3136x64xbf16> -> vector<3136x128xbf16>
    %dot_general3A_235 = arith.constant dense<0.000000e+00> : vector<197x197xf32>
    %dot_general3A_236 = tpu.matmul %convert_element_type3A_228, %slice3A_229, %dot_general3A_235 {dimension_numbers = #tpu.dot_dimension_numbers<[1], [1], [0], [0], [0, 0, 1, 0], [], []>, transpose_lhs_hint = false} : vector<197x64xbf16>, vector<197x64xbf16>, vector<197x197xf32> -> vector<197x197xf32>
    %jit3A_237 = arith.constant -1.000000e+30 : f32
    %broadcast_in_dim3A_238 = vector.broadcast %jit3A_237 : f32 to vector<197x197xf32>
    %select_n3A_239 = arith.select %eq3A_33, %dot_general3A_236, %broadcast_in_dim3A_238 : vector<197x197xi1>, vector<197x197xf32>
    %dot_general3A_240 = arith.constant dense<0.000000e+00> : vector<197x3136xf32>
    %dot_general3A_241 = tpu.matmul %convert_element_type3A_228, %slice3A_232, %dot_general3A_240 {dimension_numbers = #tpu.dot_dimension_numbers<[1], [1], [0], [0], [0, 0, 1, 0], [], []>, transpose_lhs_hint = false} : vector<197x64xbf16>, vector<3136x64xbf16>, vector<197x3136xf32> -> vector<197x3136xf32>
    %exp3A_242 = math.exp %select_n3A_239 : vector<197x197xf32>
    %convert_element_type3A_243 = arith.truncf %exp3A_242 : vector<197x197xf32> to vector<197x197xbf16>
    %exp3A_244 = math.exp %dot_general3A_241 : vector<197x3136xf32>
    %convert_element_type3A_245 = arith.truncf %exp3A_244 : vector<197x3136xf32> to vector<197x3136xbf16>
    %dot_general3A_246 = arith.constant dense<0.000000e+00> : vector<197x128xf32>
    %dot_general3A_247 = tpu.matmul %convert_element_type3A_243, %concatenate3A_231, %dot_general3A_246 {dimension_numbers = #tpu.dot_dimension_numbers<[1], [0], [0], [1], [0, 0, 1, 1], [], []>, transpose_lhs_hint = false} : vector<197x197xbf16>, vector<197x128xbf16>, vector<197x128xf32> -> vector<197x128xf32>
    %dot_general3A_248 = arith.constant dense<0.000000e+00> : vector<197x128xf32>
    %dot_general3A_249 = tpu.matmul %convert_element_type3A_245, %concatenate3A_234, %dot_general3A_248 {dimension_numbers = #tpu.dot_dimension_numbers<[1], [0], [0], [1], [0, 0, 1, 1], [], []>, transpose_lhs_hint = false} : vector<197x3136xbf16>, vector<3136x128xbf16>, vector<197x128xf32> -> vector<197x128xf32>
    %add3A_250 = arith.addf %dot_general3A_247, %dot_general3A_249 : vector<197x128xf32>
    %slice3A_251 = vector.extract_strided_slice %add3A_250 {offsets = [0, 0], sizes = [197, 64], strides = [1, 1]} : vector<197x128xf32> to vector<197x64xf32>
    %slice3A_252 = vector.extract_strided_slice %add3A_250 {offsets = [0, 64], sizes = [197, 1], strides = [1, 1]} : vector<197x128xf32> to vector<197x1xf32>
    %div3A_253 = vector.broadcast %slice3A_252 : vector<197x1xf32> to vector<197x64xf32>
    %div3A_254 = arith.divf %slice3A_251, %div3A_253 : vector<197x64xf32>
    %convert_element_type3A_255 = arith.truncf %div3A_254 : vector<197x64xf32> to vector<197x64xbf16>
    %slice3A_256 = vector.extract_strided_slice %add3A_12 {offsets = [0, 448], sizes = [197, 64], strides = [1, 1]} : vector<197x2304xf32> to vector<197x64xf32>
    %mul3A_257 = arith.constant 1.250000e-01 : f32
    %mul3A_258 = vector.broadcast %mul3A_257 : f32 to vector<197x64xf32>
    %mul3A_259 = arith.mulf %slice3A_256, %mul3A_258 : vector<197x64xf32>
    %convert_element_type3A_260 = arith.truncf %mul3A_259 : vector<197x64xf32> to vector<197x64xbf16>
    %slice3A_261 = vector.extract_strided_slice %convert_element_type3A {offsets = [0, 448], sizes = [197, 64], strides = [1, 1]} : vector<197x768xbf16> to vector<197x64xbf16>
    %slice3A_262 = vector.extract_strided_slice %convert_element_type3A_14 {offsets = [0, 448], sizes = [197, 64], strides = [1, 1]} : vector<197x768xbf16> to vector<197x64xbf16>
    %concatenate3A_263 = tpu.concatenate %slice3A_262, %broadcast_in_dim3A_35 in 1 : vector<197x64xbf16>, vector<197x64xbf16> -> vector<197x128xbf16>
    %slice3A_264 = vector.extract_strided_slice %get3A_19 {offsets = [0, 448], sizes = [3136, 64], strides = [1, 1]} : vector<3136x768xbf16> to vector<3136x64xbf16>
    %slice3A_265 = vector.extract_strided_slice %get3A_24 {offsets = [0, 448], sizes = [3136, 64], strides = [1, 1]} : vector<3136x768xbf16> to vector<3136x64xbf16>
    %concatenate3A_266 = tpu.concatenate %slice3A_265, %broadcast_in_dim3A_37 in 1 : vector<3136x64xbf16>, vector<3136x64xbf16> -> vector<3136x128xbf16>
    %dot_general3A_267 = arith.constant dense<0.000000e+00> : vector<197x197xf32>
    %dot_general3A_268 = tpu.matmul %convert_element_type3A_260, %slice3A_261, %dot_general3A_267 {dimension_numbers = #tpu.dot_dimension_numbers<[1], [1], [0], [0], [0, 0, 1, 0], [], []>, transpose_lhs_hint = false} : vector<197x64xbf16>, vector<197x64xbf16>, vector<197x197xf32> -> vector<197x197xf32>
    %jit3A_269 = arith.constant -1.000000e+30 : f32
    %broadcast_in_dim3A_270 = vector.broadcast %jit3A_269 : f32 to vector<197x197xf32>
    %select_n3A_271 = arith.select %eq3A_33, %dot_general3A_268, %broadcast_in_dim3A_270 : vector<197x197xi1>, vector<197x197xf32>
    %dot_general3A_272 = arith.constant dense<0.000000e+00> : vector<197x3136xf32>
    %dot_general3A_273 = tpu.matmul %convert_element_type3A_260, %slice3A_264, %dot_general3A_272 {dimension_numbers = #tpu.dot_dimension_numbers<[1], [1], [0], [0], [0, 0, 1, 0], [], []>, transpose_lhs_hint = false} : vector<197x64xbf16>, vector<3136x64xbf16>, vector<197x3136xf32> -> vector<197x3136xf32>
    %exp3A_274 = math.exp %select_n3A_271 : vector<197x197xf32>
    %convert_element_type3A_275 = arith.truncf %exp3A_274 : vector<197x197xf32> to vector<197x197xbf16>
    %exp3A_276 = math.exp %dot_general3A_273 : vector<197x3136xf32>
    %convert_element_type3A_277 = arith.truncf %exp3A_276 : vector<197x3136xf32> to vector<197x3136xbf16>
    %dot_general3A_278 = arith.constant dense<0.000000e+00> : vector<197x128xf32>
    %dot_general3A_279 = tpu.matmul %convert_element_type3A_275, %concatenate3A_263, %dot_general3A_278 {dimension_numbers = #tpu.dot_dimension_numbers<[1], [0], [0], [1], [0, 0, 1, 1], [], []>, transpose_lhs_hint = false} : vector<197x197xbf16>, vector<197x128xbf16>, vector<197x128xf32> -> vector<197x128xf32>
    %dot_general3A_280 = arith.constant dense<0.000000e+00> : vector<197x128xf32>
    %dot_general3A_281 = tpu.matmul %convert_element_type3A_277, %concatenate3A_266, %dot_general3A_280 {dimension_numbers = #tpu.dot_dimension_numbers<[1], [0], [0], [1], [0, 0, 1, 1], [], []>, transpose_lhs_hint = false} : vector<197x3136xbf16>, vector<3136x128xbf16>, vector<197x128xf32> -> vector<197x128xf32>
    %add3A_282 = arith.addf %dot_general3A_279, %dot_general3A_281 : vector<197x128xf32>
    %slice3A_283 = vector.extract_strided_slice %add3A_282 {offsets = [0, 0], sizes = [197, 64], strides = [1, 1]} : vector<197x128xf32> to vector<197x64xf32>
    %slice3A_284 = vector.extract_strided_slice %add3A_282 {offsets = [0, 64], sizes = [197, 1], strides = [1, 1]} : vector<197x128xf32> to vector<197x1xf32>
    %div3A_285 = vector.broadcast %slice3A_284 : vector<197x1xf32> to vector<197x64xf32>
    %div3A_286 = arith.divf %slice3A_283, %div3A_285 : vector<197x64xf32>
    %convert_element_type3A_287 = arith.truncf %div3A_286 : vector<197x64xf32> to vector<197x64xbf16>
    %slice3A_288 = vector.extract_strided_slice %add3A_12 {offsets = [0, 512], sizes = [197, 64], strides = [1, 1]} : vector<197x2304xf32> to vector<197x64xf32>
    %mul3A_289 = arith.constant 1.250000e-01 : f32
    %mul3A_290 = vector.broadcast %mul3A_289 : f32 to vector<197x64xf32>
    %mul3A_291 = arith.mulf %slice3A_288, %mul3A_290 : vector<197x64xf32>
    %convert_element_type3A_292 = arith.truncf %mul3A_291 : vector<197x64xf32> to vector<197x64xbf16>
    %slice3A_293 = vector.extract_strided_slice %convert_element_type3A {offsets = [0, 512], sizes = [197, 64], strides = [1, 1]} : vector<197x768xbf16> to vector<197x64xbf16>
    %slice3A_294 = vector.extract_strided_slice %convert_element_type3A_14 {offsets = [0, 512], sizes = [197, 64], strides = [1, 1]} : vector<197x768xbf16> to vector<197x64xbf16>
    %concatenate3A_295 = tpu.concatenate %slice3A_294, %broadcast_in_dim3A_35 in 1 : vector<197x64xbf16>, vector<197x64xbf16> -> vector<197x128xbf16>
    %slice3A_296 = vector.extract_strided_slice %get3A_19 {offsets = [0, 512], sizes = [3136, 64], strides = [1, 1]} : vector<3136x768xbf16> to vector<3136x64xbf16>
    %slice3A_297 = vector.extract_strided_slice %get3A_24 {offsets = [0, 512], sizes = [3136, 64], strides = [1, 1]} : vector<3136x768xbf16> to vector<3136x64xbf16>
    %concatenate3A_298 = tpu.concatenate %slice3A_297, %broadcast_in_dim3A_37 in 1 : vector<3136x64xbf16>, vector<3136x64xbf16> -> vector<3136x128xbf16>
    %dot_general3A_299 = arith.constant dense<0.000000e+00> : vector<197x197xf32>
    %dot_general3A_300 = tpu.matmul %convert_element_type3A_292, %slice3A_293, %dot_general3A_299 {dimension_numbers = #tpu.dot_dimension_numbers<[1], [1], [0], [0], [0, 0, 1, 0], [], []>, transpose_lhs_hint = false} : vector<197x64xbf16>, vector<197x64xbf16>, vector<197x197xf32> -> vector<197x197xf32>
    %jit3A_301 = arith.constant -1.000000e+30 : f32
    %broadcast_in_dim3A_302 = vector.broadcast %jit3A_301 : f32 to vector<197x197xf32>
    %select_n3A_303 = arith.select %eq3A_33, %dot_general3A_300, %broadcast_in_dim3A_302 : vector<197x197xi1>, vector<197x197xf32>
    %dot_general3A_304 = arith.constant dense<0.000000e+00> : vector<197x3136xf32>
    %dot_general3A_305 = tpu.matmul %convert_element_type3A_292, %slice3A_296, %dot_general3A_304 {dimension_numbers = #tpu.dot_dimension_numbers<[1], [1], [0], [0], [0, 0, 1, 0], [], []>, transpose_lhs_hint = false} : vector<197x64xbf16>, vector<3136x64xbf16>, vector<197x3136xf32> -> vector<197x3136xf32>
    %exp3A_306 = math.exp %select_n3A_303 : vector<197x197xf32>
    %convert_element_type3A_307 = arith.truncf %exp3A_306 : vector<197x197xf32> to vector<197x197xbf16>
    %exp3A_308 = math.exp %dot_general3A_305 : vector<197x3136xf32>
    %convert_element_type3A_309 = arith.truncf %exp3A_308 : vector<197x3136xf32> to vector<197x3136xbf16>
    %dot_general3A_310 = arith.constant dense<0.000000e+00> : vector<197x128xf32>
    %dot_general3A_311 = tpu.matmul %convert_element_type3A_307, %concatenate3A_295, %dot_general3A_310 {dimension_numbers = #tpu.dot_dimension_numbers<[1], [0], [0], [1], [0, 0, 1, 1], [], []>, transpose_lhs_hint = false} : vector<197x197xbf16>, vector<197x128xbf16>, vector<197x128xf32> -> vector<197x128xf32>
    %dot_general3A_312 = arith.constant dense<0.000000e+00> : vector<197x128xf32>
    %dot_general3A_313 = tpu.matmul %convert_element_type3A_309, %concatenate3A_298, %dot_general3A_312 {dimension_numbers = #tpu.dot_dimension_numbers<[1], [0], [0], [1], [0, 0, 1, 1], [], []>, transpose_lhs_hint = false} : vector<197x3136xbf16>, vector<3136x128xbf16>, vector<197x128xf32> -> vector<197x128xf32>
    %add3A_314 = arith.addf %dot_general3A_311, %dot_general3A_313 : vector<197x128xf32>
    %slice3A_315 = vector.extract_strided_slice %add3A_314 {offsets = [0, 0], sizes = [197, 64], strides = [1, 1]} : vector<197x128xf32> to vector<197x64xf32>
    %slice3A_316 = vector.extract_strided_slice %add3A_314 {offsets = [0, 64], sizes = [197, 1], strides = [1, 1]} : vector<197x128xf32> to vector<197x1xf32>
    %div3A_317 = vector.broadcast %slice3A_316 : vector<197x1xf32> to vector<197x64xf32>
    %div3A_318 = arith.divf %slice3A_315, %div3A_317 : vector<197x64xf32>
    %convert_element_type3A_319 = arith.truncf %div3A_318 : vector<197x64xf32> to vector<197x64xbf16>
    %slice3A_320 = vector.extract_strided_slice %add3A_12 {offsets = [0, 576], sizes = [197, 64], strides = [1, 1]} : vector<197x2304xf32> to vector<197x64xf32>
    %mul3A_321 = arith.constant 1.250000e-01 : f32
    %mul3A_322 = vector.broadcast %mul3A_321 : f32 to vector<197x64xf32>
    %mul3A_323 = arith.mulf %slice3A_320, %mul3A_322 : vector<197x64xf32>
    %convert_element_type3A_324 = arith.truncf %mul3A_323 : vector<197x64xf32> to vector<197x64xbf16>
    %slice3A_325 = vector.extract_strided_slice %convert_element_type3A {offsets = [0, 576], sizes = [197, 64], strides = [1, 1]} : vector<197x768xbf16> to vector<197x64xbf16>
    %slice3A_326 = vector.extract_strided_slice %convert_element_type3A_14 {offsets = [0, 576], sizes = [197, 64], strides = [1, 1]} : vector<197x768xbf16> to vector<197x64xbf16>
    %concatenate3A_327 = tpu.concatenate %slice3A_326, %broadcast_in_dim3A_35 in 1 : vector<197x64xbf16>, vector<197x64xbf16> -> vector<197x128xbf16>
    %slice3A_328 = vector.extract_strided_slice %get3A_19 {offsets = [0, 576], sizes = [3136, 64], strides = [1, 1]} : vector<3136x768xbf16> to vector<3136x64xbf16>
    %slice3A_329 = vector.extract_strided_slice %get3A_24 {offsets = [0, 576], sizes = [3136, 64], strides = [1, 1]} : vector<3136x768xbf16> to vector<3136x64xbf16>
    %concatenate3A_330 = tpu.concatenate %slice3A_329, %broadcast_in_dim3A_37 in 1 : vector<3136x64xbf16>, vector<3136x64xbf16> -> vector<3136x128xbf16>
    %dot_general3A_331 = arith.constant dense<0.000000e+00> : vector<197x197xf32>
    %dot_general3A_332 = tpu.matmul %convert_element_type3A_324, %slice3A_325, %dot_general3A_331 {dimension_numbers = #tpu.dot_dimension_numbers<[1], [1], [0], [0], [0, 0, 1, 0], [], []>, transpose_lhs_hint = false} : vector<197x64xbf16>, vector<197x64xbf16>, vector<197x197xf32> -> vector<197x197xf32>
    %jit3A_333 = arith.constant -1.000000e+30 : f32
    %broadcast_in_dim3A_334 = vector.broadcast %jit3A_333 : f32 to vector<197x197xf32>
    %select_n3A_335 = arith.select %eq3A_33, %dot_general3A_332, %broadcast_in_dim3A_334 : vector<197x197xi1>, vector<197x197xf32>
    %dot_general3A_336 = arith.constant dense<0.000000e+00> : vector<197x3136xf32>
    %dot_general3A_337 = tpu.matmul %convert_element_type3A_324, %slice3A_328, %dot_general3A_336 {dimension_numbers = #tpu.dot_dimension_numbers<[1], [1], [0], [0], [0, 0, 1, 0], [], []>, transpose_lhs_hint = false} : vector<197x64xbf16>, vector<3136x64xbf16>, vector<197x3136xf32> -> vector<197x3136xf32>
    %exp3A_338 = math.exp %select_n3A_335 : vector<197x197xf32>
    %convert_element_type3A_339 = arith.truncf %exp3A_338 : vector<197x197xf32> to vector<197x197xbf16>
    %exp3A_340 = math.exp %dot_general3A_337 : vector<197x3136xf32>
    %convert_element_type3A_341 = arith.truncf %exp3A_340 : vector<197x3136xf32> to vector<197x3136xbf16>
    %dot_general3A_342 = arith.constant dense<0.000000e+00> : vector<197x128xf32>
    %dot_general3A_343 = tpu.matmul %convert_element_type3A_339, %concatenate3A_327, %dot_general3A_342 {dimension_numbers = #tpu.dot_dimension_numbers<[1], [0], [0], [1], [0, 0, 1, 1], [], []>, transpose_lhs_hint = false} : vector<197x197xbf16>, vector<197x128xbf16>, vector<197x128xf32> -> vector<197x128xf32>
    %dot_general3A_344 = arith.constant dense<0.000000e+00> : vector<197x128xf32>
    %dot_general3A_345 = tpu.matmul %convert_element_type3A_341, %concatenate3A_330, %dot_general3A_344 {dimension_numbers = #tpu.dot_dimension_numbers<[1], [0], [0], [1], [0, 0, 1, 1], [], []>, transpose_lhs_hint = false} : vector<197x3136xbf16>, vector<3136x128xbf16>, vector<197x128xf32> -> vector<197x128xf32>
    %add3A_346 = arith.addf %dot_general3A_343, %dot_general3A_345 : vector<197x128xf32>
    %slice3A_347 = vector.extract_strided_slice %add3A_346 {offsets = [0, 0], sizes = [197, 64], strides = [1, 1]} : vector<197x128xf32> to vector<197x64xf32>
    %slice3A_348 = vector.extract_strided_slice %add3A_346 {offsets = [0, 64], sizes = [197, 1], strides = [1, 1]} : vector<197x128xf32> to vector<197x1xf32>
    %div3A_349 = vector.broadcast %slice3A_348 : vector<197x1xf32> to vector<197x64xf32>
    %div3A_350 = arith.divf %slice3A_347, %div3A_349 : vector<197x64xf32>
    %convert_element_type3A_351 = arith.truncf %div3A_350 : vector<197x64xf32> to vector<197x64xbf16>
    %slice3A_352 = vector.extract_strided_slice %add3A_12 {offsets = [0, 640], sizes = [197, 64], strides = [1, 1]} : vector<197x2304xf32> to vector<197x64xf32>
    %mul3A_353 = arith.constant 1.250000e-01 : f32
    %mul3A_354 = vector.broadcast %mul3A_353 : f32 to vector<197x64xf32>
    %mul3A_355 = arith.mulf %slice3A_352, %mul3A_354 : vector<197x64xf32>
    %convert_element_type3A_356 = arith.truncf %mul3A_355 : vector<197x64xf32> to vector<197x64xbf16>
    %slice3A_357 = vector.extract_strided_slice %convert_element_type3A {offsets = [0, 640], sizes = [197, 64], strides = [1, 1]} : vector<197x768xbf16> to vector<197x64xbf16>
    %slice3A_358 = vector.extract_strided_slice %convert_element_type3A_14 {offsets = [0, 640], sizes = [197, 64], strides = [1, 1]} : vector<197x768xbf16> to vector<197x64xbf16>
    %concatenate3A_359 = tpu.concatenate %slice3A_358, %broadcast_in_dim3A_35 in 1 : vector<197x64xbf16>, vector<197x64xbf16> -> vector<197x128xbf16>
    %slice3A_360 = vector.extract_strided_slice %get3A_19 {offsets = [0, 640], sizes = [3136, 64], strides = [1, 1]} : vector<3136x768xbf16> to vector<3136x64xbf16>
    %slice3A_361 = vector.extract_strided_slice %get3A_24 {offsets = [0, 640], sizes = [3136, 64], strides = [1, 1]} : vector<3136x768xbf16> to vector<3136x64xbf16>
    %concatenate3A_362 = tpu.concatenate %slice3A_361, %broadcast_in_dim3A_37 in 1 : vector<3136x64xbf16>, vector<3136x64xbf16> -> vector<3136x128xbf16>
    %dot_general3A_363 = arith.constant dense<0.000000e+00> : vector<197x197xf32>
    %dot_general3A_364 = tpu.matmul %convert_element_type3A_356, %slice3A_357, %dot_general3A_363 {dimension_numbers = #tpu.dot_dimension_numbers<[1], [1], [0], [0], [0, 0, 1, 0], [], []>, transpose_lhs_hint = false} : vector<197x64xbf16>, vector<197x64xbf16>, vector<197x197xf32> -> vector<197x197xf32>
    %jit3A_365 = arith.constant -1.000000e+30 : f32
    %broadcast_in_dim3A_366 = vector.broadcast %jit3A_365 : f32 to vector<197x197xf32>
    %select_n3A_367 = arith.select %eq3A_33, %dot_general3A_364, %broadcast_in_dim3A_366 : vector<197x197xi1>, vector<197x197xf32>
    %dot_general3A_368 = arith.constant dense<0.000000e+00> : vector<197x3136xf32>
    %dot_general3A_369 = tpu.matmul %convert_element_type3A_356, %slice3A_360, %dot_general3A_368 {dimension_numbers = #tpu.dot_dimension_numbers<[1], [1], [0], [0], [0, 0, 1, 0], [], []>, transpose_lhs_hint = false} : vector<197x64xbf16>, vector<3136x64xbf16>, vector<197x3136xf32> -> vector<197x3136xf32>
    %exp3A_370 = math.exp %select_n3A_367 : vector<197x197xf32>
    %convert_element_type3A_371 = arith.truncf %exp3A_370 : vector<197x197xf32> to vector<197x197xbf16>
    %exp3A_372 = math.exp %dot_general3A_369 : vector<197x3136xf32>
    %convert_element_type3A_373 = arith.truncf %exp3A_372 : vector<197x3136xf32> to vector<197x3136xbf16>
    %dot_general3A_374 = arith.constant dense<0.000000e+00> : vector<197x128xf32>
    %dot_general3A_375 = tpu.matmul %convert_element_type3A_371, %concatenate3A_359, %dot_general3A_374 {dimension_numbers = #tpu.dot_dimension_numbers<[1], [0], [0], [1], [0, 0, 1, 1], [], []>, transpose_lhs_hint = false} : vector<197x197xbf16>, vector<197x128xbf16>, vector<197x128xf32> -> vector<197x128xf32>
    %dot_general3A_376 = arith.constant dense<0.000000e+00> : vector<197x128xf32>
    %dot_general3A_377 = tpu.matmul %convert_element_type3A_373, %concatenate3A_362, %dot_general3A_376 {dimension_numbers = #tpu.dot_dimension_numbers<[1], [0], [0], [1], [0, 0, 1, 1], [], []>, transpose_lhs_hint = false} : vector<197x3136xbf16>, vector<3136x128xbf16>, vector<197x128xf32> -> vector<197x128xf32>
    %add3A_378 = arith.addf %dot_general3A_375, %dot_general3A_377 : vector<197x128xf32>
    %slice3A_379 = vector.extract_strided_slice %add3A_378 {offsets = [0, 0], sizes = [197, 64], strides = [1, 1]} : vector<197x128xf32> to vector<197x64xf32>
    %slice3A_380 = vector.extract_strided_slice %add3A_378 {offsets = [0, 64], sizes = [197, 1], strides = [1, 1]} : vector<197x128xf32> to vector<197x1xf32>
    %div3A_381 = vector.broadcast %slice3A_380 : vector<197x1xf32> to vector<197x64xf32>
    %div3A_382 = arith.divf %slice3A_379, %div3A_381 : vector<197x64xf32>
    %convert_element_type3A_383 = arith.truncf %div3A_382 : vector<197x64xf32> to vector<197x64xbf16>
    %slice3A_384 = vector.extract_strided_slice %add3A_12 {offsets = [0, 704], sizes = [197, 64], strides = [1, 1]} : vector<197x2304xf32> to vector<197x64xf32>
    %mul3A_385 = arith.constant 1.250000e-01 : f32
    %mul3A_386 = vector.broadcast %mul3A_385 : f32 to vector<197x64xf32>
    %mul3A_387 = arith.mulf %slice3A_384, %mul3A_386 : vector<197x64xf32>
    %convert_element_type3A_388 = arith.truncf %mul3A_387 : vector<197x64xf32> to vector<197x64xbf16>
    %slice3A_389 = vector.extract_strided_slice %convert_element_type3A {offsets = [0, 704], sizes = [197, 64], strides = [1, 1]} : vector<197x768xbf16> to vector<197x64xbf16>
    %slice3A_390 = vector.extract_strided_slice %convert_element_type3A_14 {offsets = [0, 704], sizes = [197, 64], strides = [1, 1]} : vector<197x768xbf16> to vector<197x64xbf16>
    %concatenate3A_391 = tpu.concatenate %slice3A_390, %broadcast_in_dim3A_35 in 1 : vector<197x64xbf16>, vector<197x64xbf16> -> vector<197x128xbf16>
    %slice3A_392 = vector.extract_strided_slice %get3A_19 {offsets = [0, 704], sizes = [3136, 64], strides = [1, 1]} : vector<3136x768xbf16> to vector<3136x64xbf16>
    %slice3A_393 = vector.extract_strided_slice %get3A_24 {offsets = [0, 704], sizes = [3136, 64], strides = [1, 1]} : vector<3136x768xbf16> to vector<3136x64xbf16>
    %concatenate3A_394 = tpu.concatenate %slice3A_393, %broadcast_in_dim3A_37 in 1 : vector<3136x64xbf16>, vector<3136x64xbf16> -> vector<3136x128xbf16>
    %dot_general3A_395 = arith.constant dense<0.000000e+00> : vector<197x197xf32>
    %dot_general3A_396 = tpu.matmul %convert_element_type3A_388, %slice3A_389, %dot_general3A_395 {dimension_numbers = #tpu.dot_dimension_numbers<[1], [1], [0], [0], [0, 0, 1, 0], [], []>, transpose_lhs_hint = false} : vector<197x64xbf16>, vector<197x64xbf16>, vector<197x197xf32> -> vector<197x197xf32>
    %jit3A_397 = arith.constant -1.000000e+30 : f32
    %broadcast_in_dim3A_398 = vector.broadcast %jit3A_397 : f32 to vector<197x197xf32>
    %select_n3A_399 = arith.select %eq3A_33, %dot_general3A_396, %broadcast_in_dim3A_398 : vector<197x197xi1>, vector<197x197xf32>
    %dot_general3A_400 = arith.constant dense<0.000000e+00> : vector<197x3136xf32>
    %dot_general3A_401 = tpu.matmul %convert_element_type3A_388, %slice3A_392, %dot_general3A_400 {dimension_numbers = #tpu.dot_dimension_numbers<[1], [1], [0], [0], [0, 0, 1, 0], [], []>, transpose_lhs_hint = false} : vector<197x64xbf16>, vector<3136x64xbf16>, vector<197x3136xf32> -> vector<197x3136xf32>
    %exp3A_402 = math.exp %select_n3A_399 : vector<197x197xf32>
    %convert_element_type3A_403 = arith.truncf %exp3A_402 : vector<197x197xf32> to vector<197x197xbf16>
    %exp3A_404 = math.exp %dot_general3A_401 : vector<197x3136xf32>
    %convert_element_type3A_405 = arith.truncf %exp3A_404 : vector<197x3136xf32> to vector<197x3136xbf16>
    %dot_general3A_406 = arith.constant dense<0.000000e+00> : vector<197x128xf32>
    %dot_general3A_407 = tpu.matmul %convert_element_type3A_403, %concatenate3A_391, %dot_general3A_406 {dimension_numbers = #tpu.dot_dimension_numbers<[1], [0], [0], [1], [0, 0, 1, 1], [], []>, transpose_lhs_hint = false} : vector<197x197xbf16>, vector<197x128xbf16>, vector<197x128xf32> -> vector<197x128xf32>
    %dot_general3A_408 = arith.constant dense<0.000000e+00> : vector<197x128xf32>
    %dot_general3A_409 = tpu.matmul %convert_element_type3A_405, %concatenate3A_394, %dot_general3A_408 {dimension_numbers = #tpu.dot_dimension_numbers<[1], [0], [0], [1], [0, 0, 1, 1], [], []>, transpose_lhs_hint = false} : vector<197x3136xbf16>, vector<3136x128xbf16>, vector<197x128xf32> -> vector<197x128xf32>
    %add3A_410 = arith.addf %dot_general3A_407, %dot_general3A_409 : vector<197x128xf32>
    %slice3A_411 = vector.extract_strided_slice %add3A_410 {offsets = [0, 0], sizes = [197, 64], strides = [1, 1]} : vector<197x128xf32> to vector<197x64xf32>
    %slice3A_412 = vector.extract_strided_slice %add3A_410 {offsets = [0, 64], sizes = [197, 1], strides = [1, 1]} : vector<197x128xf32> to vector<197x1xf32>
    %div3A_413 = vector.broadcast %slice3A_412 : vector<197x1xf32> to vector<197x64xf32>
    %div3A_414 = arith.divf %slice3A_411, %div3A_413 : vector<197x64xf32>
    %convert_element_type3A_415 = arith.truncf %div3A_414 : vector<197x64xf32> to vector<197x64xbf16>
    %concatenate3A_416 = tpu.concatenate %convert_element_type3A_63, %convert_element_type3A_95, %convert_element_type3A_127, %convert_element_type3A_159, %convert_element_type3A_191, %convert_element_type3A_223, %convert_element_type3A_255, %convert_element_type3A_287, %convert_element_type3A_319, %convert_element_type3A_351, %convert_element_type3A_383, %convert_element_type3A_415 in 1 : vector<197x64xbf16>, vector<197x64xbf16>, vector<197x64xbf16>, vector<197x64xbf16>, vector<197x64xbf16>, vector<197x64xbf16>, vector<197x64xbf16>, vector<197x64xbf16>, vector<197x64xbf16>, vector<197x64xbf16>, vector<197x64xbf16>, vector<197x64xbf16> -> vector<197x768xbf16>
    %get3A_417 = arith.constant 0 : index
    %get3A_418 = arith.constant 0 : index
    %get3A_419 = vector.load %arg6[%get3A_417, %get3A_418] : memref<768x768xbf16, #tpu.memory_space<vmem>>, vector<768x768xbf16>
    %dot_general3A_420 = arith.constant dense<0.000000e+00> : vector<197x768xf32>
    %dot_general3A_421 = tpu.matmul %concatenate3A_416, %get3A_419, %dot_general3A_420 {dimension_numbers = #tpu.dot_dimension_numbers<[1], [0], [0], [1], [0, 0, 1, 1], [], []>, transpose_lhs_hint = false} : vector<197x768xbf16>, vector<768x768xbf16>, vector<197x768xf32> -> vector<197x768xf32>
    %get3A_422 = arith.constant 0 : index
    %get3A_423 = arith.constant 0 : index
    %get3A_424 = vector.load %arg7[%get3A_422, %get3A_423] : memref<1x768xf32, #tpu.memory_space<vmem>>, vector<1x768xf32>
    %get3A_425 = vector.shape_cast %get3A_424 : vector<1x768xf32> to vector<768xf32>
    %broadcast_in_dim3A_426 = vector.shape_cast %get3A_425 : vector<768xf32> to vector<1x768xf32>
    %add3A_427 = vector.broadcast %broadcast_in_dim3A_426 : vector<1x768xf32> to vector<197x768xf32>
    %add3A_428 = arith.addf %dot_general3A_421, %add3A_427 : vector<197x768xf32>
    %swap3A = arith.constant 0 : index
    %swap3A_429 = arith.constant 0 : index
    %swap3A_430 = arith.constant 0 : index
    %swap3A_431 = vector.load %arg11[%swap3A, %swap3A_429, %swap3A_430] : memref<1x3333x768xf32, #tpu.memory_space<vmem>>, vector<1x197x768xf32>
    %swap3A_432 = vector.shape_cast %swap3A_431 : vector<1x197x768xf32> to vector<197x768xf32>
    %swap3A_433 = vector.shape_cast %add3A_428 : vector<197x768xf32> to vector<1x197x768xf32>
    tpu.vector_store %arg11[%swap3A, %swap3A_429, %swap3A_430], %swap3A_433 {strides = array<i32>} : memref<1x3333x768xf32, #tpu.memory_space<vmem>>, vector<1x197x768xf32>,
    %get3A_434 = arith.constant 0 : index
    %get3A_435 = memref.load %arg1[%get3A_434] : memref<1xi32, #tpu.memory_space<smem>>
    %ne3A = arith.constant 0 : i32
    %ne3A_436 = arith.cmpi ne, %get3A_435, %ne3A : i32
    %slice3A_437 = vector.extract_strided_slice %add3A_428 {offsets = [0, 0], sizes = [1, 768], strides = [1, 1]} : vector<197x768xf32> to vector<1x768xf32>
    %get3A_438 = arith.constant 0 : index
    %get3A_439 = arith.constant 0 : index
    %get3A_440 = arith.constant 0 : index
    %get3A_441 = vector.load %arg3[%get3A_438, %get3A_439, %get3A_440] : memref<1x1x768xf32, #tpu.memory_space<vmem>>, vector<1x1x768xf32>
    %get3A_442 = vector.shape_cast %get3A_441 : vector<1x1x768xf32> to vector<1x768xf32>
    %select_n3A_443 = arith.select %ne3A_436, %slice3A_437, %get3A_442 : vector<1x768xf32>
    %swap3A_444 = arith.constant 0 : index
    %swap3A_445 = arith.constant 0 : index
    %swap3A_446 = arith.constant 0 : index
    %swap3A_447 = vector.load %arg11[%swap3A_444, %swap3A_445, %swap3A_446] : memref<1x3333x768xf32, #tpu.memory_space<vmem>>, vector<1x1x768xf32>
    %swap3A_448 = vector.shape_cast %swap3A_447 : vector<1x1x768xf32> to vector<1x768xf32>
    %swap3A_449 = vector.shape_cast %select_n3A_443 : vector<1x768xf32> to vector<1x1x768xf32>
    tpu.vector_store %arg11[%swap3A_444, %swap3A_445, %swap3A_446], %swap3A_449 {strides = array<i32>} : memref<1x3333x768xf32, #tpu.memory_space<vmem>>, vector<1x1x768xf32>,
    %get3A_450 = arith.constant 0 : index
    %get3A_451 = arith.constant 0 : index
    %get3A_452 = arith.constant 0 : index
    %get3A_453 = vector.load %arg10[%get3A_450, %get3A_451, %get3A_452] : memref<1x3136x768xbf16, #tpu.memory_space<vmem>>, vector<1x3136x768xbf16>
    %get3A_454 = vector.shape_cast %get3A_453 : vector<1x3136x768xbf16> to vector<3136x768xbf16>
    %convert_element_type3A_455 = arith.extf %get3A_454 : vector<3136x768xbf16> to vector<3136x768xf32>
    %swap3A_456 = arith.constant 0 : index
    %swap3A_457 = arith.constant 197 : index
    %swap3A_458 = arith.constant 0 : index
    %swap3A_459 = vector.load %arg11[%swap3A_456, %swap3A_457, %swap3A_458] : memref<1x3333x768xf32, #tpu.memory_space<vmem>>, vector<1x3136x768xf32>
    %swap3A_460 = vector.shape_cast %swap3A_459 : vector<1x3136x768xf32> to vector<3136x768xf32>
    %swap3A_461 = vector.shape_cast %convert_element_type3A_455 : vector<3136x768xf32> to vector<1x3136x768xf32>
    tpu.vector_store %arg11[%swap3A_456, %swap3A_457, %swap3A_458], %swap3A_461 {strides = array<i32>} : memref<1x3333x768xf32, #tpu.memory_space<vmem>>, vector<1x3136x768xf32>,
    return
  }
  func.func @transform_0(%arg0: i32) -> i32 {
    %c0_i32 = arith.constant 0 : i32
    %c0_i32_0 = arith.constant 0 : i32
    return %c0_i32 : i32
  }
  func.func @transform_1(%arg0: i32) -> (i32, i32, i32) {
    %c0_i32 = arith.constant 0 : i32
    %c0_i32_0 = arith.constant 0 : i32
    %c0_i32_1 = arith.constant 0 : i32
    return %arg0, %c0_i32, %c0_i32_0 : i32, i32, i32
  }
  func.func @transform_2(%arg0: i32) -> (i32, i32, i32) {
    %c0_i32 = arith.constant 0 : i32
    %c0_i32_0 = arith.constant 0 : i32
    %c0_i32_1 = arith.constant 0 : i32
    return %arg0, %c0_i32, %c0_i32_0 : i32, i32, i32
  }
  func.func @transform_3(%arg0: i32) -> (i32, i32) {
    %c0_i32 = arith.constant 0 : i32
    %c0_i32_0 = arith.constant 0 : i32
    %c0_i32_1 = arith.constant 0 : i32
    return %c0_i32, %c0_i32_0 : i32, i32
  }
  func.func @transform_4(%arg0: i32) -> (i32, i32) {
    %c0_i32 = arith.constant 0 : i32
    %c0_i32_0 = arith.constant 0 : i32
    %c0_i32_1 = arith.constant 0 : i32
    return %c0_i32, %c0_i32_0 : i32, i32
  }
  func.func @transform_5(%arg0: i32) -> (i32, i32) {
    %c0_i32 = arith.constant 0 : i32
    %c0_i32_0 = arith.constant 0 : i32
    %c0_i32_1 = arith.constant 0 : i32
    return %c0_i32, %c0_i32_0 : i32, i32
  }
  func.func @transform_6(%arg0: i32) -> (i32, i32) {
    %c0_i32 = arith.constant 0 : i32
    %c0_i32_0 = arith.constant 0 : i32
    %c0_i32_1 = arith.constant 0 : i32
    return %c0_i32, %c0_i32_0 : i32, i32
  }
  func.func @transform_7(%arg0: i32) -> (i32, i32, i32) {
    %c0_i32 = arith.constant 0 : i32
    %c0_i32_0 = arith.constant 0 : i32
    %c0_i32_1 = arith.constant 0 : i32
    return %arg0, %c0_i32, %c0_i32_0 : i32, i32, i32
  }
  func.func @transform_8(%arg0: i32) -> (i32, i32, i32) {
    %c0_i32 = arith.constant 0 : i32
    %c0_i32_0 = arith.constant 0 : i32
    %c0_i32_1 = arith.constant 0 : i32
    return %arg0, %c0_i32, %c0_i32_0 : i32, i32, i32
  }
  func.func @transform_9(%arg0: i32) -> (i32, i32, i32) {
    %c0_i32 = arith.constant 0 : i32
    %c0_i32_0 = arith.constant 0 : i32
    %c0_i32_1 = arith.constant 0 : i32
    return %arg0, %c0_i32, %c0_i32_0 : i32, i32, i32
  }
  func.func @transform_10(%arg0: i32) -> (i32, i32, i32) {
    %c0_i32 = arith.constant 0 : i32
    %c0_i32_0 = arith.constant 0 : i32
    %c0_i32_1 = arith.constant 0 : i32
    return %arg0, %c0_i32, %c0_i32_0 : i32, i32, i32
  }
}

module attributes {stable_mosaic.version = 14 : i64} {
  func.func @_mem_body(%arg0: i32, %arg1: memref<800x768xbf16, #tpu.memory_space<vmem>>, %arg2: memref<768x2304xbf16, #tpu.memory_space<vmem>>, %arg3: memref<1x2304xf32, #tpu.memory_space<vmem>>, %arg4: memref<768x768xbf16, #tpu.memory_space<vmem>>, %arg5: memref<1x768xf32, #tpu.memory_space<vmem>>, %arg6: memref<784x768xbf16, #tpu.memory_space<vmem>>, %arg7: memref<784x768xbf16, #tpu.memory_space<vmem>>, %arg8: memref<784x768xbf16, #tpu.memory_space<vmem>>) attributes {dimension_semantics = [#tpu.dimension_semantics<parallel>], iteration_bounds = array<i64: 32>, scalar_prefetch = 0 : i64, scratch_operands = 0 : i64, tpu.core_type = #tpu.core_type<tc>, window_params = [{transform_indices = @transform_0, window_bounds = array<i64: 800, 768>}, {pipeline_mode = #tpu.pipeline_mode<synchronous>, transform_indices = @transform_1, window_bounds = array<i64: 768, 2304>}, {pipeline_mode = #tpu.pipeline_mode<synchronous>, transform_indices = @transform_2, window_bounds = array<i64: 1, 2304>}, {pipeline_mode = #tpu.pipeline_mode<synchronous>, transform_indices = @transform_3, window_bounds = array<i64: 768, 768>}, {pipeline_mode = #tpu.pipeline_mode<synchronous>, transform_indices = @transform_4, window_bounds = array<i64: 1, 768>}, {transform_indices = @transform_5, window_bounds = array<i64: 784, 768>}, {transform_indices = @transform_6, window_bounds = array<i64: 784, 768>}, {transform_indices = @transform_7, window_bounds = array<i64: 784, 768>}]} {
    %get3A = arith.constant 0 : index
    %get3A_0 = arith.constant 0 : index
    %get3A_1 = vector.load %arg1[%get3A, %get3A_0] : memref<800x768xbf16, #tpu.memory_space<vmem>>, vector<800x768xbf16>
    %get3A_2 = arith.constant 0 : index
    %get3A_3 = arith.constant 0 : index
    %get3A_4 = vector.load %arg2[%get3A_2, %get3A_3] : memref<768x2304xbf16, #tpu.memory_space<vmem>>, vector<768x2304xbf16>
    %dot_general3A = arith.constant dense<0.000000e+00> : vector<800x2304xf32>
    %dot_general3A_5 = tpu.matmul %get3A_1, %get3A_4, %dot_general3A {dimension_numbers = #tpu.dot_dimension_numbers<[1], [0], [0], [1], [0, 0, 1, 1], [], []>, transpose_lhs_hint = false} : vector<800x768xbf16>, vector<768x2304xbf16>, vector<800x2304xf32> -> vector<800x2304xf32>
    %get3A_6 = arith.constant 0 : index
    %get3A_7 = arith.constant 0 : index
    %get3A_8 = vector.load %arg3[%get3A_6, %get3A_7] : memref<1x2304xf32, #tpu.memory_space<vmem>>, vector<1x2304xf32>
    %get3A_9 = vector.shape_cast %get3A_8 : vector<1x2304xf32> to vector<2304xf32>
    %broadcast_in_dim3A = vector.shape_cast %get3A_9 : vector<2304xf32> to vector<1x2304xf32>
    %add3A = vector.broadcast %broadcast_in_dim3A : vector<1x2304xf32> to vector<800x2304xf32>
    %add3A_10 = arith.addf %dot_general3A_5, %add3A : vector<800x2304xf32>
    %slice3A = vector.extract_strided_slice %add3A_10 {offsets = [0, 768], sizes = [800, 768], strides = [1, 1]} : vector<800x2304xf32> to vector<800x768xf32>
    %convert_element_type3A = arith.truncf %slice3A : vector<800x768xf32> to vector<800x768xbf16>
    %slice3A_11 = vector.extract_strided_slice %add3A_10 {offsets = [0, 1536], sizes = [800, 768], strides = [1, 1]} : vector<800x2304xf32> to vector<800x768xf32>
    %convert_element_type3A_12 = arith.truncf %slice3A_11 : vector<800x768xf32> to vector<800x768xbf16>
    %iota3A = tpu.iota {dimensions = array<i32: 0>} : vector<800x1xi32>
    %jit3A = arith.constant 200 : i32
    %div3A = vector.broadcast %jit3A : i32 to vector<800x1xi32>
    %div3A_13 = arith.divsi %iota3A, %div3A : vector<800x1xi32>
    %sign3A = arith.constant 0 : i32
    %sign3A_14 = vector.broadcast %sign3A : i32 to vector<800x1xi32>
    %sign3A_15 = arith.cmpi sgt, %iota3A, %sign3A_14 : vector<800x1xi32>
    %sign3A_16 = arith.extui %sign3A_15 : vector<800x1xi1> to vector<800x1xi32>
    %sign3A_17 = arith.constant 0 : i32
    %sign3A_18 = vector.broadcast %sign3A_17 : i32 to vector<800x1xi32>
    %sign3A_19 = arith.cmpi slt, %iota3A, %sign3A_18 : vector<800x1xi32>
    %sign3A_20 = arith.extui %sign3A_19 : vector<800x1xi1> to vector<800x1xi32>
    %sign3A_21 = arith.subi %sign3A_16, %sign3A_20 : vector<800x1xi32>
    %sign3A_22 = arith.constant 0 : i32
    %sign3A_23 = arith.cmpi sgt, %jit3A, %sign3A_22 : i32
    %sign3A_24 = arith.extui %sign3A_23 : i1 to i32
    %sign3A_25 = arith.constant 0 : i32
    %sign3A_26 = arith.cmpi slt, %jit3A, %sign3A_25 : i32
    %sign3A_27 = arith.extui %sign3A_26 : i1 to i32
    %sign3A_28 = arith.subi %sign3A_24, %sign3A_27 : i32
    %ne3A = vector.broadcast %sign3A_28 : i32 to vector<800x1xi32>
    %ne3A_29 = arith.cmpi ne, %sign3A_21, %ne3A : vector<800x1xi32>
    %rem3A = vector.broadcast %jit3A : i32 to vector<800x1xi32>
    %rem3A_30 = arith.remsi %iota3A, %rem3A : vector<800x1xi32>
    %ne3A_31 = arith.constant 0 : i32
    %ne3A_32 = vector.broadcast %ne3A_31 : i32 to vector<800x1xi32>
    %ne3A_33 = arith.cmpi ne, %rem3A_30, %ne3A_32 : vector<800x1xi32>
    %and3A = arith.andi %ne3A_29, %ne3A_33 : vector<800x1xi1>
    %sub3A = arith.constant 1 : i32
    %sub3A_34 = vector.broadcast %sub3A : i32 to vector<800x1xi32>
    %sub3A_35 = arith.subi %div3A_13, %sub3A_34 : vector<800x1xi32>
    %select_n3A = arith.select %and3A, %sub3A_35, %div3A_13 : vector<800x1xi1>, vector<800x1xi32>
    %mul3A = arith.constant 200 : i32
    %mul3A_36 = vector.broadcast %mul3A : i32 to vector<800x1xi32>
    %mul3A_37 = arith.muli %select_n3A, %mul3A_36 : vector<800x1xi32>
    %sub3A_38 = arith.subi %iota3A, %mul3A_37 : vector<800x1xi32>
    %lt3A = arith.constant 196 : i32
    %lt3A_39 = vector.broadcast %lt3A : i32 to vector<800x1xi32>
    %lt3A_40 = arith.cmpi slt, %sub3A_38, %lt3A_39 : vector<800x1xi32>
    %convert_element_type3A_41 = arith.extui %lt3A_40 : vector<800x1xi1> to vector<800x1xi32>
    %convert_element_type3A_42 = arith.sitofp %convert_element_type3A_41 : vector<800x1xi32> to vector<800x1xf32>
    %convert_element_type3A_43 = arith.truncf %convert_element_type3A_42 : vector<800x1xf32> to vector<800x1xbf16>
    %mul3A_44 = vector.broadcast %convert_element_type3A_43 : vector<800x1xbf16> to vector<800x768xbf16>
    %mul3A_45 = arith.mulf %convert_element_type3A_12, %mul3A_44 : vector<800x768xbf16>
    %convert_element_type3A_46 = arith.extui %lt3A_40 : vector<800x1xi1> to vector<800x1xi32>
    %convert_element_type3A_47 = arith.sitofp %convert_element_type3A_46 : vector<800x1xi32> to vector<800x1xf32>
    %convert_element_type3A_48 = arith.truncf %convert_element_type3A_47 : vector<800x1xf32> to vector<800x1xbf16>
    %broadcast_in_dim3A_49 = vector.shape_cast %convert_element_type3A_48 : vector<800x1xbf16> to vector<800x1xbf16>
    %broadcast_in_dim3A_50 = vector.broadcast %broadcast_in_dim3A_49 : vector<800x1xbf16> to vector<800x64xbf16>
    %slice3A_51 = vector.extract_strided_slice %add3A_10 {offsets = [0, 0], sizes = [200, 64], strides = [1, 1]} : vector<800x2304xf32> to vector<200x64xf32>
    %mul3A_52 = arith.constant 1.250000e-01 : f32
    %mul3A_53 = vector.broadcast %mul3A_52 : f32 to vector<200x64xf32>
    %mul3A_54 = arith.mulf %slice3A_51, %mul3A_53 : vector<200x64xf32>
    %convert_element_type3A_55 = arith.truncf %mul3A_54 : vector<200x64xf32> to vector<200x64xbf16>
    %slice3A_56 = vector.extract_strided_slice %convert_element_type3A {offsets = [0, 0], sizes = [200, 64], strides = [1, 1]} : vector<800x768xbf16> to vector<200x64xbf16>
    %slice3A_57 = vector.extract_strided_slice %mul3A_45 {offsets = [0, 0], sizes = [200, 64], strides = [1, 1]} : vector<800x768xbf16> to vector<200x64xbf16>
    %slice3A_58 = vector.extract_strided_slice %broadcast_in_dim3A_50 {offsets = [0, 0], sizes = [200, 64], strides = [1, 1]} : vector<800x64xbf16> to vector<200x64xbf16>
    %concatenate3A = tpu.concatenate %slice3A_57, %slice3A_58 in 1 : vector<200x64xbf16>, vector<200x64xbf16> -> vector<200x128xbf16>
    %dot_general3A_59 = arith.constant dense<0.000000e+00> : vector<200x200xf32>
    %dot_general3A_60 = tpu.matmul %convert_element_type3A_55, %slice3A_56, %dot_general3A_59 {dimension_numbers = #tpu.dot_dimension_numbers<[1], [1], [0], [0], [0, 0, 1, 0], [], []>, transpose_lhs_hint = false} : vector<200x64xbf16>, vector<200x64xbf16>, vector<200x200xf32> -> vector<200x200xf32>
    %exp3A = math.exp %dot_general3A_60 : vector<200x200xf32>
    %convert_element_type3A_61 = arith.truncf %exp3A : vector<200x200xf32> to vector<200x200xbf16>
    %dot_general3A_62 = arith.constant dense<0.000000e+00> : vector<200x128xf32>
    %dot_general3A_63 = tpu.matmul %convert_element_type3A_61, %concatenate3A, %dot_general3A_62 {dimension_numbers = #tpu.dot_dimension_numbers<[1], [0], [0], [1], [0, 0, 1, 1], [], []>, transpose_lhs_hint = false} : vector<200x200xbf16>, vector<200x128xbf16>, vector<200x128xf32> -> vector<200x128xf32>
    %slice3A_64 = vector.extract_strided_slice %dot_general3A_63 {offsets = [0, 0], sizes = [200, 64], strides = [1, 1]} : vector<200x128xf32> to vector<200x64xf32>
    %slice3A_65 = vector.extract_strided_slice %dot_general3A_63 {offsets = [0, 64], sizes = [200, 1], strides = [1, 1]} : vector<200x128xf32> to vector<200x1xf32>
    %div3A_66 = vector.broadcast %slice3A_65 : vector<200x1xf32> to vector<200x64xf32>
    %div3A_67 = arith.divf %slice3A_64, %div3A_66 : vector<200x64xf32>
    %convert_element_type3A_68 = arith.truncf %div3A_67 : vector<200x64xf32> to vector<200x64xbf16>
    %slice3A_69 = vector.extract_strided_slice %add3A_10 {offsets = [0, 64], sizes = [200, 64], strides = [1, 1]} : vector<800x2304xf32> to vector<200x64xf32>
    %mul3A_70 = arith.constant 1.250000e-01 : f32
    %mul3A_71 = vector.broadcast %mul3A_70 : f32 to vector<200x64xf32>
    %mul3A_72 = arith.mulf %slice3A_69, %mul3A_71 : vector<200x64xf32>
    %convert_element_type3A_73 = arith.truncf %mul3A_72 : vector<200x64xf32> to vector<200x64xbf16>
    %slice3A_74 = vector.extract_strided_slice %convert_element_type3A {offsets = [0, 64], sizes = [200, 64], strides = [1, 1]} : vector<800x768xbf16> to vector<200x64xbf16>
    %slice3A_75 = vector.extract_strided_slice %mul3A_45 {offsets = [0, 64], sizes = [200, 64], strides = [1, 1]} : vector<800x768xbf16> to vector<200x64xbf16>
    %slice3A_76 = vector.extract_strided_slice %broadcast_in_dim3A_50 {offsets = [0, 0], sizes = [200, 64], strides = [1, 1]} : vector<800x64xbf16> to vector<200x64xbf16>
    %concatenate3A_77 = tpu.concatenate %slice3A_75, %slice3A_76 in 1 : vector<200x64xbf16>, vector<200x64xbf16> -> vector<200x128xbf16>
    %dot_general3A_78 = arith.constant dense<0.000000e+00> : vector<200x200xf32>
    %dot_general3A_79 = tpu.matmul %convert_element_type3A_73, %slice3A_74, %dot_general3A_78 {dimension_numbers = #tpu.dot_dimension_numbers<[1], [1], [0], [0], [0, 0, 1, 0], [], []>, transpose_lhs_hint = false} : vector<200x64xbf16>, vector<200x64xbf16>, vector<200x200xf32> -> vector<200x200xf32>
    %exp3A_80 = math.exp %dot_general3A_79 : vector<200x200xf32>
    %convert_element_type3A_81 = arith.truncf %exp3A_80 : vector<200x200xf32> to vector<200x200xbf16>
    %dot_general3A_82 = arith.constant dense<0.000000e+00> : vector<200x128xf32>
    %dot_general3A_83 = tpu.matmul %convert_element_type3A_81, %concatenate3A_77, %dot_general3A_82 {dimension_numbers = #tpu.dot_dimension_numbers<[1], [0], [0], [1], [0, 0, 1, 1], [], []>, transpose_lhs_hint = false} : vector<200x200xbf16>, vector<200x128xbf16>, vector<200x128xf32> -> vector<200x128xf32>
    %slice3A_84 = vector.extract_strided_slice %dot_general3A_83 {offsets = [0, 0], sizes = [200, 64], strides = [1, 1]} : vector<200x128xf32> to vector<200x64xf32>
    %slice3A_85 = vector.extract_strided_slice %dot_general3A_83 {offsets = [0, 64], sizes = [200, 1], strides = [1, 1]} : vector<200x128xf32> to vector<200x1xf32>
    %div3A_86 = vector.broadcast %slice3A_85 : vector<200x1xf32> to vector<200x64xf32>
    %div3A_87 = arith.divf %slice3A_84, %div3A_86 : vector<200x64xf32>
    %convert_element_type3A_88 = arith.truncf %div3A_87 : vector<200x64xf32> to vector<200x64xbf16>
    %slice3A_89 = vector.extract_strided_slice %add3A_10 {offsets = [0, 128], sizes = [200, 64], strides = [1, 1]} : vector<800x2304xf32> to vector<200x64xf32>
    %mul3A_90 = arith.constant 1.250000e-01 : f32
    %mul3A_91 = vector.broadcast %mul3A_90 : f32 to vector<200x64xf32>
    %mul3A_92 = arith.mulf %slice3A_89, %mul3A_91 : vector<200x64xf32>
    %convert_element_type3A_93 = arith.truncf %mul3A_92 : vector<200x64xf32> to vector<200x64xbf16>
    %slice3A_94 = vector.extract_strided_slice %convert_element_type3A {offsets = [0, 128], sizes = [200, 64], strides = [1, 1]} : vector<800x768xbf16> to vector<200x64xbf16>
    %slice3A_95 = vector.extract_strided_slice %mul3A_45 {offsets = [0, 128], sizes = [200, 64], strides = [1, 1]} : vector<800x768xbf16> to vector<200x64xbf16>
    %slice3A_96 = vector.extract_strided_slice %broadcast_in_dim3A_50 {offsets = [0, 0], sizes = [200, 64], strides = [1, 1]} : vector<800x64xbf16> to vector<200x64xbf16>
    %concatenate3A_97 = tpu.concatenate %slice3A_95, %slice3A_96 in 1 : vector<200x64xbf16>, vector<200x64xbf16> -> vector<200x128xbf16>
    %dot_general3A_98 = arith.constant dense<0.000000e+00> : vector<200x200xf32>
    %dot_general3A_99 = tpu.matmul %convert_element_type3A_93, %slice3A_94, %dot_general3A_98 {dimension_numbers = #tpu.dot_dimension_numbers<[1], [1], [0], [0], [0, 0, 1, 0], [], []>, transpose_lhs_hint = false} : vector<200x64xbf16>, vector<200x64xbf16>, vector<200x200xf32> -> vector<200x200xf32>
    %exp3A_100 = math.exp %dot_general3A_99 : vector<200x200xf32>
    %convert_element_type3A_101 = arith.truncf %exp3A_100 : vector<200x200xf32> to vector<200x200xbf16>
    %dot_general3A_102 = arith.constant dense<0.000000e+00> : vector<200x128xf32>
    %dot_general3A_103 = tpu.matmul %convert_element_type3A_101, %concatenate3A_97, %dot_general3A_102 {dimension_numbers = #tpu.dot_dimension_numbers<[1], [0], [0], [1], [0, 0, 1, 1], [], []>, transpose_lhs_hint = false} : vector<200x200xbf16>, vector<200x128xbf16>, vector<200x128xf32> -> vector<200x128xf32>
    %slice3A_104 = vector.extract_strided_slice %dot_general3A_103 {offsets = [0, 0], sizes = [200, 64], strides = [1, 1]} : vector<200x128xf32> to vector<200x64xf32>
    %slice3A_105 = vector.extract_strided_slice %dot_general3A_103 {offsets = [0, 64], sizes = [200, 1], strides = [1, 1]} : vector<200x128xf32> to vector<200x1xf32>
    %div3A_106 = vector.broadcast %slice3A_105 : vector<200x1xf32> to vector<200x64xf32>
    %div3A_107 = arith.divf %slice3A_104, %div3A_106 : vector<200x64xf32>
    %convert_element_type3A_108 = arith.truncf %div3A_107 : vector<200x64xf32> to vector<200x64xbf16>
    %slice3A_109 = vector.extract_strided_slice %add3A_10 {offsets = [0, 192], sizes = [200, 64], strides = [1, 1]} : vector<800x2304xf32> to vector<200x64xf32>
    %mul3A_110 = arith.constant 1.250000e-01 : f32
    %mul3A_111 = vector.broadcast %mul3A_110 : f32 to vector<200x64xf32>
    %mul3A_112 = arith.mulf %slice3A_109, %mul3A_111 : vector<200x64xf32>
    %convert_element_type3A_113 = arith.truncf %mul3A_112 : vector<200x64xf32> to vector<200x64xbf16>
    %slice3A_114 = vector.extract_strided_slice %convert_element_type3A {offsets = [0, 192], sizes = [200, 64], strides = [1, 1]} : vector<800x768xbf16> to vector<200x64xbf16>
    %slice3A_115 = vector.extract_strided_slice %mul3A_45 {offsets = [0, 192], sizes = [200, 64], strides = [1, 1]} : vector<800x768xbf16> to vector<200x64xbf16>
    %slice3A_116 = vector.extract_strided_slice %broadcast_in_dim3A_50 {offsets = [0, 0], sizes = [200, 64], strides = [1, 1]} : vector<800x64xbf16> to vector<200x64xbf16>
    %concatenate3A_117 = tpu.concatenate %slice3A_115, %slice3A_116 in 1 : vector<200x64xbf16>, vector<200x64xbf16> -> vector<200x128xbf16>
    %dot_general3A_118 = arith.constant dense<0.000000e+00> : vector<200x200xf32>
    %dot_general3A_119 = tpu.matmul %convert_element_type3A_113, %slice3A_114, %dot_general3A_118 {dimension_numbers = #tpu.dot_dimension_numbers<[1], [1], [0], [0], [0, 0, 1, 0], [], []>, transpose_lhs_hint = false} : vector<200x64xbf16>, vector<200x64xbf16>, vector<200x200xf32> -> vector<200x200xf32>
    %exp3A_120 = math.exp %dot_general3A_119 : vector<200x200xf32>
    %convert_element_type3A_121 = arith.truncf %exp3A_120 : vector<200x200xf32> to vector<200x200xbf16>
    %dot_general3A_122 = arith.constant dense<0.000000e+00> : vector<200x128xf32>
    %dot_general3A_123 = tpu.matmul %convert_element_type3A_121, %concatenate3A_117, %dot_general3A_122 {dimension_numbers = #tpu.dot_dimension_numbers<[1], [0], [0], [1], [0, 0, 1, 1], [], []>, transpose_lhs_hint = false} : vector<200x200xbf16>, vector<200x128xbf16>, vector<200x128xf32> -> vector<200x128xf32>
    %slice3A_124 = vector.extract_strided_slice %dot_general3A_123 {offsets = [0, 0], sizes = [200, 64], strides = [1, 1]} : vector<200x128xf32> to vector<200x64xf32>
    %slice3A_125 = vector.extract_strided_slice %dot_general3A_123 {offsets = [0, 64], sizes = [200, 1], strides = [1, 1]} : vector<200x128xf32> to vector<200x1xf32>
    %div3A_126 = vector.broadcast %slice3A_125 : vector<200x1xf32> to vector<200x64xf32>
    %div3A_127 = arith.divf %slice3A_124, %div3A_126 : vector<200x64xf32>
    %convert_element_type3A_128 = arith.truncf %div3A_127 : vector<200x64xf32> to vector<200x64xbf16>
    %slice3A_129 = vector.extract_strided_slice %add3A_10 {offsets = [0, 256], sizes = [200, 64], strides = [1, 1]} : vector<800x2304xf32> to vector<200x64xf32>
    %mul3A_130 = arith.constant 1.250000e-01 : f32
    %mul3A_131 = vector.broadcast %mul3A_130 : f32 to vector<200x64xf32>
    %mul3A_132 = arith.mulf %slice3A_129, %mul3A_131 : vector<200x64xf32>
    %convert_element_type3A_133 = arith.truncf %mul3A_132 : vector<200x64xf32> to vector<200x64xbf16>
    %slice3A_134 = vector.extract_strided_slice %convert_element_type3A {offsets = [0, 256], sizes = [200, 64], strides = [1, 1]} : vector<800x768xbf16> to vector<200x64xbf16>
    %slice3A_135 = vector.extract_strided_slice %mul3A_45 {offsets = [0, 256], sizes = [200, 64], strides = [1, 1]} : vector<800x768xbf16> to vector<200x64xbf16>
    %slice3A_136 = vector.extract_strided_slice %broadcast_in_dim3A_50 {offsets = [0, 0], sizes = [200, 64], strides = [1, 1]} : vector<800x64xbf16> to vector<200x64xbf16>
    %concatenate3A_137 = tpu.concatenate %slice3A_135, %slice3A_136 in 1 : vector<200x64xbf16>, vector<200x64xbf16> -> vector<200x128xbf16>
    %dot_general3A_138 = arith.constant dense<0.000000e+00> : vector<200x200xf32>
    %dot_general3A_139 = tpu.matmul %convert_element_type3A_133, %slice3A_134, %dot_general3A_138 {dimension_numbers = #tpu.dot_dimension_numbers<[1], [1], [0], [0], [0, 0, 1, 0], [], []>, transpose_lhs_hint = false} : vector<200x64xbf16>, vector<200x64xbf16>, vector<200x200xf32> -> vector<200x200xf32>
    %exp3A_140 = math.exp %dot_general3A_139 : vector<200x200xf32>
    %convert_element_type3A_141 = arith.truncf %exp3A_140 : vector<200x200xf32> to vector<200x200xbf16>
    %dot_general3A_142 = arith.constant dense<0.000000e+00> : vector<200x128xf32>
    %dot_general3A_143 = tpu.matmul %convert_element_type3A_141, %concatenate3A_137, %dot_general3A_142 {dimension_numbers = #tpu.dot_dimension_numbers<[1], [0], [0], [1], [0, 0, 1, 1], [], []>, transpose_lhs_hint = false} : vector<200x200xbf16>, vector<200x128xbf16>, vector<200x128xf32> -> vector<200x128xf32>
    %slice3A_144 = vector.extract_strided_slice %dot_general3A_143 {offsets = [0, 0], sizes = [200, 64], strides = [1, 1]} : vector<200x128xf32> to vector<200x64xf32>
    %slice3A_145 = vector.extract_strided_slice %dot_general3A_143 {offsets = [0, 64], sizes = [200, 1], strides = [1, 1]} : vector<200x128xf32> to vector<200x1xf32>
    %div3A_146 = vector.broadcast %slice3A_145 : vector<200x1xf32> to vector<200x64xf32>
    %div3A_147 = arith.divf %slice3A_144, %div3A_146 : vector<200x64xf32>
    %convert_element_type3A_148 = arith.truncf %div3A_147 : vector<200x64xf32> to vector<200x64xbf16>
    %slice3A_149 = vector.extract_strided_slice %add3A_10 {offsets = [0, 320], sizes = [200, 64], strides = [1, 1]} : vector<800x2304xf32> to vector<200x64xf32>
    %mul3A_150 = arith.constant 1.250000e-01 : f32
    %mul3A_151 = vector.broadcast %mul3A_150 : f32 to vector<200x64xf32>
    %mul3A_152 = arith.mulf %slice3A_149, %mul3A_151 : vector<200x64xf32>
    %convert_element_type3A_153 = arith.truncf %mul3A_152 : vector<200x64xf32> to vector<200x64xbf16>
    %slice3A_154 = vector.extract_strided_slice %convert_element_type3A {offsets = [0, 320], sizes = [200, 64], strides = [1, 1]} : vector<800x768xbf16> to vector<200x64xbf16>
    %slice3A_155 = vector.extract_strided_slice %mul3A_45 {offsets = [0, 320], sizes = [200, 64], strides = [1, 1]} : vector<800x768xbf16> to vector<200x64xbf16>
    %slice3A_156 = vector.extract_strided_slice %broadcast_in_dim3A_50 {offsets = [0, 0], sizes = [200, 64], strides = [1, 1]} : vector<800x64xbf16> to vector<200x64xbf16>
    %concatenate3A_157 = tpu.concatenate %slice3A_155, %slice3A_156 in 1 : vector<200x64xbf16>, vector<200x64xbf16> -> vector<200x128xbf16>
    %dot_general3A_158 = arith.constant dense<0.000000e+00> : vector<200x200xf32>
    %dot_general3A_159 = tpu.matmul %convert_element_type3A_153, %slice3A_154, %dot_general3A_158 {dimension_numbers = #tpu.dot_dimension_numbers<[1], [1], [0], [0], [0, 0, 1, 0], [], []>, transpose_lhs_hint = false} : vector<200x64xbf16>, vector<200x64xbf16>, vector<200x200xf32> -> vector<200x200xf32>
    %exp3A_160 = math.exp %dot_general3A_159 : vector<200x200xf32>
    %convert_element_type3A_161 = arith.truncf %exp3A_160 : vector<200x200xf32> to vector<200x200xbf16>
    %dot_general3A_162 = arith.constant dense<0.000000e+00> : vector<200x128xf32>
    %dot_general3A_163 = tpu.matmul %convert_element_type3A_161, %concatenate3A_157, %dot_general3A_162 {dimension_numbers = #tpu.dot_dimension_numbers<[1], [0], [0], [1], [0, 0, 1, 1], [], []>, transpose_lhs_hint = false} : vector<200x200xbf16>, vector<200x128xbf16>, vector<200x128xf32> -> vector<200x128xf32>
    %slice3A_164 = vector.extract_strided_slice %dot_general3A_163 {offsets = [0, 0], sizes = [200, 64], strides = [1, 1]} : vector<200x128xf32> to vector<200x64xf32>
    %slice3A_165 = vector.extract_strided_slice %dot_general3A_163 {offsets = [0, 64], sizes = [200, 1], strides = [1, 1]} : vector<200x128xf32> to vector<200x1xf32>
    %div3A_166 = vector.broadcast %slice3A_165 : vector<200x1xf32> to vector<200x64xf32>
    %div3A_167 = arith.divf %slice3A_164, %div3A_166 : vector<200x64xf32>
    %convert_element_type3A_168 = arith.truncf %div3A_167 : vector<200x64xf32> to vector<200x64xbf16>
    %slice3A_169 = vector.extract_strided_slice %add3A_10 {offsets = [0, 384], sizes = [200, 64], strides = [1, 1]} : vector<800x2304xf32> to vector<200x64xf32>
    %mul3A_170 = arith.constant 1.250000e-01 : f32
    %mul3A_171 = vector.broadcast %mul3A_170 : f32 to vector<200x64xf32>
    %mul3A_172 = arith.mulf %slice3A_169, %mul3A_171 : vector<200x64xf32>
    %convert_element_type3A_173 = arith.truncf %mul3A_172 : vector<200x64xf32> to vector<200x64xbf16>
    %slice3A_174 = vector.extract_strided_slice %convert_element_type3A {offsets = [0, 384], sizes = [200, 64], strides = [1, 1]} : vector<800x768xbf16> to vector<200x64xbf16>
    %slice3A_175 = vector.extract_strided_slice %mul3A_45 {offsets = [0, 384], sizes = [200, 64], strides = [1, 1]} : vector<800x768xbf16> to vector<200x64xbf16>
    %slice3A_176 = vector.extract_strided_slice %broadcast_in_dim3A_50 {offsets = [0, 0], sizes = [200, 64], strides = [1, 1]} : vector<800x64xbf16> to vector<200x64xbf16>
    %concatenate3A_177 = tpu.concatenate %slice3A_175, %slice3A_176 in 1 : vector<200x64xbf16>, vector<200x64xbf16> -> vector<200x128xbf16>
    %dot_general3A_178 = arith.constant dense<0.000000e+00> : vector<200x200xf32>
    %dot_general3A_179 = tpu.matmul %convert_element_type3A_173, %slice3A_174, %dot_general3A_178 {dimension_numbers = #tpu.dot_dimension_numbers<[1], [1], [0], [0], [0, 0, 1, 0], [], []>, transpose_lhs_hint = false} : vector<200x64xbf16>, vector<200x64xbf16>, vector<200x200xf32> -> vector<200x200xf32>
    %exp3A_180 = math.exp %dot_general3A_179 : vector<200x200xf32>
    %convert_element_type3A_181 = arith.truncf %exp3A_180 : vector<200x200xf32> to vector<200x200xbf16>
    %dot_general3A_182 = arith.constant dense<0.000000e+00> : vector<200x128xf32>
    %dot_general3A_183 = tpu.matmul %convert_element_type3A_181, %concatenate3A_177, %dot_general3A_182 {dimension_numbers = #tpu.dot_dimension_numbers<[1], [0], [0], [1], [0, 0, 1, 1], [], []>, transpose_lhs_hint = false} : vector<200x200xbf16>, vector<200x128xbf16>, vector<200x128xf32> -> vector<200x128xf32>
    %slice3A_184 = vector.extract_strided_slice %dot_general3A_183 {offsets = [0, 0], sizes = [200, 64], strides = [1, 1]} : vector<200x128xf32> to vector<200x64xf32>
    %slice3A_185 = vector.extract_strided_slice %dot_general3A_183 {offsets = [0, 64], sizes = [200, 1], strides = [1, 1]} : vector<200x128xf32> to vector<200x1xf32>
    %div3A_186 = vector.broadcast %slice3A_185 : vector<200x1xf32> to vector<200x64xf32>
    %div3A_187 = arith.divf %slice3A_184, %div3A_186 : vector<200x64xf32>
    %convert_element_type3A_188 = arith.truncf %div3A_187 : vector<200x64xf32> to vector<200x64xbf16>
    %slice3A_189 = vector.extract_strided_slice %add3A_10 {offsets = [0, 448], sizes = [200, 64], strides = [1, 1]} : vector<800x2304xf32> to vector<200x64xf32>
    %mul3A_190 = arith.constant 1.250000e-01 : f32
    %mul3A_191 = vector.broadcast %mul3A_190 : f32 to vector<200x64xf32>
    %mul3A_192 = arith.mulf %slice3A_189, %mul3A_191 : vector<200x64xf32>
    %convert_element_type3A_193 = arith.truncf %mul3A_192 : vector<200x64xf32> to vector<200x64xbf16>
    %slice3A_194 = vector.extract_strided_slice %convert_element_type3A {offsets = [0, 448], sizes = [200, 64], strides = [1, 1]} : vector<800x768xbf16> to vector<200x64xbf16>
    %slice3A_195 = vector.extract_strided_slice %mul3A_45 {offsets = [0, 448], sizes = [200, 64], strides = [1, 1]} : vector<800x768xbf16> to vector<200x64xbf16>
    %slice3A_196 = vector.extract_strided_slice %broadcast_in_dim3A_50 {offsets = [0, 0], sizes = [200, 64], strides = [1, 1]} : vector<800x64xbf16> to vector<200x64xbf16>
    %concatenate3A_197 = tpu.concatenate %slice3A_195, %slice3A_196 in 1 : vector<200x64xbf16>, vector<200x64xbf16> -> vector<200x128xbf16>
    %dot_general3A_198 = arith.constant dense<0.000000e+00> : vector<200x200xf32>
    %dot_general3A_199 = tpu.matmul %convert_element_type3A_193, %slice3A_194, %dot_general3A_198 {dimension_numbers = #tpu.dot_dimension_numbers<[1], [1], [0], [0], [0, 0, 1, 0], [], []>, transpose_lhs_hint = false} : vector<200x64xbf16>, vector<200x64xbf16>, vector<200x200xf32> -> vector<200x200xf32>
    %exp3A_200 = math.exp %dot_general3A_199 : vector<200x200xf32>
    %convert_element_type3A_201 = arith.truncf %exp3A_200 : vector<200x200xf32> to vector<200x200xbf16>
    %dot_general3A_202 = arith.constant dense<0.000000e+00> : vector<200x128xf32>
    %dot_general3A_203 = tpu.matmul %convert_element_type3A_201, %concatenate3A_197, %dot_general3A_202 {dimension_numbers = #tpu.dot_dimension_numbers<[1], [0], [0], [1], [0, 0, 1, 1], [], []>, transpose_lhs_hint = false} : vector<200x200xbf16>, vector<200x128xbf16>, vector<200x128xf32> -> vector<200x128xf32>
    %slice3A_204 = vector.extract_strided_slice %dot_general3A_203 {offsets = [0, 0], sizes = [200, 64], strides = [1, 1]} : vector<200x128xf32> to vector<200x64xf32>
    %slice3A_205 = vector.extract_strided_slice %dot_general3A_203 {offsets = [0, 64], sizes = [200, 1], strides = [1, 1]} : vector<200x128xf32> to vector<200x1xf32>
    %div3A_206 = vector.broadcast %slice3A_205 : vector<200x1xf32> to vector<200x64xf32>
    %div3A_207 = arith.divf %slice3A_204, %div3A_206 : vector<200x64xf32>
    %convert_element_type3A_208 = arith.truncf %div3A_207 : vector<200x64xf32> to vector<200x64xbf16>
    %slice3A_209 = vector.extract_strided_slice %add3A_10 {offsets = [0, 512], sizes = [200, 64], strides = [1, 1]} : vector<800x2304xf32> to vector<200x64xf32>
    %mul3A_210 = arith.constant 1.250000e-01 : f32
    %mul3A_211 = vector.broadcast %mul3A_210 : f32 to vector<200x64xf32>
    %mul3A_212 = arith.mulf %slice3A_209, %mul3A_211 : vector<200x64xf32>
    %convert_element_type3A_213 = arith.truncf %mul3A_212 : vector<200x64xf32> to vector<200x64xbf16>
    %slice3A_214 = vector.extract_strided_slice %convert_element_type3A {offsets = [0, 512], sizes = [200, 64], strides = [1, 1]} : vector<800x768xbf16> to vector<200x64xbf16>
    %slice3A_215 = vector.extract_strided_slice %mul3A_45 {offsets = [0, 512], sizes = [200, 64], strides = [1, 1]} : vector<800x768xbf16> to vector<200x64xbf16>
    %slice3A_216 = vector.extract_strided_slice %broadcast_in_dim3A_50 {offsets = [0, 0], sizes = [200, 64], strides = [1, 1]} : vector<800x64xbf16> to vector<200x64xbf16>
    %concatenate3A_217 = tpu.concatenate %slice3A_215, %slice3A_216 in 1 : vector<200x64xbf16>, vector<200x64xbf16> -> vector<200x128xbf16>
    %dot_general3A_218 = arith.constant dense<0.000000e+00> : vector<200x200xf32>
    %dot_general3A_219 = tpu.matmul %convert_element_type3A_213, %slice3A_214, %dot_general3A_218 {dimension_numbers = #tpu.dot_dimension_numbers<[1], [1], [0], [0], [0, 0, 1, 0], [], []>, transpose_lhs_hint = false} : vector<200x64xbf16>, vector<200x64xbf16>, vector<200x200xf32> -> vector<200x200xf32>
    %exp3A_220 = math.exp %dot_general3A_219 : vector<200x200xf32>
    %convert_element_type3A_221 = arith.truncf %exp3A_220 : vector<200x200xf32> to vector<200x200xbf16>
    %dot_general3A_222 = arith.constant dense<0.000000e+00> : vector<200x128xf32>
    %dot_general3A_223 = tpu.matmul %convert_element_type3A_221, %concatenate3A_217, %dot_general3A_222 {dimension_numbers = #tpu.dot_dimension_numbers<[1], [0], [0], [1], [0, 0, 1, 1], [], []>, transpose_lhs_hint = false} : vector<200x200xbf16>, vector<200x128xbf16>, vector<200x128xf32> -> vector<200x128xf32>
    %slice3A_224 = vector.extract_strided_slice %dot_general3A_223 {offsets = [0, 0], sizes = [200, 64], strides = [1, 1]} : vector<200x128xf32> to vector<200x64xf32>
    %slice3A_225 = vector.extract_strided_slice %dot_general3A_223 {offsets = [0, 64], sizes = [200, 1], strides = [1, 1]} : vector<200x128xf32> to vector<200x1xf32>
    %div3A_226 = vector.broadcast %slice3A_225 : vector<200x1xf32> to vector<200x64xf32>
    %div3A_227 = arith.divf %slice3A_224, %div3A_226 : vector<200x64xf32>
    %convert_element_type3A_228 = arith.truncf %div3A_227 : vector<200x64xf32> to vector<200x64xbf16>
    %slice3A_229 = vector.extract_strided_slice %add3A_10 {offsets = [0, 576], sizes = [200, 64], strides = [1, 1]} : vector<800x2304xf32> to vector<200x64xf32>
    %mul3A_230 = arith.constant 1.250000e-01 : f32
    %mul3A_231 = vector.broadcast %mul3A_230 : f32 to vector<200x64xf32>
    %mul3A_232 = arith.mulf %slice3A_229, %mul3A_231 : vector<200x64xf32>
    %convert_element_type3A_233 = arith.truncf %mul3A_232 : vector<200x64xf32> to vector<200x64xbf16>
    %slice3A_234 = vector.extract_strided_slice %convert_element_type3A {offsets = [0, 576], sizes = [200, 64], strides = [1, 1]} : vector<800x768xbf16> to vector<200x64xbf16>
    %slice3A_235 = vector.extract_strided_slice %mul3A_45 {offsets = [0, 576], sizes = [200, 64], strides = [1, 1]} : vector<800x768xbf16> to vector<200x64xbf16>
    %slice3A_236 = vector.extract_strided_slice %broadcast_in_dim3A_50 {offsets = [0, 0], sizes = [200, 64], strides = [1, 1]} : vector<800x64xbf16> to vector<200x64xbf16>
    %concatenate3A_237 = tpu.concatenate %slice3A_235, %slice3A_236 in 1 : vector<200x64xbf16>, vector<200x64xbf16> -> vector<200x128xbf16>
    %dot_general3A_238 = arith.constant dense<0.000000e+00> : vector<200x200xf32>
    %dot_general3A_239 = tpu.matmul %convert_element_type3A_233, %slice3A_234, %dot_general3A_238 {dimension_numbers = #tpu.dot_dimension_numbers<[1], [1], [0], [0], [0, 0, 1, 0], [], []>, transpose_lhs_hint = false} : vector<200x64xbf16>, vector<200x64xbf16>, vector<200x200xf32> -> vector<200x200xf32>
    %exp3A_240 = math.exp %dot_general3A_239 : vector<200x200xf32>
    %convert_element_type3A_241 = arith.truncf %exp3A_240 : vector<200x200xf32> to vector<200x200xbf16>
    %dot_general3A_242 = arith.constant dense<0.000000e+00> : vector<200x128xf32>
    %dot_general3A_243 = tpu.matmul %convert_element_type3A_241, %concatenate3A_237, %dot_general3A_242 {dimension_numbers = #tpu.dot_dimension_numbers<[1], [0], [0], [1], [0, 0, 1, 1], [], []>, transpose_lhs_hint = false} : vector<200x200xbf16>, vector<200x128xbf16>, vector<200x128xf32> -> vector<200x128xf32>
    %slice3A_244 = vector.extract_strided_slice %dot_general3A_243 {offsets = [0, 0], sizes = [200, 64], strides = [1, 1]} : vector<200x128xf32> to vector<200x64xf32>
    %slice3A_245 = vector.extract_strided_slice %dot_general3A_243 {offsets = [0, 64], sizes = [200, 1], strides = [1, 1]} : vector<200x128xf32> to vector<200x1xf32>
    %div3A_246 = vector.broadcast %slice3A_245 : vector<200x1xf32> to vector<200x64xf32>
    %div3A_247 = arith.divf %slice3A_244, %div3A_246 : vector<200x64xf32>
    %convert_element_type3A_248 = arith.truncf %div3A_247 : vector<200x64xf32> to vector<200x64xbf16>
    %slice3A_249 = vector.extract_strided_slice %add3A_10 {offsets = [0, 640], sizes = [200, 64], strides = [1, 1]} : vector<800x2304xf32> to vector<200x64xf32>
    %mul3A_250 = arith.constant 1.250000e-01 : f32
    %mul3A_251 = vector.broadcast %mul3A_250 : f32 to vector<200x64xf32>
    %mul3A_252 = arith.mulf %slice3A_249, %mul3A_251 : vector<200x64xf32>
    %convert_element_type3A_253 = arith.truncf %mul3A_252 : vector<200x64xf32> to vector<200x64xbf16>
    %slice3A_254 = vector.extract_strided_slice %convert_element_type3A {offsets = [0, 640], sizes = [200, 64], strides = [1, 1]} : vector<800x768xbf16> to vector<200x64xbf16>
    %slice3A_255 = vector.extract_strided_slice %mul3A_45 {offsets = [0, 640], sizes = [200, 64], strides = [1, 1]} : vector<800x768xbf16> to vector<200x64xbf16>
    %slice3A_256 = vector.extract_strided_slice %broadcast_in_dim3A_50 {offsets = [0, 0], sizes = [200, 64], strides = [1, 1]} : vector<800x64xbf16> to vector<200x64xbf16>
    %concatenate3A_257 = tpu.concatenate %slice3A_255, %slice3A_256 in 1 : vector<200x64xbf16>, vector<200x64xbf16> -> vector<200x128xbf16>
    %dot_general3A_258 = arith.constant dense<0.000000e+00> : vector<200x200xf32>
    %dot_general3A_259 = tpu.matmul %convert_element_type3A_253, %slice3A_254, %dot_general3A_258 {dimension_numbers = #tpu.dot_dimension_numbers<[1], [1], [0], [0], [0, 0, 1, 0], [], []>, transpose_lhs_hint = false} : vector<200x64xbf16>, vector<200x64xbf16>, vector<200x200xf32> -> vector<200x200xf32>
    %exp3A_260 = math.exp %dot_general3A_259 : vector<200x200xf32>
    %convert_element_type3A_261 = arith.truncf %exp3A_260 : vector<200x200xf32> to vector<200x200xbf16>
    %dot_general3A_262 = arith.constant dense<0.000000e+00> : vector<200x128xf32>
    %dot_general3A_263 = tpu.matmul %convert_element_type3A_261, %concatenate3A_257, %dot_general3A_262 {dimension_numbers = #tpu.dot_dimension_numbers<[1], [0], [0], [1], [0, 0, 1, 1], [], []>, transpose_lhs_hint = false} : vector<200x200xbf16>, vector<200x128xbf16>, vector<200x128xf32> -> vector<200x128xf32>
    %slice3A_264 = vector.extract_strided_slice %dot_general3A_263 {offsets = [0, 0], sizes = [200, 64], strides = [1, 1]} : vector<200x128xf32> to vector<200x64xf32>
    %slice3A_265 = vector.extract_strided_slice %dot_general3A_263 {offsets = [0, 64], sizes = [200, 1], strides = [1, 1]} : vector<200x128xf32> to vector<200x1xf32>
    %div3A_266 = vector.broadcast %slice3A_265 : vector<200x1xf32> to vector<200x64xf32>
    %div3A_267 = arith.divf %slice3A_264, %div3A_266 : vector<200x64xf32>
    %convert_element_type3A_268 = arith.truncf %div3A_267 : vector<200x64xf32> to vector<200x64xbf16>
    %slice3A_269 = vector.extract_strided_slice %add3A_10 {offsets = [0, 704], sizes = [200, 64], strides = [1, 1]} : vector<800x2304xf32> to vector<200x64xf32>
    %mul3A_270 = arith.constant 1.250000e-01 : f32
    %mul3A_271 = vector.broadcast %mul3A_270 : f32 to vector<200x64xf32>
    %mul3A_272 = arith.mulf %slice3A_269, %mul3A_271 : vector<200x64xf32>
    %convert_element_type3A_273 = arith.truncf %mul3A_272 : vector<200x64xf32> to vector<200x64xbf16>
    %slice3A_274 = vector.extract_strided_slice %convert_element_type3A {offsets = [0, 704], sizes = [200, 64], strides = [1, 1]} : vector<800x768xbf16> to vector<200x64xbf16>
    %slice3A_275 = vector.extract_strided_slice %mul3A_45 {offsets = [0, 704], sizes = [200, 64], strides = [1, 1]} : vector<800x768xbf16> to vector<200x64xbf16>
    %slice3A_276 = vector.extract_strided_slice %broadcast_in_dim3A_50 {offsets = [0, 0], sizes = [200, 64], strides = [1, 1]} : vector<800x64xbf16> to vector<200x64xbf16>
    %concatenate3A_277 = tpu.concatenate %slice3A_275, %slice3A_276 in 1 : vector<200x64xbf16>, vector<200x64xbf16> -> vector<200x128xbf16>
    %dot_general3A_278 = arith.constant dense<0.000000e+00> : vector<200x200xf32>
    %dot_general3A_279 = tpu.matmul %convert_element_type3A_273, %slice3A_274, %dot_general3A_278 {dimension_numbers = #tpu.dot_dimension_numbers<[1], [1], [0], [0], [0, 0, 1, 0], [], []>, transpose_lhs_hint = false} : vector<200x64xbf16>, vector<200x64xbf16>, vector<200x200xf32> -> vector<200x200xf32>
    %exp3A_280 = math.exp %dot_general3A_279 : vector<200x200xf32>
    %convert_element_type3A_281 = arith.truncf %exp3A_280 : vector<200x200xf32> to vector<200x200xbf16>
    %dot_general3A_282 = arith.constant dense<0.000000e+00> : vector<200x128xf32>
    %dot_general3A_283 = tpu.matmul %convert_element_type3A_281, %concatenate3A_277, %dot_general3A_282 {dimension_numbers = #tpu.dot_dimension_numbers<[1], [0], [0], [1], [0, 0, 1, 1], [], []>, transpose_lhs_hint = false} : vector<200x200xbf16>, vector<200x128xbf16>, vector<200x128xf32> -> vector<200x128xf32>
    %slice3A_284 = vector.extract_strided_slice %dot_general3A_283 {offsets = [0, 0], sizes = [200, 64], strides = [1, 1]} : vector<200x128xf32> to vector<200x64xf32>
    %slice3A_285 = vector.extract_strided_slice %dot_general3A_283 {offsets = [0, 64], sizes = [200, 1], strides = [1, 1]} : vector<200x128xf32> to vector<200x1xf32>
    %div3A_286 = vector.broadcast %slice3A_285 : vector<200x1xf32> to vector<200x64xf32>
    %div3A_287 = arith.divf %slice3A_284, %div3A_286 : vector<200x64xf32>
    %convert_element_type3A_288 = arith.truncf %div3A_287 : vector<200x64xf32> to vector<200x64xbf16>
    %concatenate3A_289 = tpu.concatenate %convert_element_type3A_68, %convert_element_type3A_88, %convert_element_type3A_108, %convert_element_type3A_128, %convert_element_type3A_148, %convert_element_type3A_168, %convert_element_type3A_188, %convert_element_type3A_208, %convert_element_type3A_228, %convert_element_type3A_248, %convert_element_type3A_268, %convert_element_type3A_288 in 1 : vector<200x64xbf16>, vector<200x64xbf16>, vector<200x64xbf16>, vector<200x64xbf16>, vector<200x64xbf16>, vector<200x64xbf16>, vector<200x64xbf16>, vector<200x64xbf16>, vector<200x64xbf16>, vector<200x64xbf16>, vector<200x64xbf16>, vector<200x64xbf16> -> vector<200x768xbf16>
    %get3A_290 = arith.constant 0 : index
    %get3A_291 = arith.constant 0 : index
    %get3A_292 = vector.load %arg4[%get3A_290, %get3A_291] : memref<768x768xbf16, #tpu.memory_space<vmem>>, vector<768x768xbf16>
    %dot_general3A_293 = arith.constant dense<0.000000e+00> : vector<200x768xf32>
    %dot_general3A_294 = tpu.matmul %concatenate3A_289, %get3A_292, %dot_general3A_293 {dimension_numbers = #tpu.dot_dimension_numbers<[1], [0], [0], [1], [0, 0, 1, 1], [], []>, transpose_lhs_hint = false} : vector<200x768xbf16>, vector<768x768xbf16>, vector<200x768xf32> -> vector<200x768xf32>
    %get3A_295 = arith.constant 0 : index
    %get3A_296 = arith.constant 0 : index
    %get3A_297 = vector.load %arg5[%get3A_295, %get3A_296] : memref<1x768xf32, #tpu.memory_space<vmem>>, vector<1x768xf32>
    %get3A_298 = vector.shape_cast %get3A_297 : vector<1x768xf32> to vector<768xf32>
    %broadcast_in_dim3A_299 = vector.shape_cast %get3A_298 : vector<768xf32> to vector<1x768xf32>
    %add3A_300 = vector.broadcast %broadcast_in_dim3A_299 : vector<1x768xf32> to vector<200x768xf32>
    %add3A_301 = arith.addf %dot_general3A_294, %add3A_300 : vector<200x768xf32>
    %convert_element_type3A_302 = arith.truncf %add3A_301 : vector<200x768xf32> to vector<200x768xbf16>
    %slice3A_303 = vector.extract_strided_slice %convert_element_type3A_302 {offsets = [0, 0], sizes = [196, 768], strides = [1, 1]} : vector<200x768xbf16> to vector<196x768xbf16>
    %slice3A_304 = vector.extract_strided_slice %convert_element_type3A {offsets = [0, 0], sizes = [196, 768], strides = [1, 1]} : vector<800x768xbf16> to vector<196x768xbf16>
    %slice3A_305 = vector.extract_strided_slice %mul3A_45 {offsets = [0, 0], sizes = [196, 768], strides = [1, 1]} : vector<800x768xbf16> to vector<196x768xbf16>
    %slice3A_306 = vector.extract_strided_slice %add3A_10 {offsets = [200, 0], sizes = [200, 64], strides = [1, 1]} : vector<800x2304xf32> to vector<200x64xf32>
    %mul3A_307 = arith.constant 1.250000e-01 : f32
    %mul3A_308 = vector.broadcast %mul3A_307 : f32 to vector<200x64xf32>
    %mul3A_309 = arith.mulf %slice3A_306, %mul3A_308 : vector<200x64xf32>
    %convert_element_type3A_310 = arith.truncf %mul3A_309 : vector<200x64xf32> to vector<200x64xbf16>
    %slice3A_311 = vector.extract_strided_slice %convert_element_type3A {offsets = [200, 0], sizes = [200, 64], strides = [1, 1]} : vector<800x768xbf16> to vector<200x64xbf16>
    %slice3A_312 = vector.extract_strided_slice %mul3A_45 {offsets = [200, 0], sizes = [200, 64], strides = [1, 1]} : vector<800x768xbf16> to vector<200x64xbf16>
    %slice3A_313 = vector.extract_strided_slice %broadcast_in_dim3A_50 {offsets = [200, 0], sizes = [200, 64], strides = [1, 1]} : vector<800x64xbf16> to vector<200x64xbf16>
    %concatenate3A_314 = tpu.concatenate %slice3A_312, %slice3A_313 in 1 : vector<200x64xbf16>, vector<200x64xbf16> -> vector<200x128xbf16>
    %dot_general3A_315 = arith.constant dense<0.000000e+00> : vector<200x200xf32>
    %dot_general3A_316 = tpu.matmul %convert_element_type3A_310, %slice3A_311, %dot_general3A_315 {dimension_numbers = #tpu.dot_dimension_numbers<[1], [1], [0], [0], [0, 0, 1, 0], [], []>, transpose_lhs_hint = false} : vector<200x64xbf16>, vector<200x64xbf16>, vector<200x200xf32> -> vector<200x200xf32>
    %exp3A_317 = math.exp %dot_general3A_316 : vector<200x200xf32>
    %convert_element_type3A_318 = arith.truncf %exp3A_317 : vector<200x200xf32> to vector<200x200xbf16>
    %dot_general3A_319 = arith.constant dense<0.000000e+00> : vector<200x128xf32>
    %dot_general3A_320 = tpu.matmul %convert_element_type3A_318, %concatenate3A_314, %dot_general3A_319 {dimension_numbers = #tpu.dot_dimension_numbers<[1], [0], [0], [1], [0, 0, 1, 1], [], []>, transpose_lhs_hint = false} : vector<200x200xbf16>, vector<200x128xbf16>, vector<200x128xf32> -> vector<200x128xf32>
    %slice3A_321 = vector.extract_strided_slice %dot_general3A_320 {offsets = [0, 0], sizes = [200, 64], strides = [1, 1]} : vector<200x128xf32> to vector<200x64xf32>
    %slice3A_322 = vector.extract_strided_slice %dot_general3A_320 {offsets = [0, 64], sizes = [200, 1], strides = [1, 1]} : vector<200x128xf32> to vector<200x1xf32>
    %div3A_323 = vector.broadcast %slice3A_322 : vector<200x1xf32> to vector<200x64xf32>
    %div3A_324 = arith.divf %slice3A_321, %div3A_323 : vector<200x64xf32>
    %convert_element_type3A_325 = arith.truncf %div3A_324 : vector<200x64xf32> to vector<200x64xbf16>
    %slice3A_326 = vector.extract_strided_slice %add3A_10 {offsets = [200, 64], sizes = [200, 64], strides = [1, 1]} : vector<800x2304xf32> to vector<200x64xf32>
    %mul3A_327 = arith.constant 1.250000e-01 : f32
    %mul3A_328 = vector.broadcast %mul3A_327 : f32 to vector<200x64xf32>
    %mul3A_329 = arith.mulf %slice3A_326, %mul3A_328 : vector<200x64xf32>
    %convert_element_type3A_330 = arith.truncf %mul3A_329 : vector<200x64xf32> to vector<200x64xbf16>
    %slice3A_331 = vector.extract_strided_slice %convert_element_type3A {offsets = [200, 64], sizes = [200, 64], strides = [1, 1]} : vector<800x768xbf16> to vector<200x64xbf16>
    %slice3A_332 = vector.extract_strided_slice %mul3A_45 {offsets = [200, 64], sizes = [200, 64], strides = [1, 1]} : vector<800x768xbf16> to vector<200x64xbf16>
    %slice3A_333 = vector.extract_strided_slice %broadcast_in_dim3A_50 {offsets = [200, 0], sizes = [200, 64], strides = [1, 1]} : vector<800x64xbf16> to vector<200x64xbf16>
    %concatenate3A_334 = tpu.concatenate %slice3A_332, %slice3A_333 in 1 : vector<200x64xbf16>, vector<200x64xbf16> -> vector<200x128xbf16>
    %dot_general3A_335 = arith.constant dense<0.000000e+00> : vector<200x200xf32>
    %dot_general3A_336 = tpu.matmul %convert_element_type3A_330, %slice3A_331, %dot_general3A_335 {dimension_numbers = #tpu.dot_dimension_numbers<[1], [1], [0], [0], [0, 0, 1, 0], [], []>, transpose_lhs_hint = false} : vector<200x64xbf16>, vector<200x64xbf16>, vector<200x200xf32> -> vector<200x200xf32>
    %exp3A_337 = math.exp %dot_general3A_336 : vector<200x200xf32>
    %convert_element_type3A_338 = arith.truncf %exp3A_337 : vector<200x200xf32> to vector<200x200xbf16>
    %dot_general3A_339 = arith.constant dense<0.000000e+00> : vector<200x128xf32>
    %dot_general3A_340 = tpu.matmul %convert_element_type3A_338, %concatenate3A_334, %dot_general3A_339 {dimension_numbers = #tpu.dot_dimension_numbers<[1], [0], [0], [1], [0, 0, 1, 1], [], []>, transpose_lhs_hint = false} : vector<200x200xbf16>, vector<200x128xbf16>, vector<200x128xf32> -> vector<200x128xf32>
    %slice3A_341 = vector.extract_strided_slice %dot_general3A_340 {offsets = [0, 0], sizes = [200, 64], strides = [1, 1]} : vector<200x128xf32> to vector<200x64xf32>
    %slice3A_342 = vector.extract_strided_slice %dot_general3A_340 {offsets = [0, 64], sizes = [200, 1], strides = [1, 1]} : vector<200x128xf32> to vector<200x1xf32>
    %div3A_343 = vector.broadcast %slice3A_342 : vector<200x1xf32> to vector<200x64xf32>
    %div3A_344 = arith.divf %slice3A_341, %div3A_343 : vector<200x64xf32>
    %convert_element_type3A_345 = arith.truncf %div3A_344 : vector<200x64xf32> to vector<200x64xbf16>
    %slice3A_346 = vector.extract_strided_slice %add3A_10 {offsets = [200, 128], sizes = [200, 64], strides = [1, 1]} : vector<800x2304xf32> to vector<200x64xf32>
    %mul3A_347 = arith.constant 1.250000e-01 : f32
    %mul3A_348 = vector.broadcast %mul3A_347 : f32 to vector<200x64xf32>
    %mul3A_349 = arith.mulf %slice3A_346, %mul3A_348 : vector<200x64xf32>
    %convert_element_type3A_350 = arith.truncf %mul3A_349 : vector<200x64xf32> to vector<200x64xbf16>
    %slice3A_351 = vector.extract_strided_slice %convert_element_type3A {offsets = [200, 128], sizes = [200, 64], strides = [1, 1]} : vector<800x768xbf16> to vector<200x64xbf16>
    %slice3A_352 = vector.extract_strided_slice %mul3A_45 {offsets = [200, 128], sizes = [200, 64], strides = [1, 1]} : vector<800x768xbf16> to vector<200x64xbf16>
    %slice3A_353 = vector.extract_strided_slice %broadcast_in_dim3A_50 {offsets = [200, 0], sizes = [200, 64], strides = [1, 1]} : vector<800x64xbf16> to vector<200x64xbf16>
    %concatenate3A_354 = tpu.concatenate %slice3A_352, %slice3A_353 in 1 : vector<200x64xbf16>, vector<200x64xbf16> -> vector<200x128xbf16>
    %dot_general3A_355 = arith.constant dense<0.000000e+00> : vector<200x200xf32>
    %dot_general3A_356 = tpu.matmul %convert_element_type3A_350, %slice3A_351, %dot_general3A_355 {dimension_numbers = #tpu.dot_dimension_numbers<[1], [1], [0], [0], [0, 0, 1, 0], [], []>, transpose_lhs_hint = false} : vector<200x64xbf16>, vector<200x64xbf16>, vector<200x200xf32> -> vector<200x200xf32>
    %exp3A_357 = math.exp %dot_general3A_356 : vector<200x200xf32>
    %convert_element_type3A_358 = arith.truncf %exp3A_357 : vector<200x200xf32> to vector<200x200xbf16>
    %dot_general3A_359 = arith.constant dense<0.000000e+00> : vector<200x128xf32>
    %dot_general3A_360 = tpu.matmul %convert_element_type3A_358, %concatenate3A_354, %dot_general3A_359 {dimension_numbers = #tpu.dot_dimension_numbers<[1], [0], [0], [1], [0, 0, 1, 1], [], []>, transpose_lhs_hint = false} : vector<200x200xbf16>, vector<200x128xbf16>, vector<200x128xf32> -> vector<200x128xf32>
    %slice3A_361 = vector.extract_strided_slice %dot_general3A_360 {offsets = [0, 0], sizes = [200, 64], strides = [1, 1]} : vector<200x128xf32> to vector<200x64xf32>
    %slice3A_362 = vector.extract_strided_slice %dot_general3A_360 {offsets = [0, 64], sizes = [200, 1], strides = [1, 1]} : vector<200x128xf32> to vector<200x1xf32>
    %div3A_363 = vector.broadcast %slice3A_362 : vector<200x1xf32> to vector<200x64xf32>
    %div3A_364 = arith.divf %slice3A_361, %div3A_363 : vector<200x64xf32>
    %convert_element_type3A_365 = arith.truncf %div3A_364 : vector<200x64xf32> to vector<200x64xbf16>
    %slice3A_366 = vector.extract_strided_slice %add3A_10 {offsets = [200, 192], sizes = [200, 64], strides = [1, 1]} : vector<800x2304xf32> to vector<200x64xf32>
    %mul3A_367 = arith.constant 1.250000e-01 : f32
    %mul3A_368 = vector.broadcast %mul3A_367 : f32 to vector<200x64xf32>
    %mul3A_369 = arith.mulf %slice3A_366, %mul3A_368 : vector<200x64xf32>
    %convert_element_type3A_370 = arith.truncf %mul3A_369 : vector<200x64xf32> to vector<200x64xbf16>
    %slice3A_371 = vector.extract_strided_slice %convert_element_type3A {offsets = [200, 192], sizes = [200, 64], strides = [1, 1]} : vector<800x768xbf16> to vector<200x64xbf16>
    %slice3A_372 = vector.extract_strided_slice %mul3A_45 {offsets = [200, 192], sizes = [200, 64], strides = [1, 1]} : vector<800x768xbf16> to vector<200x64xbf16>
    %slice3A_373 = vector.extract_strided_slice %broadcast_in_dim3A_50 {offsets = [200, 0], sizes = [200, 64], strides = [1, 1]} : vector<800x64xbf16> to vector<200x64xbf16>
    %concatenate3A_374 = tpu.concatenate %slice3A_372, %slice3A_373 in 1 : vector<200x64xbf16>, vector<200x64xbf16> -> vector<200x128xbf16>
    %dot_general3A_375 = arith.constant dense<0.000000e+00> : vector<200x200xf32>
    %dot_general3A_376 = tpu.matmul %convert_element_type3A_370, %slice3A_371, %dot_general3A_375 {dimension_numbers = #tpu.dot_dimension_numbers<[1], [1], [0], [0], [0, 0, 1, 0], [], []>, transpose_lhs_hint = false} : vector<200x64xbf16>, vector<200x64xbf16>, vector<200x200xf32> -> vector<200x200xf32>
    %exp3A_377 = math.exp %dot_general3A_376 : vector<200x200xf32>
    %convert_element_type3A_378 = arith.truncf %exp3A_377 : vector<200x200xf32> to vector<200x200xbf16>
    %dot_general3A_379 = arith.constant dense<0.000000e+00> : vector<200x128xf32>
    %dot_general3A_380 = tpu.matmul %convert_element_type3A_378, %concatenate3A_374, %dot_general3A_379 {dimension_numbers = #tpu.dot_dimension_numbers<[1], [0], [0], [1], [0, 0, 1, 1], [], []>, transpose_lhs_hint = false} : vector<200x200xbf16>, vector<200x128xbf16>, vector<200x128xf32> -> vector<200x128xf32>
    %slice3A_381 = vector.extract_strided_slice %dot_general3A_380 {offsets = [0, 0], sizes = [200, 64], strides = [1, 1]} : vector<200x128xf32> to vector<200x64xf32>
    %slice3A_382 = vector.extract_strided_slice %dot_general3A_380 {offsets = [0, 64], sizes = [200, 1], strides = [1, 1]} : vector<200x128xf32> to vector<200x1xf32>
    %div3A_383 = vector.broadcast %slice3A_382 : vector<200x1xf32> to vector<200x64xf32>
    %div3A_384 = arith.divf %slice3A_381, %div3A_383 : vector<200x64xf32>
    %convert_element_type3A_385 = arith.truncf %div3A_384 : vector<200x64xf32> to vector<200x64xbf16>
    %slice3A_386 = vector.extract_strided_slice %add3A_10 {offsets = [200, 256], sizes = [200, 64], strides = [1, 1]} : vector<800x2304xf32> to vector<200x64xf32>
    %mul3A_387 = arith.constant 1.250000e-01 : f32
    %mul3A_388 = vector.broadcast %mul3A_387 : f32 to vector<200x64xf32>
    %mul3A_389 = arith.mulf %slice3A_386, %mul3A_388 : vector<200x64xf32>
    %convert_element_type3A_390 = arith.truncf %mul3A_389 : vector<200x64xf32> to vector<200x64xbf16>
    %slice3A_391 = vector.extract_strided_slice %convert_element_type3A {offsets = [200, 256], sizes = [200, 64], strides = [1, 1]} : vector<800x768xbf16> to vector<200x64xbf16>
    %slice3A_392 = vector.extract_strided_slice %mul3A_45 {offsets = [200, 256], sizes = [200, 64], strides = [1, 1]} : vector<800x768xbf16> to vector<200x64xbf16>
    %slice3A_393 = vector.extract_strided_slice %broadcast_in_dim3A_50 {offsets = [200, 0], sizes = [200, 64], strides = [1, 1]} : vector<800x64xbf16> to vector<200x64xbf16>
    %concatenate3A_394 = tpu.concatenate %slice3A_392, %slice3A_393 in 1 : vector<200x64xbf16>, vector<200x64xbf16> -> vector<200x128xbf16>
    %dot_general3A_395 = arith.constant dense<0.000000e+00> : vector<200x200xf32>
    %dot_general3A_396 = tpu.matmul %convert_element_type3A_390, %slice3A_391, %dot_general3A_395 {dimension_numbers = #tpu.dot_dimension_numbers<[1], [1], [0], [0], [0, 0, 1, 0], [], []>, transpose_lhs_hint = false} : vector<200x64xbf16>, vector<200x64xbf16>, vector<200x200xf32> -> vector<200x200xf32>
    %exp3A_397 = math.exp %dot_general3A_396 : vector<200x200xf32>
    %convert_element_type3A_398 = arith.truncf %exp3A_397 : vector<200x200xf32> to vector<200x200xbf16>
    %dot_general3A_399 = arith.constant dense<0.000000e+00> : vector<200x128xf32>
    %dot_general3A_400 = tpu.matmul %convert_element_type3A_398, %concatenate3A_394, %dot_general3A_399 {dimension_numbers = #tpu.dot_dimension_numbers<[1], [0], [0], [1], [0, 0, 1, 1], [], []>, transpose_lhs_hint = false} : vector<200x200xbf16>, vector<200x128xbf16>, vector<200x128xf32> -> vector<200x128xf32>
    %slice3A_401 = vector.extract_strided_slice %dot_general3A_400 {offsets = [0, 0], sizes = [200, 64], strides = [1, 1]} : vector<200x128xf32> to vector<200x64xf32>
    %slice3A_402 = vector.extract_strided_slice %dot_general3A_400 {offsets = [0, 64], sizes = [200, 1], strides = [1, 1]} : vector<200x128xf32> to vector<200x1xf32>
    %div3A_403 = vector.broadcast %slice3A_402 : vector<200x1xf32> to vector<200x64xf32>
    %div3A_404 = arith.divf %slice3A_401, %div3A_403 : vector<200x64xf32>
    %convert_element_type3A_405 = arith.truncf %div3A_404 : vector<200x64xf32> to vector<200x64xbf16>
    %slice3A_406 = vector.extract_strided_slice %add3A_10 {offsets = [200, 320], sizes = [200, 64], strides = [1, 1]} : vector<800x2304xf32> to vector<200x64xf32>
    %mul3A_407 = arith.constant 1.250000e-01 : f32
    %mul3A_408 = vector.broadcast %mul3A_407 : f32 to vector<200x64xf32>
    %mul3A_409 = arith.mulf %slice3A_406, %mul3A_408 : vector<200x64xf32>
    %convert_element_type3A_410 = arith.truncf %mul3A_409 : vector<200x64xf32> to vector<200x64xbf16>
    %slice3A_411 = vector.extract_strided_slice %convert_element_type3A {offsets = [200, 320], sizes = [200, 64], strides = [1, 1]} : vector<800x768xbf16> to vector<200x64xbf16>
    %slice3A_412 = vector.extract_strided_slice %mul3A_45 {offsets = [200, 320], sizes = [200, 64], strides = [1, 1]} : vector<800x768xbf16> to vector<200x64xbf16>
    %slice3A_413 = vector.extract_strided_slice %broadcast_in_dim3A_50 {offsets = [200, 0], sizes = [200, 64], strides = [1, 1]} : vector<800x64xbf16> to vector<200x64xbf16>
    %concatenate3A_414 = tpu.concatenate %slice3A_412, %slice3A_413 in 1 : vector<200x64xbf16>, vector<200x64xbf16> -> vector<200x128xbf16>
    %dot_general3A_415 = arith.constant dense<0.000000e+00> : vector<200x200xf32>
    %dot_general3A_416 = tpu.matmul %convert_element_type3A_410, %slice3A_411, %dot_general3A_415 {dimension_numbers = #tpu.dot_dimension_numbers<[1], [1], [0], [0], [0, 0, 1, 0], [], []>, transpose_lhs_hint = false} : vector<200x64xbf16>, vector<200x64xbf16>, vector<200x200xf32> -> vector<200x200xf32>
    %exp3A_417 = math.exp %dot_general3A_416 : vector<200x200xf32>
    %convert_element_type3A_418 = arith.truncf %exp3A_417 : vector<200x200xf32> to vector<200x200xbf16>
    %dot_general3A_419 = arith.constant dense<0.000000e+00> : vector<200x128xf32>
    %dot_general3A_420 = tpu.matmul %convert_element_type3A_418, %concatenate3A_414, %dot_general3A_419 {dimension_numbers = #tpu.dot_dimension_numbers<[1], [0], [0], [1], [0, 0, 1, 1], [], []>, transpose_lhs_hint = false} : vector<200x200xbf16>, vector<200x128xbf16>, vector<200x128xf32> -> vector<200x128xf32>
    %slice3A_421 = vector.extract_strided_slice %dot_general3A_420 {offsets = [0, 0], sizes = [200, 64], strides = [1, 1]} : vector<200x128xf32> to vector<200x64xf32>
    %slice3A_422 = vector.extract_strided_slice %dot_general3A_420 {offsets = [0, 64], sizes = [200, 1], strides = [1, 1]} : vector<200x128xf32> to vector<200x1xf32>
    %div3A_423 = vector.broadcast %slice3A_422 : vector<200x1xf32> to vector<200x64xf32>
    %div3A_424 = arith.divf %slice3A_421, %div3A_423 : vector<200x64xf32>
    %convert_element_type3A_425 = arith.truncf %div3A_424 : vector<200x64xf32> to vector<200x64xbf16>
    %slice3A_426 = vector.extract_strided_slice %add3A_10 {offsets = [200, 384], sizes = [200, 64], strides = [1, 1]} : vector<800x2304xf32> to vector<200x64xf32>
    %mul3A_427 = arith.constant 1.250000e-01 : f32
    %mul3A_428 = vector.broadcast %mul3A_427 : f32 to vector<200x64xf32>
    %mul3A_429 = arith.mulf %slice3A_426, %mul3A_428 : vector<200x64xf32>
    %convert_element_type3A_430 = arith.truncf %mul3A_429 : vector<200x64xf32> to vector<200x64xbf16>
    %slice3A_431 = vector.extract_strided_slice %convert_element_type3A {offsets = [200, 384], sizes = [200, 64], strides = [1, 1]} : vector<800x768xbf16> to vector<200x64xbf16>
    %slice3A_432 = vector.extract_strided_slice %mul3A_45 {offsets = [200, 384], sizes = [200, 64], strides = [1, 1]} : vector<800x768xbf16> to vector<200x64xbf16>
    %slice3A_433 = vector.extract_strided_slice %broadcast_in_dim3A_50 {offsets = [200, 0], sizes = [200, 64], strides = [1, 1]} : vector<800x64xbf16> to vector<200x64xbf16>
    %concatenate3A_434 = tpu.concatenate %slice3A_432, %slice3A_433 in 1 : vector<200x64xbf16>, vector<200x64xbf16> -> vector<200x128xbf16>
    %dot_general3A_435 = arith.constant dense<0.000000e+00> : vector<200x200xf32>
    %dot_general3A_436 = tpu.matmul %convert_element_type3A_430, %slice3A_431, %dot_general3A_435 {dimension_numbers = #tpu.dot_dimension_numbers<[1], [1], [0], [0], [0, 0, 1, 0], [], []>, transpose_lhs_hint = false} : vector<200x64xbf16>, vector<200x64xbf16>, vector<200x200xf32> -> vector<200x200xf32>
    %exp3A_437 = math.exp %dot_general3A_436 : vector<200x200xf32>
    %convert_element_type3A_438 = arith.truncf %exp3A_437 : vector<200x200xf32> to vector<200x200xbf16>
    %dot_general3A_439 = arith.constant dense<0.000000e+00> : vector<200x128xf32>
    %dot_general3A_440 = tpu.matmul %convert_element_type3A_438, %concatenate3A_434, %dot_general3A_439 {dimension_numbers = #tpu.dot_dimension_numbers<[1], [0], [0], [1], [0, 0, 1, 1], [], []>, transpose_lhs_hint = false} : vector<200x200xbf16>, vector<200x128xbf16>, vector<200x128xf32> -> vector<200x128xf32>
    %slice3A_441 = vector.extract_strided_slice %dot_general3A_440 {offsets = [0, 0], sizes = [200, 64], strides = [1, 1]} : vector<200x128xf32> to vector<200x64xf32>
    %slice3A_442 = vector.extract_strided_slice %dot_general3A_440 {offsets = [0, 64], sizes = [200, 1], strides = [1, 1]} : vector<200x128xf32> to vector<200x1xf32>
    %div3A_443 = vector.broadcast %slice3A_442 : vector<200x1xf32> to vector<200x64xf32>
    %div3A_444 = arith.divf %slice3A_441, %div3A_443 : vector<200x64xf32>
    %convert_element_type3A_445 = arith.truncf %div3A_444 : vector<200x64xf32> to vector<200x64xbf16>
    %slice3A_446 = vector.extract_strided_slice %add3A_10 {offsets = [200, 448], sizes = [200, 64], strides = [1, 1]} : vector<800x2304xf32> to vector<200x64xf32>
    %mul3A_447 = arith.constant 1.250000e-01 : f32
    %mul3A_448 = vector.broadcast %mul3A_447 : f32 to vector<200x64xf32>
    %mul3A_449 = arith.mulf %slice3A_446, %mul3A_448 : vector<200x64xf32>
    %convert_element_type3A_450 = arith.truncf %mul3A_449 : vector<200x64xf32> to vector<200x64xbf16>
    %slice3A_451 = vector.extract_strided_slice %convert_element_type3A {offsets = [200, 448], sizes = [200, 64], strides = [1, 1]} : vector<800x768xbf16> to vector<200x64xbf16>
    %slice3A_452 = vector.extract_strided_slice %mul3A_45 {offsets = [200, 448], sizes = [200, 64], strides = [1, 1]} : vector<800x768xbf16> to vector<200x64xbf16>
    %slice3A_453 = vector.extract_strided_slice %broadcast_in_dim3A_50 {offsets = [200, 0], sizes = [200, 64], strides = [1, 1]} : vector<800x64xbf16> to vector<200x64xbf16>
    %concatenate3A_454 = tpu.concatenate %slice3A_452, %slice3A_453 in 1 : vector<200x64xbf16>, vector<200x64xbf16> -> vector<200x128xbf16>
    %dot_general3A_455 = arith.constant dense<0.000000e+00> : vector<200x200xf32>
    %dot_general3A_456 = tpu.matmul %convert_element_type3A_450, %slice3A_451, %dot_general3A_455 {dimension_numbers = #tpu.dot_dimension_numbers<[1], [1], [0], [0], [0, 0, 1, 0], [], []>, transpose_lhs_hint = false} : vector<200x64xbf16>, vector<200x64xbf16>, vector<200x200xf32> -> vector<200x200xf32>
    %exp3A_457 = math.exp %dot_general3A_456 : vector<200x200xf32>
    %convert_element_type3A_458 = arith.truncf %exp3A_457 : vector<200x200xf32> to vector<200x200xbf16>
    %dot_general3A_459 = arith.constant dense<0.000000e+00> : vector<200x128xf32>
    %dot_general3A_460 = tpu.matmul %convert_element_type3A_458, %concatenate3A_454, %dot_general3A_459 {dimension_numbers = #tpu.dot_dimension_numbers<[1], [0], [0], [1], [0, 0, 1, 1], [], []>, transpose_lhs_hint = false} : vector<200x200xbf16>, vector<200x128xbf16>, vector<200x128xf32> -> vector<200x128xf32>
    %slice3A_461 = vector.extract_strided_slice %dot_general3A_460 {offsets = [0, 0], sizes = [200, 64], strides = [1, 1]} : vector<200x128xf32> to vector<200x64xf32>
    %slice3A_462 = vector.extract_strided_slice %dot_general3A_460 {offsets = [0, 64], sizes = [200, 1], strides = [1, 1]} : vector<200x128xf32> to vector<200x1xf32>
    %div3A_463 = vector.broadcast %slice3A_462 : vector<200x1xf32> to vector<200x64xf32>
    %div3A_464 = arith.divf %slice3A_461, %div3A_463 : vector<200x64xf32>
    %convert_element_type3A_465 = arith.truncf %div3A_464 : vector<200x64xf32> to vector<200x64xbf16>
    %slice3A_466 = vector.extract_strided_slice %add3A_10 {offsets = [200, 512], sizes = [200, 64], strides = [1, 1]} : vector<800x2304xf32> to vector<200x64xf32>
    %mul3A_467 = arith.constant 1.250000e-01 : f32
    %mul3A_468 = vector.broadcast %mul3A_467 : f32 to vector<200x64xf32>
    %mul3A_469 = arith.mulf %slice3A_466, %mul3A_468 : vector<200x64xf32>
    %convert_element_type3A_470 = arith.truncf %mul3A_469 : vector<200x64xf32> to vector<200x64xbf16>
    %slice3A_471 = vector.extract_strided_slice %convert_element_type3A {offsets = [200, 512], sizes = [200, 64], strides = [1, 1]} : vector<800x768xbf16> to vector<200x64xbf16>
    %slice3A_472 = vector.extract_strided_slice %mul3A_45 {offsets = [200, 512], sizes = [200, 64], strides = [1, 1]} : vector<800x768xbf16> to vector<200x64xbf16>
    %slice3A_473 = vector.extract_strided_slice %broadcast_in_dim3A_50 {offsets = [200, 0], sizes = [200, 64], strides = [1, 1]} : vector<800x64xbf16> to vector<200x64xbf16>
    %concatenate3A_474 = tpu.concatenate %slice3A_472, %slice3A_473 in 1 : vector<200x64xbf16>, vector<200x64xbf16> -> vector<200x128xbf16>
    %dot_general3A_475 = arith.constant dense<0.000000e+00> : vector<200x200xf32>
    %dot_general3A_476 = tpu.matmul %convert_element_type3A_470, %slice3A_471, %dot_general3A_475 {dimension_numbers = #tpu.dot_dimension_numbers<[1], [1], [0], [0], [0, 0, 1, 0], [], []>, transpose_lhs_hint = false} : vector<200x64xbf16>, vector<200x64xbf16>, vector<200x200xf32> -> vector<200x200xf32>
    %exp3A_477 = math.exp %dot_general3A_476 : vector<200x200xf32>
    %convert_element_type3A_478 = arith.truncf %exp3A_477 : vector<200x200xf32> to vector<200x200xbf16>
    %dot_general3A_479 = arith.constant dense<0.000000e+00> : vector<200x128xf32>
    %dot_general3A_480 = tpu.matmul %convert_element_type3A_478, %concatenate3A_474, %dot_general3A_479 {dimension_numbers = #tpu.dot_dimension_numbers<[1], [0], [0], [1], [0, 0, 1, 1], [], []>, transpose_lhs_hint = false} : vector<200x200xbf16>, vector<200x128xbf16>, vector<200x128xf32> -> vector<200x128xf32>
    %slice3A_481 = vector.extract_strided_slice %dot_general3A_480 {offsets = [0, 0], sizes = [200, 64], strides = [1, 1]} : vector<200x128xf32> to vector<200x64xf32>
    %slice3A_482 = vector.extract_strided_slice %dot_general3A_480 {offsets = [0, 64], sizes = [200, 1], strides = [1, 1]} : vector<200x128xf32> to vector<200x1xf32>
    %div3A_483 = vector.broadcast %slice3A_482 : vector<200x1xf32> to vector<200x64xf32>
    %div3A_484 = arith.divf %slice3A_481, %div3A_483 : vector<200x64xf32>
    %convert_element_type3A_485 = arith.truncf %div3A_484 : vector<200x64xf32> to vector<200x64xbf16>
    %slice3A_486 = vector.extract_strided_slice %add3A_10 {offsets = [200, 576], sizes = [200, 64], strides = [1, 1]} : vector<800x2304xf32> to vector<200x64xf32>
    %mul3A_487 = arith.constant 1.250000e-01 : f32
    %mul3A_488 = vector.broadcast %mul3A_487 : f32 to vector<200x64xf32>
    %mul3A_489 = arith.mulf %slice3A_486, %mul3A_488 : vector<200x64xf32>
    %convert_element_type3A_490 = arith.truncf %mul3A_489 : vector<200x64xf32> to vector<200x64xbf16>
    %slice3A_491 = vector.extract_strided_slice %convert_element_type3A {offsets = [200, 576], sizes = [200, 64], strides = [1, 1]} : vector<800x768xbf16> to vector<200x64xbf16>
    %slice3A_492 = vector.extract_strided_slice %mul3A_45 {offsets = [200, 576], sizes = [200, 64], strides = [1, 1]} : vector<800x768xbf16> to vector<200x64xbf16>
    %slice3A_493 = vector.extract_strided_slice %broadcast_in_dim3A_50 {offsets = [200, 0], sizes = [200, 64], strides = [1, 1]} : vector<800x64xbf16> to vector<200x64xbf16>
    %concatenate3A_494 = tpu.concatenate %slice3A_492, %slice3A_493 in 1 : vector<200x64xbf16>, vector<200x64xbf16> -> vector<200x128xbf16>
    %dot_general3A_495 = arith.constant dense<0.000000e+00> : vector<200x200xf32>
    %dot_general3A_496 = tpu.matmul %convert_element_type3A_490, %slice3A_491, %dot_general3A_495 {dimension_numbers = #tpu.dot_dimension_numbers<[1], [1], [0], [0], [0, 0, 1, 0], [], []>, transpose_lhs_hint = false} : vector<200x64xbf16>, vector<200x64xbf16>, vector<200x200xf32> -> vector<200x200xf32>
    %exp3A_497 = math.exp %dot_general3A_496 : vector<200x200xf32>
    %convert_element_type3A_498 = arith.truncf %exp3A_497 : vector<200x200xf32> to vector<200x200xbf16>
    %dot_general3A_499 = arith.constant dense<0.000000e+00> : vector<200x128xf32>
    %dot_general3A_500 = tpu.matmul %convert_element_type3A_498, %concatenate3A_494, %dot_general3A_499 {dimension_numbers = #tpu.dot_dimension_numbers<[1], [0], [0], [1], [0, 0, 1, 1], [], []>, transpose_lhs_hint = false} : vector<200x200xbf16>, vector<200x128xbf16>, vector<200x128xf32> -> vector<200x128xf32>
    %slice3A_501 = vector.extract_strided_slice %dot_general3A_500 {offsets = [0, 0], sizes = [200, 64], strides = [1, 1]} : vector<200x128xf32> to vector<200x64xf32>
    %slice3A_502 = vector.extract_strided_slice %dot_general3A_500 {offsets = [0, 64], sizes = [200, 1], strides = [1, 1]} : vector<200x128xf32> to vector<200x1xf32>
    %div3A_503 = vector.broadcast %slice3A_502 : vector<200x1xf32> to vector<200x64xf32>
    %div3A_504 = arith.divf %slice3A_501, %div3A_503 : vector<200x64xf32>
    %convert_element_type3A_505 = arith.truncf %div3A_504 : vector<200x64xf32> to vector<200x64xbf16>
    %slice3A_506 = vector.extract_strided_slice %add3A_10 {offsets = [200, 640], sizes = [200, 64], strides = [1, 1]} : vector<800x2304xf32> to vector<200x64xf32>
    %mul3A_507 = arith.constant 1.250000e-01 : f32
    %mul3A_508 = vector.broadcast %mul3A_507 : f32 to vector<200x64xf32>
    %mul3A_509 = arith.mulf %slice3A_506, %mul3A_508 : vector<200x64xf32>
    %convert_element_type3A_510 = arith.truncf %mul3A_509 : vector<200x64xf32> to vector<200x64xbf16>
    %slice3A_511 = vector.extract_strided_slice %convert_element_type3A {offsets = [200, 640], sizes = [200, 64], strides = [1, 1]} : vector<800x768xbf16> to vector<200x64xbf16>
    %slice3A_512 = vector.extract_strided_slice %mul3A_45 {offsets = [200, 640], sizes = [200, 64], strides = [1, 1]} : vector<800x768xbf16> to vector<200x64xbf16>
    %slice3A_513 = vector.extract_strided_slice %broadcast_in_dim3A_50 {offsets = [200, 0], sizes = [200, 64], strides = [1, 1]} : vector<800x64xbf16> to vector<200x64xbf16>
    %concatenate3A_514 = tpu.concatenate %slice3A_512, %slice3A_513 in 1 : vector<200x64xbf16>, vector<200x64xbf16> -> vector<200x128xbf16>
    %dot_general3A_515 = arith.constant dense<0.000000e+00> : vector<200x200xf32>
    %dot_general3A_516 = tpu.matmul %convert_element_type3A_510, %slice3A_511, %dot_general3A_515 {dimension_numbers = #tpu.dot_dimension_numbers<[1], [1], [0], [0], [0, 0, 1, 0], [], []>, transpose_lhs_hint = false} : vector<200x64xbf16>, vector<200x64xbf16>, vector<200x200xf32> -> vector<200x200xf32>
    %exp3A_517 = math.exp %dot_general3A_516 : vector<200x200xf32>
    %convert_element_type3A_518 = arith.truncf %exp3A_517 : vector<200x200xf32> to vector<200x200xbf16>
    %dot_general3A_519 = arith.constant dense<0.000000e+00> : vector<200x128xf32>
    %dot_general3A_520 = tpu.matmul %convert_element_type3A_518, %concatenate3A_514, %dot_general3A_519 {dimension_numbers = #tpu.dot_dimension_numbers<[1], [0], [0], [1], [0, 0, 1, 1], [], []>, transpose_lhs_hint = false} : vector<200x200xbf16>, vector<200x128xbf16>, vector<200x128xf32> -> vector<200x128xf32>
    %slice3A_521 = vector.extract_strided_slice %dot_general3A_520 {offsets = [0, 0], sizes = [200, 64], strides = [1, 1]} : vector<200x128xf32> to vector<200x64xf32>
    %slice3A_522 = vector.extract_strided_slice %dot_general3A_520 {offsets = [0, 64], sizes = [200, 1], strides = [1, 1]} : vector<200x128xf32> to vector<200x1xf32>
    %div3A_523 = vector.broadcast %slice3A_522 : vector<200x1xf32> to vector<200x64xf32>
    %div3A_524 = arith.divf %slice3A_521, %div3A_523 : vector<200x64xf32>
    %convert_element_type3A_525 = arith.truncf %div3A_524 : vector<200x64xf32> to vector<200x64xbf16>
    %slice3A_526 = vector.extract_strided_slice %add3A_10 {offsets = [200, 704], sizes = [200, 64], strides = [1, 1]} : vector<800x2304xf32> to vector<200x64xf32>
    %mul3A_527 = arith.constant 1.250000e-01 : f32
    %mul3A_528 = vector.broadcast %mul3A_527 : f32 to vector<200x64xf32>
    %mul3A_529 = arith.mulf %slice3A_526, %mul3A_528 : vector<200x64xf32>
    %convert_element_type3A_530 = arith.truncf %mul3A_529 : vector<200x64xf32> to vector<200x64xbf16>
    %slice3A_531 = vector.extract_strided_slice %convert_element_type3A {offsets = [200, 704], sizes = [200, 64], strides = [1, 1]} : vector<800x768xbf16> to vector<200x64xbf16>
    %slice3A_532 = vector.extract_strided_slice %mul3A_45 {offsets = [200, 704], sizes = [200, 64], strides = [1, 1]} : vector<800x768xbf16> to vector<200x64xbf16>
    %slice3A_533 = vector.extract_strided_slice %broadcast_in_dim3A_50 {offsets = [200, 0], sizes = [200, 64], strides = [1, 1]} : vector<800x64xbf16> to vector<200x64xbf16>
    %concatenate3A_534 = tpu.concatenate %slice3A_532, %slice3A_533 in 1 : vector<200x64xbf16>, vector<200x64xbf16> -> vector<200x128xbf16>
    %dot_general3A_535 = arith.constant dense<0.000000e+00> : vector<200x200xf32>
    %dot_general3A_536 = tpu.matmul %convert_element_type3A_530, %slice3A_531, %dot_general3A_535 {dimension_numbers = #tpu.dot_dimension_numbers<[1], [1], [0], [0], [0, 0, 1, 0], [], []>, transpose_lhs_hint = false} : vector<200x64xbf16>, vector<200x64xbf16>, vector<200x200xf32> -> vector<200x200xf32>
    %exp3A_537 = math.exp %dot_general3A_536 : vector<200x200xf32>
    %convert_element_type3A_538 = arith.truncf %exp3A_537 : vector<200x200xf32> to vector<200x200xbf16>
    %dot_general3A_539 = arith.constant dense<0.000000e+00> : vector<200x128xf32>
    %dot_general3A_540 = tpu.matmul %convert_element_type3A_538, %concatenate3A_534, %dot_general3A_539 {dimension_numbers = #tpu.dot_dimension_numbers<[1], [0], [0], [1], [0, 0, 1, 1], [], []>, transpose_lhs_hint = false} : vector<200x200xbf16>, vector<200x128xbf16>, vector<200x128xf32> -> vector<200x128xf32>
    %slice3A_541 = vector.extract_strided_slice %dot_general3A_540 {offsets = [0, 0], sizes = [200, 64], strides = [1, 1]} : vector<200x128xf32> to vector<200x64xf32>
    %slice3A_542 = vector.extract_strided_slice %dot_general3A_540 {offsets = [0, 64], sizes = [200, 1], strides = [1, 1]} : vector<200x128xf32> to vector<200x1xf32>
    %div3A_543 = vector.broadcast %slice3A_542 : vector<200x1xf32> to vector<200x64xf32>
    %div3A_544 = arith.divf %slice3A_541, %div3A_543 : vector<200x64xf32>
    %convert_element_type3A_545 = arith.truncf %div3A_544 : vector<200x64xf32> to vector<200x64xbf16>
    %concatenate3A_546 = tpu.concatenate %convert_element_type3A_325, %convert_element_type3A_345, %convert_element_type3A_365, %convert_element_type3A_385, %convert_element_type3A_405, %convert_element_type3A_425, %convert_element_type3A_445, %convert_element_type3A_465, %convert_element_type3A_485, %convert_element_type3A_505, %convert_element_type3A_525, %convert_element_type3A_545 in 1 : vector<200x64xbf16>, vector<200x64xbf16>, vector<200x64xbf16>, vector<200x64xbf16>, vector<200x64xbf16>, vector<200x64xbf16>, vector<200x64xbf16>, vector<200x64xbf16>, vector<200x64xbf16>, vector<200x64xbf16>, vector<200x64xbf16>, vector<200x64xbf16> -> vector<200x768xbf16>
    %get3A_547 = arith.constant 0 : index
    %get3A_548 = arith.constant 0 : index
    %get3A_549 = vector.load %arg4[%get3A_547, %get3A_548] : memref<768x768xbf16, #tpu.memory_space<vmem>>, vector<768x768xbf16>
    %dot_general3A_550 = arith.constant dense<0.000000e+00> : vector<200x768xf32>
    %dot_general3A_551 = tpu.matmul %concatenate3A_546, %get3A_549, %dot_general3A_550 {dimension_numbers = #tpu.dot_dimension_numbers<[1], [0], [0], [1], [0, 0, 1, 1], [], []>, transpose_lhs_hint = false} : vector<200x768xbf16>, vector<768x768xbf16>, vector<200x768xf32> -> vector<200x768xf32>
    %get3A_552 = arith.constant 0 : index
    %get3A_553 = arith.constant 0 : index
    %get3A_554 = vector.load %arg5[%get3A_552, %get3A_553] : memref<1x768xf32, #tpu.memory_space<vmem>>, vector<1x768xf32>
    %get3A_555 = vector.shape_cast %get3A_554 : vector<1x768xf32> to vector<768xf32>
    %broadcast_in_dim3A_556 = vector.shape_cast %get3A_555 : vector<768xf32> to vector<1x768xf32>
    %add3A_557 = vector.broadcast %broadcast_in_dim3A_556 : vector<1x768xf32> to vector<200x768xf32>
    %add3A_558 = arith.addf %dot_general3A_551, %add3A_557 : vector<200x768xf32>
    %convert_element_type3A_559 = arith.truncf %add3A_558 : vector<200x768xf32> to vector<200x768xbf16>
    %slice3A_560 = vector.extract_strided_slice %convert_element_type3A_559 {offsets = [0, 0], sizes = [196, 768], strides = [1, 1]} : vector<200x768xbf16> to vector<196x768xbf16>
    %slice3A_561 = vector.extract_strided_slice %convert_element_type3A {offsets = [200, 0], sizes = [196, 768], strides = [1, 1]} : vector<800x768xbf16> to vector<196x768xbf16>
    %slice3A_562 = vector.extract_strided_slice %mul3A_45 {offsets = [200, 0], sizes = [196, 768], strides = [1, 1]} : vector<800x768xbf16> to vector<196x768xbf16>
    %slice3A_563 = vector.extract_strided_slice %add3A_10 {offsets = [400, 0], sizes = [200, 64], strides = [1, 1]} : vector<800x2304xf32> to vector<200x64xf32>
    %mul3A_564 = arith.constant 1.250000e-01 : f32
    %mul3A_565 = vector.broadcast %mul3A_564 : f32 to vector<200x64xf32>
    %mul3A_566 = arith.mulf %slice3A_563, %mul3A_565 : vector<200x64xf32>
    %convert_element_type3A_567 = arith.truncf %mul3A_566 : vector<200x64xf32> to vector<200x64xbf16>
    %slice3A_568 = vector.extract_strided_slice %convert_element_type3A {offsets = [400, 0], sizes = [200, 64], strides = [1, 1]} : vector<800x768xbf16> to vector<200x64xbf16>
    %slice3A_569 = vector.extract_strided_slice %mul3A_45 {offsets = [400, 0], sizes = [200, 64], strides = [1, 1]} : vector<800x768xbf16> to vector<200x64xbf16>
    %slice3A_570 = vector.extract_strided_slice %broadcast_in_dim3A_50 {offsets = [400, 0], sizes = [200, 64], strides = [1, 1]} : vector<800x64xbf16> to vector<200x64xbf16>
    %concatenate3A_571 = tpu.concatenate %slice3A_569, %slice3A_570 in 1 : vector<200x64xbf16>, vector<200x64xbf16> -> vector<200x128xbf16>
    %dot_general3A_572 = arith.constant dense<0.000000e+00> : vector<200x200xf32>
    %dot_general3A_573 = tpu.matmul %convert_element_type3A_567, %slice3A_568, %dot_general3A_572 {dimension_numbers = #tpu.dot_dimension_numbers<[1], [1], [0], [0], [0, 0, 1, 0], [], []>, transpose_lhs_hint = false} : vector<200x64xbf16>, vector<200x64xbf16>, vector<200x200xf32> -> vector<200x200xf32>
    %exp3A_574 = math.exp %dot_general3A_573 : vector<200x200xf32>
    %convert_element_type3A_575 = arith.truncf %exp3A_574 : vector<200x200xf32> to vector<200x200xbf16>
    %dot_general3A_576 = arith.constant dense<0.000000e+00> : vector<200x128xf32>
    %dot_general3A_577 = tpu.matmul %convert_element_type3A_575, %concatenate3A_571, %dot_general3A_576 {dimension_numbers = #tpu.dot_dimension_numbers<[1], [0], [0], [1], [0, 0, 1, 1], [], []>, transpose_lhs_hint = false} : vector<200x200xbf16>, vector<200x128xbf16>, vector<200x128xf32> -> vector<200x128xf32>
    %slice3A_578 = vector.extract_strided_slice %dot_general3A_577 {offsets = [0, 0], sizes = [200, 64], strides = [1, 1]} : vector<200x128xf32> to vector<200x64xf32>
    %slice3A_579 = vector.extract_strided_slice %dot_general3A_577 {offsets = [0, 64], sizes = [200, 1], strides = [1, 1]} : vector<200x128xf32> to vector<200x1xf32>
    %div3A_580 = vector.broadcast %slice3A_579 : vector<200x1xf32> to vector<200x64xf32>
    %div3A_581 = arith.divf %slice3A_578, %div3A_580 : vector<200x64xf32>
    %convert_element_type3A_582 = arith.truncf %div3A_581 : vector<200x64xf32> to vector<200x64xbf16>
    %slice3A_583 = vector.extract_strided_slice %add3A_10 {offsets = [400, 64], sizes = [200, 64], strides = [1, 1]} : vector<800x2304xf32> to vector<200x64xf32>
    %mul3A_584 = arith.constant 1.250000e-01 : f32
    %mul3A_585 = vector.broadcast %mul3A_584 : f32 to vector<200x64xf32>
    %mul3A_586 = arith.mulf %slice3A_583, %mul3A_585 : vector<200x64xf32>
    %convert_element_type3A_587 = arith.truncf %mul3A_586 : vector<200x64xf32> to vector<200x64xbf16>
    %slice3A_588 = vector.extract_strided_slice %convert_element_type3A {offsets = [400, 64], sizes = [200, 64], strides = [1, 1]} : vector<800x768xbf16> to vector<200x64xbf16>
    %slice3A_589 = vector.extract_strided_slice %mul3A_45 {offsets = [400, 64], sizes = [200, 64], strides = [1, 1]} : vector<800x768xbf16> to vector<200x64xbf16>
    %slice3A_590 = vector.extract_strided_slice %broadcast_in_dim3A_50 {offsets = [400, 0], sizes = [200, 64], strides = [1, 1]} : vector<800x64xbf16> to vector<200x64xbf16>
    %concatenate3A_591 = tpu.concatenate %slice3A_589, %slice3A_590 in 1 : vector<200x64xbf16>, vector<200x64xbf16> -> vector<200x128xbf16>
    %dot_general3A_592 = arith.constant dense<0.000000e+00> : vector<200x200xf32>
    %dot_general3A_593 = tpu.matmul %convert_element_type3A_587, %slice3A_588, %dot_general3A_592 {dimension_numbers = #tpu.dot_dimension_numbers<[1], [1], [0], [0], [0, 0, 1, 0], [], []>, transpose_lhs_hint = false} : vector<200x64xbf16>, vector<200x64xbf16>, vector<200x200xf32> -> vector<200x200xf32>
    %exp3A_594 = math.exp %dot_general3A_593 : vector<200x200xf32>
    %convert_element_type3A_595 = arith.truncf %exp3A_594 : vector<200x200xf32> to vector<200x200xbf16>
    %dot_general3A_596 = arith.constant dense<0.000000e+00> : vector<200x128xf32>
    %dot_general3A_597 = tpu.matmul %convert_element_type3A_595, %concatenate3A_591, %dot_general3A_596 {dimension_numbers = #tpu.dot_dimension_numbers<[1], [0], [0], [1], [0, 0, 1, 1], [], []>, transpose_lhs_hint = false} : vector<200x200xbf16>, vector<200x128xbf16>, vector<200x128xf32> -> vector<200x128xf32>
    %slice3A_598 = vector.extract_strided_slice %dot_general3A_597 {offsets = [0, 0], sizes = [200, 64], strides = [1, 1]} : vector<200x128xf32> to vector<200x64xf32>
    %slice3A_599 = vector.extract_strided_slice %dot_general3A_597 {offsets = [0, 64], sizes = [200, 1], strides = [1, 1]} : vector<200x128xf32> to vector<200x1xf32>
    %div3A_600 = vector.broadcast %slice3A_599 : vector<200x1xf32> to vector<200x64xf32>
    %div3A_601 = arith.divf %slice3A_598, %div3A_600 : vector<200x64xf32>
    %convert_element_type3A_602 = arith.truncf %div3A_601 : vector<200x64xf32> to vector<200x64xbf16>
    %slice3A_603 = vector.extract_strided_slice %add3A_10 {offsets = [400, 128], sizes = [200, 64], strides = [1, 1]} : vector<800x2304xf32> to vector<200x64xf32>
    %mul3A_604 = arith.constant 1.250000e-01 : f32
    %mul3A_605 = vector.broadcast %mul3A_604 : f32 to vector<200x64xf32>
    %mul3A_606 = arith.mulf %slice3A_603, %mul3A_605 : vector<200x64xf32>
    %convert_element_type3A_607 = arith.truncf %mul3A_606 : vector<200x64xf32> to vector<200x64xbf16>
    %slice3A_608 = vector.extract_strided_slice %convert_element_type3A {offsets = [400, 128], sizes = [200, 64], strides = [1, 1]} : vector<800x768xbf16> to vector<200x64xbf16>
    %slice3A_609 = vector.extract_strided_slice %mul3A_45 {offsets = [400, 128], sizes = [200, 64], strides = [1, 1]} : vector<800x768xbf16> to vector<200x64xbf16>
    %slice3A_610 = vector.extract_strided_slice %broadcast_in_dim3A_50 {offsets = [400, 0], sizes = [200, 64], strides = [1, 1]} : vector<800x64xbf16> to vector<200x64xbf16>
    %concatenate3A_611 = tpu.concatenate %slice3A_609, %slice3A_610 in 1 : vector<200x64xbf16>, vector<200x64xbf16> -> vector<200x128xbf16>
    %dot_general3A_612 = arith.constant dense<0.000000e+00> : vector<200x200xf32>
    %dot_general3A_613 = tpu.matmul %convert_element_type3A_607, %slice3A_608, %dot_general3A_612 {dimension_numbers = #tpu.dot_dimension_numbers<[1], [1], [0], [0], [0, 0, 1, 0], [], []>, transpose_lhs_hint = false} : vector<200x64xbf16>, vector<200x64xbf16>, vector<200x200xf32> -> vector<200x200xf32>
    %exp3A_614 = math.exp %dot_general3A_613 : vector<200x200xf32>
    %convert_element_type3A_615 = arith.truncf %exp3A_614 : vector<200x200xf32> to vector<200x200xbf16>
    %dot_general3A_616 = arith.constant dense<0.000000e+00> : vector<200x128xf32>
    %dot_general3A_617 = tpu.matmul %convert_element_type3A_615, %concatenate3A_611, %dot_general3A_616 {dimension_numbers = #tpu.dot_dimension_numbers<[1], [0], [0], [1], [0, 0, 1, 1], [], []>, transpose_lhs_hint = false} : vector<200x200xbf16>, vector<200x128xbf16>, vector<200x128xf32> -> vector<200x128xf32>
    %slice3A_618 = vector.extract_strided_slice %dot_general3A_617 {offsets = [0, 0], sizes = [200, 64], strides = [1, 1]} : vector<200x128xf32> to vector<200x64xf32>
    %slice3A_619 = vector.extract_strided_slice %dot_general3A_617 {offsets = [0, 64], sizes = [200, 1], strides = [1, 1]} : vector<200x128xf32> to vector<200x1xf32>
    %div3A_620 = vector.broadcast %slice3A_619 : vector<200x1xf32> to vector<200x64xf32>
    %div3A_621 = arith.divf %slice3A_618, %div3A_620 : vector<200x64xf32>
    %convert_element_type3A_622 = arith.truncf %div3A_621 : vector<200x64xf32> to vector<200x64xbf16>
    %slice3A_623 = vector.extract_strided_slice %add3A_10 {offsets = [400, 192], sizes = [200, 64], strides = [1, 1]} : vector<800x2304xf32> to vector<200x64xf32>
    %mul3A_624 = arith.constant 1.250000e-01 : f32
    %mul3A_625 = vector.broadcast %mul3A_624 : f32 to vector<200x64xf32>
    %mul3A_626 = arith.mulf %slice3A_623, %mul3A_625 : vector<200x64xf32>
    %convert_element_type3A_627 = arith.truncf %mul3A_626 : vector<200x64xf32> to vector<200x64xbf16>
    %slice3A_628 = vector.extract_strided_slice %convert_element_type3A {offsets = [400, 192], sizes = [200, 64], strides = [1, 1]} : vector<800x768xbf16> to vector<200x64xbf16>
    %slice3A_629 = vector.extract_strided_slice %mul3A_45 {offsets = [400, 192], sizes = [200, 64], strides = [1, 1]} : vector<800x768xbf16> to vector<200x64xbf16>
    %slice3A_630 = vector.extract_strided_slice %broadcast_in_dim3A_50 {offsets = [400, 0], sizes = [200, 64], strides = [1, 1]} : vector<800x64xbf16> to vector<200x64xbf16>
    %concatenate3A_631 = tpu.concatenate %slice3A_629, %slice3A_630 in 1 : vector<200x64xbf16>, vector<200x64xbf16> -> vector<200x128xbf16>
    %dot_general3A_632 = arith.constant dense<0.000000e+00> : vector<200x200xf32>
    %dot_general3A_633 = tpu.matmul %convert_element_type3A_627, %slice3A_628, %dot_general3A_632 {dimension_numbers = #tpu.dot_dimension_numbers<[1], [1], [0], [0], [0, 0, 1, 0], [], []>, transpose_lhs_hint = false} : vector<200x64xbf16>, vector<200x64xbf16>, vector<200x200xf32> -> vector<200x200xf32>
    %exp3A_634 = math.exp %dot_general3A_633 : vector<200x200xf32>
    %convert_element_type3A_635 = arith.truncf %exp3A_634 : vector<200x200xf32> to vector<200x200xbf16>
    %dot_general3A_636 = arith.constant dense<0.000000e+00> : vector<200x128xf32>
    %dot_general3A_637 = tpu.matmul %convert_element_type3A_635, %concatenate3A_631, %dot_general3A_636 {dimension_numbers = #tpu.dot_dimension_numbers<[1], [0], [0], [1], [0, 0, 1, 1], [], []>, transpose_lhs_hint = false} : vector<200x200xbf16>, vector<200x128xbf16>, vector<200x128xf32> -> vector<200x128xf32>
    %slice3A_638 = vector.extract_strided_slice %dot_general3A_637 {offsets = [0, 0], sizes = [200, 64], strides = [1, 1]} : vector<200x128xf32> to vector<200x64xf32>
    %slice3A_639 = vector.extract_strided_slice %dot_general3A_637 {offsets = [0, 64], sizes = [200, 1], strides = [1, 1]} : vector<200x128xf32> to vector<200x1xf32>
    %div3A_640 = vector.broadcast %slice3A_639 : vector<200x1xf32> to vector<200x64xf32>
    %div3A_641 = arith.divf %slice3A_638, %div3A_640 : vector<200x64xf32>
    %convert_element_type3A_642 = arith.truncf %div3A_641 : vector<200x64xf32> to vector<200x64xbf16>
    %slice3A_643 = vector.extract_strided_slice %add3A_10 {offsets = [400, 256], sizes = [200, 64], strides = [1, 1]} : vector<800x2304xf32> to vector<200x64xf32>
    %mul3A_644 = arith.constant 1.250000e-01 : f32
    %mul3A_645 = vector.broadcast %mul3A_644 : f32 to vector<200x64xf32>
    %mul3A_646 = arith.mulf %slice3A_643, %mul3A_645 : vector<200x64xf32>
    %convert_element_type3A_647 = arith.truncf %mul3A_646 : vector<200x64xf32> to vector<200x64xbf16>
    %slice3A_648 = vector.extract_strided_slice %convert_element_type3A {offsets = [400, 256], sizes = [200, 64], strides = [1, 1]} : vector<800x768xbf16> to vector<200x64xbf16>
    %slice3A_649 = vector.extract_strided_slice %mul3A_45 {offsets = [400, 256], sizes = [200, 64], strides = [1, 1]} : vector<800x768xbf16> to vector<200x64xbf16>
    %slice3A_650 = vector.extract_strided_slice %broadcast_in_dim3A_50 {offsets = [400, 0], sizes = [200, 64], strides = [1, 1]} : vector<800x64xbf16> to vector<200x64xbf16>
    %concatenate3A_651 = tpu.concatenate %slice3A_649, %slice3A_650 in 1 : vector<200x64xbf16>, vector<200x64xbf16> -> vector<200x128xbf16>
    %dot_general3A_652 = arith.constant dense<0.000000e+00> : vector<200x200xf32>
    %dot_general3A_653 = tpu.matmul %convert_element_type3A_647, %slice3A_648, %dot_general3A_652 {dimension_numbers = #tpu.dot_dimension_numbers<[1], [1], [0], [0], [0, 0, 1, 0], [], []>, transpose_lhs_hint = false} : vector<200x64xbf16>, vector<200x64xbf16>, vector<200x200xf32> -> vector<200x200xf32>
    %exp3A_654 = math.exp %dot_general3A_653 : vector<200x200xf32>
    %convert_element_type3A_655 = arith.truncf %exp3A_654 : vector<200x200xf32> to vector<200x200xbf16>
    %dot_general3A_656 = arith.constant dense<0.000000e+00> : vector<200x128xf32>
    %dot_general3A_657 = tpu.matmul %convert_element_type3A_655, %concatenate3A_651, %dot_general3A_656 {dimension_numbers = #tpu.dot_dimension_numbers<[1], [0], [0], [1], [0, 0, 1, 1], [], []>, transpose_lhs_hint = false} : vector<200x200xbf16>, vector<200x128xbf16>, vector<200x128xf32> -> vector<200x128xf32>
    %slice3A_658 = vector.extract_strided_slice %dot_general3A_657 {offsets = [0, 0], sizes = [200, 64], strides = [1, 1]} : vector<200x128xf32> to vector<200x64xf32>
    %slice3A_659 = vector.extract_strided_slice %dot_general3A_657 {offsets = [0, 64], sizes = [200, 1], strides = [1, 1]} : vector<200x128xf32> to vector<200x1xf32>
    %div3A_660 = vector.broadcast %slice3A_659 : vector<200x1xf32> to vector<200x64xf32>
    %div3A_661 = arith.divf %slice3A_658, %div3A_660 : vector<200x64xf32>
    %convert_element_type3A_662 = arith.truncf %div3A_661 : vector<200x64xf32> to vector<200x64xbf16>
    %slice3A_663 = vector.extract_strided_slice %add3A_10 {offsets = [400, 320], sizes = [200, 64], strides = [1, 1]} : vector<800x2304xf32> to vector<200x64xf32>
    %mul3A_664 = arith.constant 1.250000e-01 : f32
    %mul3A_665 = vector.broadcast %mul3A_664 : f32 to vector<200x64xf32>
    %mul3A_666 = arith.mulf %slice3A_663, %mul3A_665 : vector<200x64xf32>
    %convert_element_type3A_667 = arith.truncf %mul3A_666 : vector<200x64xf32> to vector<200x64xbf16>
    %slice3A_668 = vector.extract_strided_slice %convert_element_type3A {offsets = [400, 320], sizes = [200, 64], strides = [1, 1]} : vector<800x768xbf16> to vector<200x64xbf16>
    %slice3A_669 = vector.extract_strided_slice %mul3A_45 {offsets = [400, 320], sizes = [200, 64], strides = [1, 1]} : vector<800x768xbf16> to vector<200x64xbf16>
    %slice3A_670 = vector.extract_strided_slice %broadcast_in_dim3A_50 {offsets = [400, 0], sizes = [200, 64], strides = [1, 1]} : vector<800x64xbf16> to vector<200x64xbf16>
    %concatenate3A_671 = tpu.concatenate %slice3A_669, %slice3A_670 in 1 : vector<200x64xbf16>, vector<200x64xbf16> -> vector<200x128xbf16>
    %dot_general3A_672 = arith.constant dense<0.000000e+00> : vector<200x200xf32>
    %dot_general3A_673 = tpu.matmul %convert_element_type3A_667, %slice3A_668, %dot_general3A_672 {dimension_numbers = #tpu.dot_dimension_numbers<[1], [1], [0], [0], [0, 0, 1, 0], [], []>, transpose_lhs_hint = false} : vector<200x64xbf16>, vector<200x64xbf16>, vector<200x200xf32> -> vector<200x200xf32>
    %exp3A_674 = math.exp %dot_general3A_673 : vector<200x200xf32>
    %convert_element_type3A_675 = arith.truncf %exp3A_674 : vector<200x200xf32> to vector<200x200xbf16>
    %dot_general3A_676 = arith.constant dense<0.000000e+00> : vector<200x128xf32>
    %dot_general3A_677 = tpu.matmul %convert_element_type3A_675, %concatenate3A_671, %dot_general3A_676 {dimension_numbers = #tpu.dot_dimension_numbers<[1], [0], [0], [1], [0, 0, 1, 1], [], []>, transpose_lhs_hint = false} : vector<200x200xbf16>, vector<200x128xbf16>, vector<200x128xf32> -> vector<200x128xf32>
    %slice3A_678 = vector.extract_strided_slice %dot_general3A_677 {offsets = [0, 0], sizes = [200, 64], strides = [1, 1]} : vector<200x128xf32> to vector<200x64xf32>
    %slice3A_679 = vector.extract_strided_slice %dot_general3A_677 {offsets = [0, 64], sizes = [200, 1], strides = [1, 1]} : vector<200x128xf32> to vector<200x1xf32>
    %div3A_680 = vector.broadcast %slice3A_679 : vector<200x1xf32> to vector<200x64xf32>
    %div3A_681 = arith.divf %slice3A_678, %div3A_680 : vector<200x64xf32>
    %convert_element_type3A_682 = arith.truncf %div3A_681 : vector<200x64xf32> to vector<200x64xbf16>
    %slice3A_683 = vector.extract_strided_slice %add3A_10 {offsets = [400, 384], sizes = [200, 64], strides = [1, 1]} : vector<800x2304xf32> to vector<200x64xf32>
    %mul3A_684 = arith.constant 1.250000e-01 : f32
    %mul3A_685 = vector.broadcast %mul3A_684 : f32 to vector<200x64xf32>
    %mul3A_686 = arith.mulf %slice3A_683, %mul3A_685 : vector<200x64xf32>
    %convert_element_type3A_687 = arith.truncf %mul3A_686 : vector<200x64xf32> to vector<200x64xbf16>
    %slice3A_688 = vector.extract_strided_slice %convert_element_type3A {offsets = [400, 384], sizes = [200, 64], strides = [1, 1]} : vector<800x768xbf16> to vector<200x64xbf16>
    %slice3A_689 = vector.extract_strided_slice %mul3A_45 {offsets = [400, 384], sizes = [200, 64], strides = [1, 1]} : vector<800x768xbf16> to vector<200x64xbf16>
    %slice3A_690 = vector.extract_strided_slice %broadcast_in_dim3A_50 {offsets = [400, 0], sizes = [200, 64], strides = [1, 1]} : vector<800x64xbf16> to vector<200x64xbf16>
    %concatenate3A_691 = tpu.concatenate %slice3A_689, %slice3A_690 in 1 : vector<200x64xbf16>, vector<200x64xbf16> -> vector<200x128xbf16>
    %dot_general3A_692 = arith.constant dense<0.000000e+00> : vector<200x200xf32>
    %dot_general3A_693 = tpu.matmul %convert_element_type3A_687, %slice3A_688, %dot_general3A_692 {dimension_numbers = #tpu.dot_dimension_numbers<[1], [1], [0], [0], [0, 0, 1, 0], [], []>, transpose_lhs_hint = false} : vector<200x64xbf16>, vector<200x64xbf16>, vector<200x200xf32> -> vector<200x200xf32>
    %exp3A_694 = math.exp %dot_general3A_693 : vector<200x200xf32>
    %convert_element_type3A_695 = arith.truncf %exp3A_694 : vector<200x200xf32> to vector<200x200xbf16>
    %dot_general3A_696 = arith.constant dense<0.000000e+00> : vector<200x128xf32>
    %dot_general3A_697 = tpu.matmul %convert_element_type3A_695, %concatenate3A_691, %dot_general3A_696 {dimension_numbers = #tpu.dot_dimension_numbers<[1], [0], [0], [1], [0, 0, 1, 1], [], []>, transpose_lhs_hint = false} : vector<200x200xbf16>, vector<200x128xbf16>, vector<200x128xf32> -> vector<200x128xf32>
    %slice3A_698 = vector.extract_strided_slice %dot_general3A_697 {offsets = [0, 0], sizes = [200, 64], strides = [1, 1]} : vector<200x128xf32> to vector<200x64xf32>
    %slice3A_699 = vector.extract_strided_slice %dot_general3A_697 {offsets = [0, 64], sizes = [200, 1], strides = [1, 1]} : vector<200x128xf32> to vector<200x1xf32>
    %div3A_700 = vector.broadcast %slice3A_699 : vector<200x1xf32> to vector<200x64xf32>
    %div3A_701 = arith.divf %slice3A_698, %div3A_700 : vector<200x64xf32>
    %convert_element_type3A_702 = arith.truncf %div3A_701 : vector<200x64xf32> to vector<200x64xbf16>
    %slice3A_703 = vector.extract_strided_slice %add3A_10 {offsets = [400, 448], sizes = [200, 64], strides = [1, 1]} : vector<800x2304xf32> to vector<200x64xf32>
    %mul3A_704 = arith.constant 1.250000e-01 : f32
    %mul3A_705 = vector.broadcast %mul3A_704 : f32 to vector<200x64xf32>
    %mul3A_706 = arith.mulf %slice3A_703, %mul3A_705 : vector<200x64xf32>
    %convert_element_type3A_707 = arith.truncf %mul3A_706 : vector<200x64xf32> to vector<200x64xbf16>
    %slice3A_708 = vector.extract_strided_slice %convert_element_type3A {offsets = [400, 448], sizes = [200, 64], strides = [1, 1]} : vector<800x768xbf16> to vector<200x64xbf16>
    %slice3A_709 = vector.extract_strided_slice %mul3A_45 {offsets = [400, 448], sizes = [200, 64], strides = [1, 1]} : vector<800x768xbf16> to vector<200x64xbf16>
    %slice3A_710 = vector.extract_strided_slice %broadcast_in_dim3A_50 {offsets = [400, 0], sizes = [200, 64], strides = [1, 1]} : vector<800x64xbf16> to vector<200x64xbf16>
    %concatenate3A_711 = tpu.concatenate %slice3A_709, %slice3A_710 in 1 : vector<200x64xbf16>, vector<200x64xbf16> -> vector<200x128xbf16>
    %dot_general3A_712 = arith.constant dense<0.000000e+00> : vector<200x200xf32>
    %dot_general3A_713 = tpu.matmul %convert_element_type3A_707, %slice3A_708, %dot_general3A_712 {dimension_numbers = #tpu.dot_dimension_numbers<[1], [1], [0], [0], [0, 0, 1, 0], [], []>, transpose_lhs_hint = false} : vector<200x64xbf16>, vector<200x64xbf16>, vector<200x200xf32> -> vector<200x200xf32>
    %exp3A_714 = math.exp %dot_general3A_713 : vector<200x200xf32>
    %convert_element_type3A_715 = arith.truncf %exp3A_714 : vector<200x200xf32> to vector<200x200xbf16>
    %dot_general3A_716 = arith.constant dense<0.000000e+00> : vector<200x128xf32>
    %dot_general3A_717 = tpu.matmul %convert_element_type3A_715, %concatenate3A_711, %dot_general3A_716 {dimension_numbers = #tpu.dot_dimension_numbers<[1], [0], [0], [1], [0, 0, 1, 1], [], []>, transpose_lhs_hint = false} : vector<200x200xbf16>, vector<200x128xbf16>, vector<200x128xf32> -> vector<200x128xf32>
    %slice3A_718 = vector.extract_strided_slice %dot_general3A_717 {offsets = [0, 0], sizes = [200, 64], strides = [1, 1]} : vector<200x128xf32> to vector<200x64xf32>
    %slice3A_719 = vector.extract_strided_slice %dot_general3A_717 {offsets = [0, 64], sizes = [200, 1], strides = [1, 1]} : vector<200x128xf32> to vector<200x1xf32>
    %div3A_720 = vector.broadcast %slice3A_719 : vector<200x1xf32> to vector<200x64xf32>
    %div3A_721 = arith.divf %slice3A_718, %div3A_720 : vector<200x64xf32>
    %convert_element_type3A_722 = arith.truncf %div3A_721 : vector<200x64xf32> to vector<200x64xbf16>
    %slice3A_723 = vector.extract_strided_slice %add3A_10 {offsets = [400, 512], sizes = [200, 64], strides = [1, 1]} : vector<800x2304xf32> to vector<200x64xf32>
    %mul3A_724 = arith.constant 1.250000e-01 : f32
    %mul3A_725 = vector.broadcast %mul3A_724 : f32 to vector<200x64xf32>
    %mul3A_726 = arith.mulf %slice3A_723, %mul3A_725 : vector<200x64xf32>
    %convert_element_type3A_727 = arith.truncf %mul3A_726 : vector<200x64xf32> to vector<200x64xbf16>
    %slice3A_728 = vector.extract_strided_slice %convert_element_type3A {offsets = [400, 512], sizes = [200, 64], strides = [1, 1]} : vector<800x768xbf16> to vector<200x64xbf16>
    %slice3A_729 = vector.extract_strided_slice %mul3A_45 {offsets = [400, 512], sizes = [200, 64], strides = [1, 1]} : vector<800x768xbf16> to vector<200x64xbf16>
    %slice3A_730 = vector.extract_strided_slice %broadcast_in_dim3A_50 {offsets = [400, 0], sizes = [200, 64], strides = [1, 1]} : vector<800x64xbf16> to vector<200x64xbf16>
    %concatenate3A_731 = tpu.concatenate %slice3A_729, %slice3A_730 in 1 : vector<200x64xbf16>, vector<200x64xbf16> -> vector<200x128xbf16>
    %dot_general3A_732 = arith.constant dense<0.000000e+00> : vector<200x200xf32>
    %dot_general3A_733 = tpu.matmul %convert_element_type3A_727, %slice3A_728, %dot_general3A_732 {dimension_numbers = #tpu.dot_dimension_numbers<[1], [1], [0], [0], [0, 0, 1, 0], [], []>, transpose_lhs_hint = false} : vector<200x64xbf16>, vector<200x64xbf16>, vector<200x200xf32> -> vector<200x200xf32>
    %exp3A_734 = math.exp %dot_general3A_733 : vector<200x200xf32>
    %convert_element_type3A_735 = arith.truncf %exp3A_734 : vector<200x200xf32> to vector<200x200xbf16>
    %dot_general3A_736 = arith.constant dense<0.000000e+00> : vector<200x128xf32>
    %dot_general3A_737 = tpu.matmul %convert_element_type3A_735, %concatenate3A_731, %dot_general3A_736 {dimension_numbers = #tpu.dot_dimension_numbers<[1], [0], [0], [1], [0, 0, 1, 1], [], []>, transpose_lhs_hint = false} : vector<200x200xbf16>, vector<200x128xbf16>, vector<200x128xf32> -> vector<200x128xf32>
    %slice3A_738 = vector.extract_strided_slice %dot_general3A_737 {offsets = [0, 0], sizes = [200, 64], strides = [1, 1]} : vector<200x128xf32> to vector<200x64xf32>
    %slice3A_739 = vector.extract_strided_slice %dot_general3A_737 {offsets = [0, 64], sizes = [200, 1], strides = [1, 1]} : vector<200x128xf32> to vector<200x1xf32>
    %div3A_740 = vector.broadcast %slice3A_739 : vector<200x1xf32> to vector<200x64xf32>
    %div3A_741 = arith.divf %slice3A_738, %div3A_740 : vector<200x64xf32>
    %convert_element_type3A_742 = arith.truncf %div3A_741 : vector<200x64xf32> to vector<200x64xbf16>
    %slice3A_743 = vector.extract_strided_slice %add3A_10 {offsets = [400, 576], sizes = [200, 64], strides = [1, 1]} : vector<800x2304xf32> to vector<200x64xf32>
    %mul3A_744 = arith.constant 1.250000e-01 : f32
    %mul3A_745 = vector.broadcast %mul3A_744 : f32 to vector<200x64xf32>
    %mul3A_746 = arith.mulf %slice3A_743, %mul3A_745 : vector<200x64xf32>
    %convert_element_type3A_747 = arith.truncf %mul3A_746 : vector<200x64xf32> to vector<200x64xbf16>
    %slice3A_748 = vector.extract_strided_slice %convert_element_type3A {offsets = [400, 576], sizes = [200, 64], strides = [1, 1]} : vector<800x768xbf16> to vector<200x64xbf16>
    %slice3A_749 = vector.extract_strided_slice %mul3A_45 {offsets = [400, 576], sizes = [200, 64], strides = [1, 1]} : vector<800x768xbf16> to vector<200x64xbf16>
    %slice3A_750 = vector.extract_strided_slice %broadcast_in_dim3A_50 {offsets = [400, 0], sizes = [200, 64], strides = [1, 1]} : vector<800x64xbf16> to vector<200x64xbf16>
    %concatenate3A_751 = tpu.concatenate %slice3A_749, %slice3A_750 in 1 : vector<200x64xbf16>, vector<200x64xbf16> -> vector<200x128xbf16>
    %dot_general3A_752 = arith.constant dense<0.000000e+00> : vector<200x200xf32>
    %dot_general3A_753 = tpu.matmul %convert_element_type3A_747, %slice3A_748, %dot_general3A_752 {dimension_numbers = #tpu.dot_dimension_numbers<[1], [1], [0], [0], [0, 0, 1, 0], [], []>, transpose_lhs_hint = false} : vector<200x64xbf16>, vector<200x64xbf16>, vector<200x200xf32> -> vector<200x200xf32>
    %exp3A_754 = math.exp %dot_general3A_753 : vector<200x200xf32>
    %convert_element_type3A_755 = arith.truncf %exp3A_754 : vector<200x200xf32> to vector<200x200xbf16>
    %dot_general3A_756 = arith.constant dense<0.000000e+00> : vector<200x128xf32>
    %dot_general3A_757 = tpu.matmul %convert_element_type3A_755, %concatenate3A_751, %dot_general3A_756 {dimension_numbers = #tpu.dot_dimension_numbers<[1], [0], [0], [1], [0, 0, 1, 1], [], []>, transpose_lhs_hint = false} : vector<200x200xbf16>, vector<200x128xbf16>, vector<200x128xf32> -> vector<200x128xf32>
    %slice3A_758 = vector.extract_strided_slice %dot_general3A_757 {offsets = [0, 0], sizes = [200, 64], strides = [1, 1]} : vector<200x128xf32> to vector<200x64xf32>
    %slice3A_759 = vector.extract_strided_slice %dot_general3A_757 {offsets = [0, 64], sizes = [200, 1], strides = [1, 1]} : vector<200x128xf32> to vector<200x1xf32>
    %div3A_760 = vector.broadcast %slice3A_759 : vector<200x1xf32> to vector<200x64xf32>
    %div3A_761 = arith.divf %slice3A_758, %div3A_760 : vector<200x64xf32>
    %convert_element_type3A_762 = arith.truncf %div3A_761 : vector<200x64xf32> to vector<200x64xbf16>
    %slice3A_763 = vector.extract_strided_slice %add3A_10 {offsets = [400, 640], sizes = [200, 64], strides = [1, 1]} : vector<800x2304xf32> to vector<200x64xf32>
    %mul3A_764 = arith.constant 1.250000e-01 : f32
    %mul3A_765 = vector.broadcast %mul3A_764 : f32 to vector<200x64xf32>
    %mul3A_766 = arith.mulf %slice3A_763, %mul3A_765 : vector<200x64xf32>
    %convert_element_type3A_767 = arith.truncf %mul3A_766 : vector<200x64xf32> to vector<200x64xbf16>
    %slice3A_768 = vector.extract_strided_slice %convert_element_type3A {offsets = [400, 640], sizes = [200, 64], strides = [1, 1]} : vector<800x768xbf16> to vector<200x64xbf16>
    %slice3A_769 = vector.extract_strided_slice %mul3A_45 {offsets = [400, 640], sizes = [200, 64], strides = [1, 1]} : vector<800x768xbf16> to vector<200x64xbf16>
    %slice3A_770 = vector.extract_strided_slice %broadcast_in_dim3A_50 {offsets = [400, 0], sizes = [200, 64], strides = [1, 1]} : vector<800x64xbf16> to vector<200x64xbf16>
    %concatenate3A_771 = tpu.concatenate %slice3A_769, %slice3A_770 in 1 : vector<200x64xbf16>, vector<200x64xbf16> -> vector<200x128xbf16>
    %dot_general3A_772 = arith.constant dense<0.000000e+00> : vector<200x200xf32>
    %dot_general3A_773 = tpu.matmul %convert_element_type3A_767, %slice3A_768, %dot_general3A_772 {dimension_numbers = #tpu.dot_dimension_numbers<[1], [1], [0], [0], [0, 0, 1, 0], [], []>, transpose_lhs_hint = false} : vector<200x64xbf16>, vector<200x64xbf16>, vector<200x200xf32> -> vector<200x200xf32>
    %exp3A_774 = math.exp %dot_general3A_773 : vector<200x200xf32>
    %convert_element_type3A_775 = arith.truncf %exp3A_774 : vector<200x200xf32> to vector<200x200xbf16>
    %dot_general3A_776 = arith.constant dense<0.000000e+00> : vector<200x128xf32>
    %dot_general3A_777 = tpu.matmul %convert_element_type3A_775, %concatenate3A_771, %dot_general3A_776 {dimension_numbers = #tpu.dot_dimension_numbers<[1], [0], [0], [1], [0, 0, 1, 1], [], []>, transpose_lhs_hint = false} : vector<200x200xbf16>, vector<200x128xbf16>, vector<200x128xf32> -> vector<200x128xf32>
    %slice3A_778 = vector.extract_strided_slice %dot_general3A_777 {offsets = [0, 0], sizes = [200, 64], strides = [1, 1]} : vector<200x128xf32> to vector<200x64xf32>
    %slice3A_779 = vector.extract_strided_slice %dot_general3A_777 {offsets = [0, 64], sizes = [200, 1], strides = [1, 1]} : vector<200x128xf32> to vector<200x1xf32>
    %div3A_780 = vector.broadcast %slice3A_779 : vector<200x1xf32> to vector<200x64xf32>
    %div3A_781 = arith.divf %slice3A_778, %div3A_780 : vector<200x64xf32>
    %convert_element_type3A_782 = arith.truncf %div3A_781 : vector<200x64xf32> to vector<200x64xbf16>
    %slice3A_783 = vector.extract_strided_slice %add3A_10 {offsets = [400, 704], sizes = [200, 64], strides = [1, 1]} : vector<800x2304xf32> to vector<200x64xf32>
    %mul3A_784 = arith.constant 1.250000e-01 : f32
    %mul3A_785 = vector.broadcast %mul3A_784 : f32 to vector<200x64xf32>
    %mul3A_786 = arith.mulf %slice3A_783, %mul3A_785 : vector<200x64xf32>
    %convert_element_type3A_787 = arith.truncf %mul3A_786 : vector<200x64xf32> to vector<200x64xbf16>
    %slice3A_788 = vector.extract_strided_slice %convert_element_type3A {offsets = [400, 704], sizes = [200, 64], strides = [1, 1]} : vector<800x768xbf16> to vector<200x64xbf16>
    %slice3A_789 = vector.extract_strided_slice %mul3A_45 {offsets = [400, 704], sizes = [200, 64], strides = [1, 1]} : vector<800x768xbf16> to vector<200x64xbf16>
    %slice3A_790 = vector.extract_strided_slice %broadcast_in_dim3A_50 {offsets = [400, 0], sizes = [200, 64], strides = [1, 1]} : vector<800x64xbf16> to vector<200x64xbf16>
    %concatenate3A_791 = tpu.concatenate %slice3A_789, %slice3A_790 in 1 : vector<200x64xbf16>, vector<200x64xbf16> -> vector<200x128xbf16>
    %dot_general3A_792 = arith.constant dense<0.000000e+00> : vector<200x200xf32>
    %dot_general3A_793 = tpu.matmul %convert_element_type3A_787, %slice3A_788, %dot_general3A_792 {dimension_numbers = #tpu.dot_dimension_numbers<[1], [1], [0], [0], [0, 0, 1, 0], [], []>, transpose_lhs_hint = false} : vector<200x64xbf16>, vector<200x64xbf16>, vector<200x200xf32> -> vector<200x200xf32>
    %exp3A_794 = math.exp %dot_general3A_793 : vector<200x200xf32>
    %convert_element_type3A_795 = arith.truncf %exp3A_794 : vector<200x200xf32> to vector<200x200xbf16>
    %dot_general3A_796 = arith.constant dense<0.000000e+00> : vector<200x128xf32>
    %dot_general3A_797 = tpu.matmul %convert_element_type3A_795, %concatenate3A_791, %dot_general3A_796 {dimension_numbers = #tpu.dot_dimension_numbers<[1], [0], [0], [1], [0, 0, 1, 1], [], []>, transpose_lhs_hint = false} : vector<200x200xbf16>, vector<200x128xbf16>, vector<200x128xf32> -> vector<200x128xf32>
    %slice3A_798 = vector.extract_strided_slice %dot_general3A_797 {offsets = [0, 0], sizes = [200, 64], strides = [1, 1]} : vector<200x128xf32> to vector<200x64xf32>
    %slice3A_799 = vector.extract_strided_slice %dot_general3A_797 {offsets = [0, 64], sizes = [200, 1], strides = [1, 1]} : vector<200x128xf32> to vector<200x1xf32>
    %div3A_800 = vector.broadcast %slice3A_799 : vector<200x1xf32> to vector<200x64xf32>
    %div3A_801 = arith.divf %slice3A_798, %div3A_800 : vector<200x64xf32>
    %convert_element_type3A_802 = arith.truncf %div3A_801 : vector<200x64xf32> to vector<200x64xbf16>
    %concatenate3A_803 = tpu.concatenate %convert_element_type3A_582, %convert_element_type3A_602, %convert_element_type3A_622, %convert_element_type3A_642, %convert_element_type3A_662, %convert_element_type3A_682, %convert_element_type3A_702, %convert_element_type3A_722, %convert_element_type3A_742, %convert_element_type3A_762, %convert_element_type3A_782, %convert_element_type3A_802 in 1 : vector<200x64xbf16>, vector<200x64xbf16>, vector<200x64xbf16>, vector<200x64xbf16>, vector<200x64xbf16>, vector<200x64xbf16>, vector<200x64xbf16>, vector<200x64xbf16>, vector<200x64xbf16>, vector<200x64xbf16>, vector<200x64xbf16>, vector<200x64xbf16> -> vector<200x768xbf16>
    %get3A_804 = arith.constant 0 : index
    %get3A_805 = arith.constant 0 : index
    %get3A_806 = vector.load %arg4[%get3A_804, %get3A_805] : memref<768x768xbf16, #tpu.memory_space<vmem>>, vector<768x768xbf16>
    %dot_general3A_807 = arith.constant dense<0.000000e+00> : vector<200x768xf32>
    %dot_general3A_808 = tpu.matmul %concatenate3A_803, %get3A_806, %dot_general3A_807 {dimension_numbers = #tpu.dot_dimension_numbers<[1], [0], [0], [1], [0, 0, 1, 1], [], []>, transpose_lhs_hint = false} : vector<200x768xbf16>, vector<768x768xbf16>, vector<200x768xf32> -> vector<200x768xf32>
    %get3A_809 = arith.constant 0 : index
    %get3A_810 = arith.constant 0 : index
    %get3A_811 = vector.load %arg5[%get3A_809, %get3A_810] : memref<1x768xf32, #tpu.memory_space<vmem>>, vector<1x768xf32>
    %get3A_812 = vector.shape_cast %get3A_811 : vector<1x768xf32> to vector<768xf32>
    %broadcast_in_dim3A_813 = vector.shape_cast %get3A_812 : vector<768xf32> to vector<1x768xf32>
    %add3A_814 = vector.broadcast %broadcast_in_dim3A_813 : vector<1x768xf32> to vector<200x768xf32>
    %add3A_815 = arith.addf %dot_general3A_808, %add3A_814 : vector<200x768xf32>
    %convert_element_type3A_816 = arith.truncf %add3A_815 : vector<200x768xf32> to vector<200x768xbf16>
    %slice3A_817 = vector.extract_strided_slice %convert_element_type3A_816 {offsets = [0, 0], sizes = [196, 768], strides = [1, 1]} : vector<200x768xbf16> to vector<196x768xbf16>
    %slice3A_818 = vector.extract_strided_slice %convert_element_type3A {offsets = [400, 0], sizes = [196, 768], strides = [1, 1]} : vector<800x768xbf16> to vector<196x768xbf16>
    %slice3A_819 = vector.extract_strided_slice %mul3A_45 {offsets = [400, 0], sizes = [196, 768], strides = [1, 1]} : vector<800x768xbf16> to vector<196x768xbf16>
    %slice3A_820 = vector.extract_strided_slice %add3A_10 {offsets = [600, 0], sizes = [200, 64], strides = [1, 1]} : vector<800x2304xf32> to vector<200x64xf32>
    %mul3A_821 = arith.constant 1.250000e-01 : f32
    %mul3A_822 = vector.broadcast %mul3A_821 : f32 to vector<200x64xf32>
    %mul3A_823 = arith.mulf %slice3A_820, %mul3A_822 : vector<200x64xf32>
    %convert_element_type3A_824 = arith.truncf %mul3A_823 : vector<200x64xf32> to vector<200x64xbf16>
    %slice3A_825 = vector.extract_strided_slice %convert_element_type3A {offsets = [600, 0], sizes = [200, 64], strides = [1, 1]} : vector<800x768xbf16> to vector<200x64xbf16>
    %slice3A_826 = vector.extract_strided_slice %mul3A_45 {offsets = [600, 0], sizes = [200, 64], strides = [1, 1]} : vector<800x768xbf16> to vector<200x64xbf16>
    %slice3A_827 = vector.extract_strided_slice %broadcast_in_dim3A_50 {offsets = [600, 0], sizes = [200, 64], strides = [1, 1]} : vector<800x64xbf16> to vector<200x64xbf16>
    %concatenate3A_828 = tpu.concatenate %slice3A_826, %slice3A_827 in 1 : vector<200x64xbf16>, vector<200x64xbf16> -> vector<200x128xbf16>
    %dot_general3A_829 = arith.constant dense<0.000000e+00> : vector<200x200xf32>
    %dot_general3A_830 = tpu.matmul %convert_element_type3A_824, %slice3A_825, %dot_general3A_829 {dimension_numbers = #tpu.dot_dimension_numbers<[1], [1], [0], [0], [0, 0, 1, 0], [], []>, transpose_lhs_hint = false} : vector<200x64xbf16>, vector<200x64xbf16>, vector<200x200xf32> -> vector<200x200xf32>
    %exp3A_831 = math.exp %dot_general3A_830 : vector<200x200xf32>
    %convert_element_type3A_832 = arith.truncf %exp3A_831 : vector<200x200xf32> to vector<200x200xbf16>
    %dot_general3A_833 = arith.constant dense<0.000000e+00> : vector<200x128xf32>
    %dot_general3A_834 = tpu.matmul %convert_element_type3A_832, %concatenate3A_828, %dot_general3A_833 {dimension_numbers = #tpu.dot_dimension_numbers<[1], [0], [0], [1], [0, 0, 1, 1], [], []>, transpose_lhs_hint = false} : vector<200x200xbf16>, vector<200x128xbf16>, vector<200x128xf32> -> vector<200x128xf32>
    %slice3A_835 = vector.extract_strided_slice %dot_general3A_834 {offsets = [0, 0], sizes = [200, 64], strides = [1, 1]} : vector<200x128xf32> to vector<200x64xf32>
    %slice3A_836 = vector.extract_strided_slice %dot_general3A_834 {offsets = [0, 64], sizes = [200, 1], strides = [1, 1]} : vector<200x128xf32> to vector<200x1xf32>
    %div3A_837 = vector.broadcast %slice3A_836 : vector<200x1xf32> to vector<200x64xf32>
    %div3A_838 = arith.divf %slice3A_835, %div3A_837 : vector<200x64xf32>
    %convert_element_type3A_839 = arith.truncf %div3A_838 : vector<200x64xf32> to vector<200x64xbf16>
    %slice3A_840 = vector.extract_strided_slice %add3A_10 {offsets = [600, 64], sizes = [200, 64], strides = [1, 1]} : vector<800x2304xf32> to vector<200x64xf32>
    %mul3A_841 = arith.constant 1.250000e-01 : f32
    %mul3A_842 = vector.broadcast %mul3A_841 : f32 to vector<200x64xf32>
    %mul3A_843 = arith.mulf %slice3A_840, %mul3A_842 : vector<200x64xf32>
    %convert_element_type3A_844 = arith.truncf %mul3A_843 : vector<200x64xf32> to vector<200x64xbf16>
    %slice3A_845 = vector.extract_strided_slice %convert_element_type3A {offsets = [600, 64], sizes = [200, 64], strides = [1, 1]} : vector<800x768xbf16> to vector<200x64xbf16>
    %slice3A_846 = vector.extract_strided_slice %mul3A_45 {offsets = [600, 64], sizes = [200, 64], strides = [1, 1]} : vector<800x768xbf16> to vector<200x64xbf16>
    %slice3A_847 = vector.extract_strided_slice %broadcast_in_dim3A_50 {offsets = [600, 0], sizes = [200, 64], strides = [1, 1]} : vector<800x64xbf16> to vector<200x64xbf16>
    %concatenate3A_848 = tpu.concatenate %slice3A_846, %slice3A_847 in 1 : vector<200x64xbf16>, vector<200x64xbf16> -> vector<200x128xbf16>
    %dot_general3A_849 = arith.constant dense<0.000000e+00> : vector<200x200xf32>
    %dot_general3A_850 = tpu.matmul %convert_element_type3A_844, %slice3A_845, %dot_general3A_849 {dimension_numbers = #tpu.dot_dimension_numbers<[1], [1], [0], [0], [0, 0, 1, 0], [], []>, transpose_lhs_hint = false} : vector<200x64xbf16>, vector<200x64xbf16>, vector<200x200xf32> -> vector<200x200xf32>
    %exp3A_851 = math.exp %dot_general3A_850 : vector<200x200xf32>
    %convert_element_type3A_852 = arith.truncf %exp3A_851 : vector<200x200xf32> to vector<200x200xbf16>
    %dot_general3A_853 = arith.constant dense<0.000000e+00> : vector<200x128xf32>
    %dot_general3A_854 = tpu.matmul %convert_element_type3A_852, %concatenate3A_848, %dot_general3A_853 {dimension_numbers = #tpu.dot_dimension_numbers<[1], [0], [0], [1], [0, 0, 1, 1], [], []>, transpose_lhs_hint = false} : vector<200x200xbf16>, vector<200x128xbf16>, vector<200x128xf32> -> vector<200x128xf32>
    %slice3A_855 = vector.extract_strided_slice %dot_general3A_854 {offsets = [0, 0], sizes = [200, 64], strides = [1, 1]} : vector<200x128xf32> to vector<200x64xf32>
    %slice3A_856 = vector.extract_strided_slice %dot_general3A_854 {offsets = [0, 64], sizes = [200, 1], strides = [1, 1]} : vector<200x128xf32> to vector<200x1xf32>
    %div3A_857 = vector.broadcast %slice3A_856 : vector<200x1xf32> to vector<200x64xf32>
    %div3A_858 = arith.divf %slice3A_855, %div3A_857 : vector<200x64xf32>
    %convert_element_type3A_859 = arith.truncf %div3A_858 : vector<200x64xf32> to vector<200x64xbf16>
    %slice3A_860 = vector.extract_strided_slice %add3A_10 {offsets = [600, 128], sizes = [200, 64], strides = [1, 1]} : vector<800x2304xf32> to vector<200x64xf32>
    %mul3A_861 = arith.constant 1.250000e-01 : f32
    %mul3A_862 = vector.broadcast %mul3A_861 : f32 to vector<200x64xf32>
    %mul3A_863 = arith.mulf %slice3A_860, %mul3A_862 : vector<200x64xf32>
    %convert_element_type3A_864 = arith.truncf %mul3A_863 : vector<200x64xf32> to vector<200x64xbf16>
    %slice3A_865 = vector.extract_strided_slice %convert_element_type3A {offsets = [600, 128], sizes = [200, 64], strides = [1, 1]} : vector<800x768xbf16> to vector<200x64xbf16>
    %slice3A_866 = vector.extract_strided_slice %mul3A_45 {offsets = [600, 128], sizes = [200, 64], strides = [1, 1]} : vector<800x768xbf16> to vector<200x64xbf16>
    %slice3A_867 = vector.extract_strided_slice %broadcast_in_dim3A_50 {offsets = [600, 0], sizes = [200, 64], strides = [1, 1]} : vector<800x64xbf16> to vector<200x64xbf16>
    %concatenate3A_868 = tpu.concatenate %slice3A_866, %slice3A_867 in 1 : vector<200x64xbf16>, vector<200x64xbf16> -> vector<200x128xbf16>
    %dot_general3A_869 = arith.constant dense<0.000000e+00> : vector<200x200xf32>
    %dot_general3A_870 = tpu.matmul %convert_element_type3A_864, %slice3A_865, %dot_general3A_869 {dimension_numbers = #tpu.dot_dimension_numbers<[1], [1], [0], [0], [0, 0, 1, 0], [], []>, transpose_lhs_hint = false} : vector<200x64xbf16>, vector<200x64xbf16>, vector<200x200xf32> -> vector<200x200xf32>
    %exp3A_871 = math.exp %dot_general3A_870 : vector<200x200xf32>
    %convert_element_type3A_872 = arith.truncf %exp3A_871 : vector<200x200xf32> to vector<200x200xbf16>
    %dot_general3A_873 = arith.constant dense<0.000000e+00> : vector<200x128xf32>
    %dot_general3A_874 = tpu.matmul %convert_element_type3A_872, %concatenate3A_868, %dot_general3A_873 {dimension_numbers = #tpu.dot_dimension_numbers<[1], [0], [0], [1], [0, 0, 1, 1], [], []>, transpose_lhs_hint = false} : vector<200x200xbf16>, vector<200x128xbf16>, vector<200x128xf32> -> vector<200x128xf32>
    %slice3A_875 = vector.extract_strided_slice %dot_general3A_874 {offsets = [0, 0], sizes = [200, 64], strides = [1, 1]} : vector<200x128xf32> to vector<200x64xf32>
    %slice3A_876 = vector.extract_strided_slice %dot_general3A_874 {offsets = [0, 64], sizes = [200, 1], strides = [1, 1]} : vector<200x128xf32> to vector<200x1xf32>
    %div3A_877 = vector.broadcast %slice3A_876 : vector<200x1xf32> to vector<200x64xf32>
    %div3A_878 = arith.divf %slice3A_875, %div3A_877 : vector<200x64xf32>
    %convert_element_type3A_879 = arith.truncf %div3A_878 : vector<200x64xf32> to vector<200x64xbf16>
    %slice3A_880 = vector.extract_strided_slice %add3A_10 {offsets = [600, 192], sizes = [200, 64], strides = [1, 1]} : vector<800x2304xf32> to vector<200x64xf32>
    %mul3A_881 = arith.constant 1.250000e-01 : f32
    %mul3A_882 = vector.broadcast %mul3A_881 : f32 to vector<200x64xf32>
    %mul3A_883 = arith.mulf %slice3A_880, %mul3A_882 : vector<200x64xf32>
    %convert_element_type3A_884 = arith.truncf %mul3A_883 : vector<200x64xf32> to vector<200x64xbf16>
    %slice3A_885 = vector.extract_strided_slice %convert_element_type3A {offsets = [600, 192], sizes = [200, 64], strides = [1, 1]} : vector<800x768xbf16> to vector<200x64xbf16>
    %slice3A_886 = vector.extract_strided_slice %mul3A_45 {offsets = [600, 192], sizes = [200, 64], strides = [1, 1]} : vector<800x768xbf16> to vector<200x64xbf16>
    %slice3A_887 = vector.extract_strided_slice %broadcast_in_dim3A_50 {offsets = [600, 0], sizes = [200, 64], strides = [1, 1]} : vector<800x64xbf16> to vector<200x64xbf16>
    %concatenate3A_888 = tpu.concatenate %slice3A_886, %slice3A_887 in 1 : vector<200x64xbf16>, vector<200x64xbf16> -> vector<200x128xbf16>
    %dot_general3A_889 = arith.constant dense<0.000000e+00> : vector<200x200xf32>
    %dot_general3A_890 = tpu.matmul %convert_element_type3A_884, %slice3A_885, %dot_general3A_889 {dimension_numbers = #tpu.dot_dimension_numbers<[1], [1], [0], [0], [0, 0, 1, 0], [], []>, transpose_lhs_hint = false} : vector<200x64xbf16>, vector<200x64xbf16>, vector<200x200xf32> -> vector<200x200xf32>
    %exp3A_891 = math.exp %dot_general3A_890 : vector<200x200xf32>
    %convert_element_type3A_892 = arith.truncf %exp3A_891 : vector<200x200xf32> to vector<200x200xbf16>
    %dot_general3A_893 = arith.constant dense<0.000000e+00> : vector<200x128xf32>
    %dot_general3A_894 = tpu.matmul %convert_element_type3A_892, %concatenate3A_888, %dot_general3A_893 {dimension_numbers = #tpu.dot_dimension_numbers<[1], [0], [0], [1], [0, 0, 1, 1], [], []>, transpose_lhs_hint = false} : vector<200x200xbf16>, vector<200x128xbf16>, vector<200x128xf32> -> vector<200x128xf32>
    %slice3A_895 = vector.extract_strided_slice %dot_general3A_894 {offsets = [0, 0], sizes = [200, 64], strides = [1, 1]} : vector<200x128xf32> to vector<200x64xf32>
    %slice3A_896 = vector.extract_strided_slice %dot_general3A_894 {offsets = [0, 64], sizes = [200, 1], strides = [1, 1]} : vector<200x128xf32> to vector<200x1xf32>
    %div3A_897 = vector.broadcast %slice3A_896 : vector<200x1xf32> to vector<200x64xf32>
    %div3A_898 = arith.divf %slice3A_895, %div3A_897 : vector<200x64xf32>
    %convert_element_type3A_899 = arith.truncf %div3A_898 : vector<200x64xf32> to vector<200x64xbf16>
    %slice3A_900 = vector.extract_strided_slice %add3A_10 {offsets = [600, 256], sizes = [200, 64], strides = [1, 1]} : vector<800x2304xf32> to vector<200x64xf32>
    %mul3A_901 = arith.constant 1.250000e-01 : f32
    %mul3A_902 = vector.broadcast %mul3A_901 : f32 to vector<200x64xf32>
    %mul3A_903 = arith.mulf %slice3A_900, %mul3A_902 : vector<200x64xf32>
    %convert_element_type3A_904 = arith.truncf %mul3A_903 : vector<200x64xf32> to vector<200x64xbf16>
    %slice3A_905 = vector.extract_strided_slice %convert_element_type3A {offsets = [600, 256], sizes = [200, 64], strides = [1, 1]} : vector<800x768xbf16> to vector<200x64xbf16>
    %slice3A_906 = vector.extract_strided_slice %mul3A_45 {offsets = [600, 256], sizes = [200, 64], strides = [1, 1]} : vector<800x768xbf16> to vector<200x64xbf16>
    %slice3A_907 = vector.extract_strided_slice %broadcast_in_dim3A_50 {offsets = [600, 0], sizes = [200, 64], strides = [1, 1]} : vector<800x64xbf16> to vector<200x64xbf16>
    %concatenate3A_908 = tpu.concatenate %slice3A_906, %slice3A_907 in 1 : vector<200x64xbf16>, vector<200x64xbf16> -> vector<200x128xbf16>
    %dot_general3A_909 = arith.constant dense<0.000000e+00> : vector<200x200xf32>
    %dot_general3A_910 = tpu.matmul %convert_element_type3A_904, %slice3A_905, %dot_general3A_909 {dimension_numbers = #tpu.dot_dimension_numbers<[1], [1], [0], [0], [0, 0, 1, 0], [], []>, transpose_lhs_hint = false} : vector<200x64xbf16>, vector<200x64xbf16>, vector<200x200xf32> -> vector<200x200xf32>
    %exp3A_911 = math.exp %dot_general3A_910 : vector<200x200xf32>
    %convert_element_type3A_912 = arith.truncf %exp3A_911 : vector<200x200xf32> to vector<200x200xbf16>
    %dot_general3A_913 = arith.constant dense<0.000000e+00> : vector<200x128xf32>
    %dot_general3A_914 = tpu.matmul %convert_element_type3A_912, %concatenate3A_908, %dot_general3A_913 {dimension_numbers = #tpu.dot_dimension_numbers<[1], [0], [0], [1], [0, 0, 1, 1], [], []>, transpose_lhs_hint = false} : vector<200x200xbf16>, vector<200x128xbf16>, vector<200x128xf32> -> vector<200x128xf32>
    %slice3A_915 = vector.extract_strided_slice %dot_general3A_914 {offsets = [0, 0], sizes = [200, 64], strides = [1, 1]} : vector<200x128xf32> to vector<200x64xf32>
    %slice3A_916 = vector.extract_strided_slice %dot_general3A_914 {offsets = [0, 64], sizes = [200, 1], strides = [1, 1]} : vector<200x128xf32> to vector<200x1xf32>
    %div3A_917 = vector.broadcast %slice3A_916 : vector<200x1xf32> to vector<200x64xf32>
    %div3A_918 = arith.divf %slice3A_915, %div3A_917 : vector<200x64xf32>
    %convert_element_type3A_919 = arith.truncf %div3A_918 : vector<200x64xf32> to vector<200x64xbf16>
    %slice3A_920 = vector.extract_strided_slice %add3A_10 {offsets = [600, 320], sizes = [200, 64], strides = [1, 1]} : vector<800x2304xf32> to vector<200x64xf32>
    %mul3A_921 = arith.constant 1.250000e-01 : f32
    %mul3A_922 = vector.broadcast %mul3A_921 : f32 to vector<200x64xf32>
    %mul3A_923 = arith.mulf %slice3A_920, %mul3A_922 : vector<200x64xf32>
    %convert_element_type3A_924 = arith.truncf %mul3A_923 : vector<200x64xf32> to vector<200x64xbf16>
    %slice3A_925 = vector.extract_strided_slice %convert_element_type3A {offsets = [600, 320], sizes = [200, 64], strides = [1, 1]} : vector<800x768xbf16> to vector<200x64xbf16>
    %slice3A_926 = vector.extract_strided_slice %mul3A_45 {offsets = [600, 320], sizes = [200, 64], strides = [1, 1]} : vector<800x768xbf16> to vector<200x64xbf16>
    %slice3A_927 = vector.extract_strided_slice %broadcast_in_dim3A_50 {offsets = [600, 0], sizes = [200, 64], strides = [1, 1]} : vector<800x64xbf16> to vector<200x64xbf16>
    %concatenate3A_928 = tpu.concatenate %slice3A_926, %slice3A_927 in 1 : vector<200x64xbf16>, vector<200x64xbf16> -> vector<200x128xbf16>
    %dot_general3A_929 = arith.constant dense<0.000000e+00> : vector<200x200xf32>
    %dot_general3A_930 = tpu.matmul %convert_element_type3A_924, %slice3A_925, %dot_general3A_929 {dimension_numbers = #tpu.dot_dimension_numbers<[1], [1], [0], [0], [0, 0, 1, 0], [], []>, transpose_lhs_hint = false} : vector<200x64xbf16>, vector<200x64xbf16>, vector<200x200xf32> -> vector<200x200xf32>
    %exp3A_931 = math.exp %dot_general3A_930 : vector<200x200xf32>
    %convert_element_type3A_932 = arith.truncf %exp3A_931 : vector<200x200xf32> to vector<200x200xbf16>
    %dot_general3A_933 = arith.constant dense<0.000000e+00> : vector<200x128xf32>
    %dot_general3A_934 = tpu.matmul %convert_element_type3A_932, %concatenate3A_928, %dot_general3A_933 {dimension_numbers = #tpu.dot_dimension_numbers<[1], [0], [0], [1], [0, 0, 1, 1], [], []>, transpose_lhs_hint = false} : vector<200x200xbf16>, vector<200x128xbf16>, vector<200x128xf32> -> vector<200x128xf32>
    %slice3A_935 = vector.extract_strided_slice %dot_general3A_934 {offsets = [0, 0], sizes = [200, 64], strides = [1, 1]} : vector<200x128xf32> to vector<200x64xf32>
    %slice3A_936 = vector.extract_strided_slice %dot_general3A_934 {offsets = [0, 64], sizes = [200, 1], strides = [1, 1]} : vector<200x128xf32> to vector<200x1xf32>
    %div3A_937 = vector.broadcast %slice3A_936 : vector<200x1xf32> to vector<200x64xf32>
    %div3A_938 = arith.divf %slice3A_935, %div3A_937 : vector<200x64xf32>
    %convert_element_type3A_939 = arith.truncf %div3A_938 : vector<200x64xf32> to vector<200x64xbf16>
    %slice3A_940 = vector.extract_strided_slice %add3A_10 {offsets = [600, 384], sizes = [200, 64], strides = [1, 1]} : vector<800x2304xf32> to vector<200x64xf32>
    %mul3A_941 = arith.constant 1.250000e-01 : f32
    %mul3A_942 = vector.broadcast %mul3A_941 : f32 to vector<200x64xf32>
    %mul3A_943 = arith.mulf %slice3A_940, %mul3A_942 : vector<200x64xf32>
    %convert_element_type3A_944 = arith.truncf %mul3A_943 : vector<200x64xf32> to vector<200x64xbf16>
    %slice3A_945 = vector.extract_strided_slice %convert_element_type3A {offsets = [600, 384], sizes = [200, 64], strides = [1, 1]} : vector<800x768xbf16> to vector<200x64xbf16>
    %slice3A_946 = vector.extract_strided_slice %mul3A_45 {offsets = [600, 384], sizes = [200, 64], strides = [1, 1]} : vector<800x768xbf16> to vector<200x64xbf16>
    %slice3A_947 = vector.extract_strided_slice %broadcast_in_dim3A_50 {offsets = [600, 0], sizes = [200, 64], strides = [1, 1]} : vector<800x64xbf16> to vector<200x64xbf16>
    %concatenate3A_948 = tpu.concatenate %slice3A_946, %slice3A_947 in 1 : vector<200x64xbf16>, vector<200x64xbf16> -> vector<200x128xbf16>
    %dot_general3A_949 = arith.constant dense<0.000000e+00> : vector<200x200xf32>
    %dot_general3A_950 = tpu.matmul %convert_element_type3A_944, %slice3A_945, %dot_general3A_949 {dimension_numbers = #tpu.dot_dimension_numbers<[1], [1], [0], [0], [0, 0, 1, 0], [], []>, transpose_lhs_hint = false} : vector<200x64xbf16>, vector<200x64xbf16>, vector<200x200xf32> -> vector<200x200xf32>
    %exp3A_951 = math.exp %dot_general3A_950 : vector<200x200xf32>
    %convert_element_type3A_952 = arith.truncf %exp3A_951 : vector<200x200xf32> to vector<200x200xbf16>
    %dot_general3A_953 = arith.constant dense<0.000000e+00> : vector<200x128xf32>
    %dot_general3A_954 = tpu.matmul %convert_element_type3A_952, %concatenate3A_948, %dot_general3A_953 {dimension_numbers = #tpu.dot_dimension_numbers<[1], [0], [0], [1], [0, 0, 1, 1], [], []>, transpose_lhs_hint = false} : vector<200x200xbf16>, vector<200x128xbf16>, vector<200x128xf32> -> vector<200x128xf32>
    %slice3A_955 = vector.extract_strided_slice %dot_general3A_954 {offsets = [0, 0], sizes = [200, 64], strides = [1, 1]} : vector<200x128xf32> to vector<200x64xf32>
    %slice3A_956 = vector.extract_strided_slice %dot_general3A_954 {offsets = [0, 64], sizes = [200, 1], strides = [1, 1]} : vector<200x128xf32> to vector<200x1xf32>
    %div3A_957 = vector.broadcast %slice3A_956 : vector<200x1xf32> to vector<200x64xf32>
    %div3A_958 = arith.divf %slice3A_955, %div3A_957 : vector<200x64xf32>
    %convert_element_type3A_959 = arith.truncf %div3A_958 : vector<200x64xf32> to vector<200x64xbf16>
    %slice3A_960 = vector.extract_strided_slice %add3A_10 {offsets = [600, 448], sizes = [200, 64], strides = [1, 1]} : vector<800x2304xf32> to vector<200x64xf32>
    %mul3A_961 = arith.constant 1.250000e-01 : f32
    %mul3A_962 = vector.broadcast %mul3A_961 : f32 to vector<200x64xf32>
    %mul3A_963 = arith.mulf %slice3A_960, %mul3A_962 : vector<200x64xf32>
    %convert_element_type3A_964 = arith.truncf %mul3A_963 : vector<200x64xf32> to vector<200x64xbf16>
    %slice3A_965 = vector.extract_strided_slice %convert_element_type3A {offsets = [600, 448], sizes = [200, 64], strides = [1, 1]} : vector<800x768xbf16> to vector<200x64xbf16>
    %slice3A_966 = vector.extract_strided_slice %mul3A_45 {offsets = [600, 448], sizes = [200, 64], strides = [1, 1]} : vector<800x768xbf16> to vector<200x64xbf16>
    %slice3A_967 = vector.extract_strided_slice %broadcast_in_dim3A_50 {offsets = [600, 0], sizes = [200, 64], strides = [1, 1]} : vector<800x64xbf16> to vector<200x64xbf16>
    %concatenate3A_968 = tpu.concatenate %slice3A_966, %slice3A_967 in 1 : vector<200x64xbf16>, vector<200x64xbf16> -> vector<200x128xbf16>
    %dot_general3A_969 = arith.constant dense<0.000000e+00> : vector<200x200xf32>
    %dot_general3A_970 = tpu.matmul %convert_element_type3A_964, %slice3A_965, %dot_general3A_969 {dimension_numbers = #tpu.dot_dimension_numbers<[1], [1], [0], [0], [0, 0, 1, 0], [], []>, transpose_lhs_hint = false} : vector<200x64xbf16>, vector<200x64xbf16>, vector<200x200xf32> -> vector<200x200xf32>
    %exp3A_971 = math.exp %dot_general3A_970 : vector<200x200xf32>
    %convert_element_type3A_972 = arith.truncf %exp3A_971 : vector<200x200xf32> to vector<200x200xbf16>
    %dot_general3A_973 = arith.constant dense<0.000000e+00> : vector<200x128xf32>
    %dot_general3A_974 = tpu.matmul %convert_element_type3A_972, %concatenate3A_968, %dot_general3A_973 {dimension_numbers = #tpu.dot_dimension_numbers<[1], [0], [0], [1], [0, 0, 1, 1], [], []>, transpose_lhs_hint = false} : vector<200x200xbf16>, vector<200x128xbf16>, vector<200x128xf32> -> vector<200x128xf32>
    %slice3A_975 = vector.extract_strided_slice %dot_general3A_974 {offsets = [0, 0], sizes = [200, 64], strides = [1, 1]} : vector<200x128xf32> to vector<200x64xf32>
    %slice3A_976 = vector.extract_strided_slice %dot_general3A_974 {offsets = [0, 64], sizes = [200, 1], strides = [1, 1]} : vector<200x128xf32> to vector<200x1xf32>
    %div3A_977 = vector.broadcast %slice3A_976 : vector<200x1xf32> to vector<200x64xf32>
    %div3A_978 = arith.divf %slice3A_975, %div3A_977 : vector<200x64xf32>
    %convert_element_type3A_979 = arith.truncf %div3A_978 : vector<200x64xf32> to vector<200x64xbf16>
    %slice3A_980 = vector.extract_strided_slice %add3A_10 {offsets = [600, 512], sizes = [200, 64], strides = [1, 1]} : vector<800x2304xf32> to vector<200x64xf32>
    %mul3A_981 = arith.constant 1.250000e-01 : f32
    %mul3A_982 = vector.broadcast %mul3A_981 : f32 to vector<200x64xf32>
    %mul3A_983 = arith.mulf %slice3A_980, %mul3A_982 : vector<200x64xf32>
    %convert_element_type3A_984 = arith.truncf %mul3A_983 : vector<200x64xf32> to vector<200x64xbf16>
    %slice3A_985 = vector.extract_strided_slice %convert_element_type3A {offsets = [600, 512], sizes = [200, 64], strides = [1, 1]} : vector<800x768xbf16> to vector<200x64xbf16>
    %slice3A_986 = vector.extract_strided_slice %mul3A_45 {offsets = [600, 512], sizes = [200, 64], strides = [1, 1]} : vector<800x768xbf16> to vector<200x64xbf16>
    %slice3A_987 = vector.extract_strided_slice %broadcast_in_dim3A_50 {offsets = [600, 0], sizes = [200, 64], strides = [1, 1]} : vector<800x64xbf16> to vector<200x64xbf16>
    %concatenate3A_988 = tpu.concatenate %slice3A_986, %slice3A_987 in 1 : vector<200x64xbf16>, vector<200x64xbf16> -> vector<200x128xbf16>
    %dot_general3A_989 = arith.constant dense<0.000000e+00> : vector<200x200xf32>
    %dot_general3A_990 = tpu.matmul %convert_element_type3A_984, %slice3A_985, %dot_general3A_989 {dimension_numbers = #tpu.dot_dimension_numbers<[1], [1], [0], [0], [0, 0, 1, 0], [], []>, transpose_lhs_hint = false} : vector<200x64xbf16>, vector<200x64xbf16>, vector<200x200xf32> -> vector<200x200xf32>
    %exp3A_991 = math.exp %dot_general3A_990 : vector<200x200xf32>
    %convert_element_type3A_992 = arith.truncf %exp3A_991 : vector<200x200xf32> to vector<200x200xbf16>
    %dot_general3A_993 = arith.constant dense<0.000000e+00> : vector<200x128xf32>
    %dot_general3A_994 = tpu.matmul %convert_element_type3A_992, %concatenate3A_988, %dot_general3A_993 {dimension_numbers = #tpu.dot_dimension_numbers<[1], [0], [0], [1], [0, 0, 1, 1], [], []>, transpose_lhs_hint = false} : vector<200x200xbf16>, vector<200x128xbf16>, vector<200x128xf32> -> vector<200x128xf32>
    %slice3A_995 = vector.extract_strided_slice %dot_general3A_994 {offsets = [0, 0], sizes = [200, 64], strides = [1, 1]} : vector<200x128xf32> to vector<200x64xf32>
    %slice3A_996 = vector.extract_strided_slice %dot_general3A_994 {offsets = [0, 64], sizes = [200, 1], strides = [1, 1]} : vector<200x128xf32> to vector<200x1xf32>
    %div3A_997 = vector.broadcast %slice3A_996 : vector<200x1xf32> to vector<200x64xf32>
    %div3A_998 = arith.divf %slice3A_995, %div3A_997 : vector<200x64xf32>
    %convert_element_type3A_999 = arith.truncf %div3A_998 : vector<200x64xf32> to vector<200x64xbf16>
    %slice3A_1000 = vector.extract_strided_slice %add3A_10 {offsets = [600, 576], sizes = [200, 64], strides = [1, 1]} : vector<800x2304xf32> to vector<200x64xf32>
    %mul3A_1001 = arith.constant 1.250000e-01 : f32
    %mul3A_1002 = vector.broadcast %mul3A_1001 : f32 to vector<200x64xf32>
    %mul3A_1003 = arith.mulf %slice3A_1000, %mul3A_1002 : vector<200x64xf32>
    %convert_element_type3A_1004 = arith.truncf %mul3A_1003 : vector<200x64xf32> to vector<200x64xbf16>
    %slice3A_1005 = vector.extract_strided_slice %convert_element_type3A {offsets = [600, 576], sizes = [200, 64], strides = [1, 1]} : vector<800x768xbf16> to vector<200x64xbf16>
    %slice3A_1006 = vector.extract_strided_slice %mul3A_45 {offsets = [600, 576], sizes = [200, 64], strides = [1, 1]} : vector<800x768xbf16> to vector<200x64xbf16>
    %slice3A_1007 = vector.extract_strided_slice %broadcast_in_dim3A_50 {offsets = [600, 0], sizes = [200, 64], strides = [1, 1]} : vector<800x64xbf16> to vector<200x64xbf16>
    %concatenate3A_1008 = tpu.concatenate %slice3A_1006, %slice3A_1007 in 1 : vector<200x64xbf16>, vector<200x64xbf16> -> vector<200x128xbf16>
    %dot_general3A_1009 = arith.constant dense<0.000000e+00> : vector<200x200xf32>
    %dot_general3A_1010 = tpu.matmul %convert_element_type3A_1004, %slice3A_1005, %dot_general3A_1009 {dimension_numbers = #tpu.dot_dimension_numbers<[1], [1], [0], [0], [0, 0, 1, 0], [], []>, transpose_lhs_hint = false} : vector<200x64xbf16>, vector<200x64xbf16>, vector<200x200xf32> -> vector<200x200xf32>
    %exp3A_1011 = math.exp %dot_general3A_1010 : vector<200x200xf32>
    %convert_element_type3A_1012 = arith.truncf %exp3A_1011 : vector<200x200xf32> to vector<200x200xbf16>
    %dot_general3A_1013 = arith.constant dense<0.000000e+00> : vector<200x128xf32>
    %dot_general3A_1014 = tpu.matmul %convert_element_type3A_1012, %concatenate3A_1008, %dot_general3A_1013 {dimension_numbers = #tpu.dot_dimension_numbers<[1], [0], [0], [1], [0, 0, 1, 1], [], []>, transpose_lhs_hint = false} : vector<200x200xbf16>, vector<200x128xbf16>, vector<200x128xf32> -> vector<200x128xf32>
    %slice3A_1015 = vector.extract_strided_slice %dot_general3A_1014 {offsets = [0, 0], sizes = [200, 64], strides = [1, 1]} : vector<200x128xf32> to vector<200x64xf32>
    %slice3A_1016 = vector.extract_strided_slice %dot_general3A_1014 {offsets = [0, 64], sizes = [200, 1], strides = [1, 1]} : vector<200x128xf32> to vector<200x1xf32>
    %div3A_1017 = vector.broadcast %slice3A_1016 : vector<200x1xf32> to vector<200x64xf32>
    %div3A_1018 = arith.divf %slice3A_1015, %div3A_1017 : vector<200x64xf32>
    %convert_element_type3A_1019 = arith.truncf %div3A_1018 : vector<200x64xf32> to vector<200x64xbf16>
    %slice3A_1020 = vector.extract_strided_slice %add3A_10 {offsets = [600, 640], sizes = [200, 64], strides = [1, 1]} : vector<800x2304xf32> to vector<200x64xf32>
    %mul3A_1021 = arith.constant 1.250000e-01 : f32
    %mul3A_1022 = vector.broadcast %mul3A_1021 : f32 to vector<200x64xf32>
    %mul3A_1023 = arith.mulf %slice3A_1020, %mul3A_1022 : vector<200x64xf32>
    %convert_element_type3A_1024 = arith.truncf %mul3A_1023 : vector<200x64xf32> to vector<200x64xbf16>
    %slice3A_1025 = vector.extract_strided_slice %convert_element_type3A {offsets = [600, 640], sizes = [200, 64], strides = [1, 1]} : vector<800x768xbf16> to vector<200x64xbf16>
    %slice3A_1026 = vector.extract_strided_slice %mul3A_45 {offsets = [600, 640], sizes = [200, 64], strides = [1, 1]} : vector<800x768xbf16> to vector<200x64xbf16>
    %slice3A_1027 = vector.extract_strided_slice %broadcast_in_dim3A_50 {offsets = [600, 0], sizes = [200, 64], strides = [1, 1]} : vector<800x64xbf16> to vector<200x64xbf16>
    %concatenate3A_1028 = tpu.concatenate %slice3A_1026, %slice3A_1027 in 1 : vector<200x64xbf16>, vector<200x64xbf16> -> vector<200x128xbf16>
    %dot_general3A_1029 = arith.constant dense<0.000000e+00> : vector<200x200xf32>
    %dot_general3A_1030 = tpu.matmul %convert_element_type3A_1024, %slice3A_1025, %dot_general3A_1029 {dimension_numbers = #tpu.dot_dimension_numbers<[1], [1], [0], [0], [0, 0, 1, 0], [], []>, transpose_lhs_hint = false} : vector<200x64xbf16>, vector<200x64xbf16>, vector<200x200xf32> -> vector<200x200xf32>
    %exp3A_1031 = math.exp %dot_general3A_1030 : vector<200x200xf32>
    %convert_element_type3A_1032 = arith.truncf %exp3A_1031 : vector<200x200xf32> to vector<200x200xbf16>
    %dot_general3A_1033 = arith.constant dense<0.000000e+00> : vector<200x128xf32>
    %dot_general3A_1034 = tpu.matmul %convert_element_type3A_1032, %concatenate3A_1028, %dot_general3A_1033 {dimension_numbers = #tpu.dot_dimension_numbers<[1], [0], [0], [1], [0, 0, 1, 1], [], []>, transpose_lhs_hint = false} : vector<200x200xbf16>, vector<200x128xbf16>, vector<200x128xf32> -> vector<200x128xf32>
    %slice3A_1035 = vector.extract_strided_slice %dot_general3A_1034 {offsets = [0, 0], sizes = [200, 64], strides = [1, 1]} : vector<200x128xf32> to vector<200x64xf32>
    %slice3A_1036 = vector.extract_strided_slice %dot_general3A_1034 {offsets = [0, 64], sizes = [200, 1], strides = [1, 1]} : vector<200x128xf32> to vector<200x1xf32>
    %div3A_1037 = vector.broadcast %slice3A_1036 : vector<200x1xf32> to vector<200x64xf32>
    %div3A_1038 = arith.divf %slice3A_1035, %div3A_1037 : vector<200x64xf32>
    %convert_element_type3A_1039 = arith.truncf %div3A_1038 : vector<200x64xf32> to vector<200x64xbf16>
    %slice3A_1040 = vector.extract_strided_slice %add3A_10 {offsets = [600, 704], sizes = [200, 64], strides = [1, 1]} : vector<800x2304xf32> to vector<200x64xf32>
    %mul3A_1041 = arith.constant 1.250000e-01 : f32
    %mul3A_1042 = vector.broadcast %mul3A_1041 : f32 to vector<200x64xf32>
    %mul3A_1043 = arith.mulf %slice3A_1040, %mul3A_1042 : vector<200x64xf32>
    %convert_element_type3A_1044 = arith.truncf %mul3A_1043 : vector<200x64xf32> to vector<200x64xbf16>
    %slice3A_1045 = vector.extract_strided_slice %convert_element_type3A {offsets = [600, 704], sizes = [200, 64], strides = [1, 1]} : vector<800x768xbf16> to vector<200x64xbf16>
    %slice3A_1046 = vector.extract_strided_slice %mul3A_45 {offsets = [600, 704], sizes = [200, 64], strides = [1, 1]} : vector<800x768xbf16> to vector<200x64xbf16>
    %slice3A_1047 = vector.extract_strided_slice %broadcast_in_dim3A_50 {offsets = [600, 0], sizes = [200, 64], strides = [1, 1]} : vector<800x64xbf16> to vector<200x64xbf16>
    %concatenate3A_1048 = tpu.concatenate %slice3A_1046, %slice3A_1047 in 1 : vector<200x64xbf16>, vector<200x64xbf16> -> vector<200x128xbf16>
    %dot_general3A_1049 = arith.constant dense<0.000000e+00> : vector<200x200xf32>
    %dot_general3A_1050 = tpu.matmul %convert_element_type3A_1044, %slice3A_1045, %dot_general3A_1049 {dimension_numbers = #tpu.dot_dimension_numbers<[1], [1], [0], [0], [0, 0, 1, 0], [], []>, transpose_lhs_hint = false} : vector<200x64xbf16>, vector<200x64xbf16>, vector<200x200xf32> -> vector<200x200xf32>
    %exp3A_1051 = math.exp %dot_general3A_1050 : vector<200x200xf32>
    %convert_element_type3A_1052 = arith.truncf %exp3A_1051 : vector<200x200xf32> to vector<200x200xbf16>
    %dot_general3A_1053 = arith.constant dense<0.000000e+00> : vector<200x128xf32>
    %dot_general3A_1054 = tpu.matmul %convert_element_type3A_1052, %concatenate3A_1048, %dot_general3A_1053 {dimension_numbers = #tpu.dot_dimension_numbers<[1], [0], [0], [1], [0, 0, 1, 1], [], []>, transpose_lhs_hint = false} : vector<200x200xbf16>, vector<200x128xbf16>, vector<200x128xf32> -> vector<200x128xf32>
    %slice3A_1055 = vector.extract_strided_slice %dot_general3A_1054 {offsets = [0, 0], sizes = [200, 64], strides = [1, 1]} : vector<200x128xf32> to vector<200x64xf32>
    %slice3A_1056 = vector.extract_strided_slice %dot_general3A_1054 {offsets = [0, 64], sizes = [200, 1], strides = [1, 1]} : vector<200x128xf32> to vector<200x1xf32>
    %div3A_1057 = vector.broadcast %slice3A_1056 : vector<200x1xf32> to vector<200x64xf32>
    %div3A_1058 = arith.divf %slice3A_1055, %div3A_1057 : vector<200x64xf32>
    %convert_element_type3A_1059 = arith.truncf %div3A_1058 : vector<200x64xf32> to vector<200x64xbf16>
    %concatenate3A_1060 = tpu.concatenate %convert_element_type3A_839, %convert_element_type3A_859, %convert_element_type3A_879, %convert_element_type3A_899, %convert_element_type3A_919, %convert_element_type3A_939, %convert_element_type3A_959, %convert_element_type3A_979, %convert_element_type3A_999, %convert_element_type3A_1019, %convert_element_type3A_1039, %convert_element_type3A_1059 in 1 : vector<200x64xbf16>, vector<200x64xbf16>, vector<200x64xbf16>, vector<200x64xbf16>, vector<200x64xbf16>, vector<200x64xbf16>, vector<200x64xbf16>, vector<200x64xbf16>, vector<200x64xbf16>, vector<200x64xbf16>, vector<200x64xbf16>, vector<200x64xbf16> -> vector<200x768xbf16>
    %get3A_1061 = arith.constant 0 : index
    %get3A_1062 = arith.constant 0 : index
    %get3A_1063 = vector.load %arg4[%get3A_1061, %get3A_1062] : memref<768x768xbf16, #tpu.memory_space<vmem>>, vector<768x768xbf16>
    %dot_general3A_1064 = arith.constant dense<0.000000e+00> : vector<200x768xf32>
    %dot_general3A_1065 = tpu.matmul %concatenate3A_1060, %get3A_1063, %dot_general3A_1064 {dimension_numbers = #tpu.dot_dimension_numbers<[1], [0], [0], [1], [0, 0, 1, 1], [], []>, transpose_lhs_hint = false} : vector<200x768xbf16>, vector<768x768xbf16>, vector<200x768xf32> -> vector<200x768xf32>
    %get3A_1066 = arith.constant 0 : index
    %get3A_1067 = arith.constant 0 : index
    %get3A_1068 = vector.load %arg5[%get3A_1066, %get3A_1067] : memref<1x768xf32, #tpu.memory_space<vmem>>, vector<1x768xf32>
    %get3A_1069 = vector.shape_cast %get3A_1068 : vector<1x768xf32> to vector<768xf32>
    %broadcast_in_dim3A_1070 = vector.shape_cast %get3A_1069 : vector<768xf32> to vector<1x768xf32>
    %add3A_1071 = vector.broadcast %broadcast_in_dim3A_1070 : vector<1x768xf32> to vector<200x768xf32>
    %add3A_1072 = arith.addf %dot_general3A_1065, %add3A_1071 : vector<200x768xf32>
    %convert_element_type3A_1073 = arith.truncf %add3A_1072 : vector<200x768xf32> to vector<200x768xbf16>
    %slice3A_1074 = vector.extract_strided_slice %convert_element_type3A_1073 {offsets = [0, 0], sizes = [196, 768], strides = [1, 1]} : vector<200x768xbf16> to vector<196x768xbf16>
    %slice3A_1075 = vector.extract_strided_slice %convert_element_type3A {offsets = [600, 0], sizes = [196, 768], strides = [1, 1]} : vector<800x768xbf16> to vector<196x768xbf16>
    %slice3A_1076 = vector.extract_strided_slice %mul3A_45 {offsets = [600, 0], sizes = [196, 768], strides = [1, 1]} : vector<800x768xbf16> to vector<196x768xbf16>
    %concatenate3A_1077 = tpu.concatenate %slice3A_303, %slice3A_560, %slice3A_817, %slice3A_1074 in 0 : vector<196x768xbf16>, vector<196x768xbf16>, vector<196x768xbf16>, vector<196x768xbf16> -> vector<784x768xbf16>
    %swap3A = arith.constant 0 : index
    %swap3A_1078 = arith.constant 0 : index
    %swap3A_1079 = vector.load %arg6[%swap3A, %swap3A_1078] : memref<784x768xbf16, #tpu.memory_space<vmem>>, vector<784x768xbf16>
    tpu.vector_store %arg6[%swap3A, %swap3A_1078], %concatenate3A_1077 {strides = array<i32>} : memref<784x768xbf16, #tpu.memory_space<vmem>>, vector<784x768xbf16>,
    %concatenate3A_1080 = tpu.concatenate %slice3A_304, %slice3A_561, %slice3A_818, %slice3A_1075 in 0 : vector<196x768xbf16>, vector<196x768xbf16>, vector<196x768xbf16>, vector<196x768xbf16> -> vector<784x768xbf16>
    %swap3A_1081 = arith.constant 0 : index
    %swap3A_1082 = arith.constant 0 : index
    %swap3A_1083 = vector.load %arg7[%swap3A_1081, %swap3A_1082] : memref<784x768xbf16, #tpu.memory_space<vmem>>, vector<784x768xbf16>
    tpu.vector_store %arg7[%swap3A_1081, %swap3A_1082], %concatenate3A_1080 {strides = array<i32>} : memref<784x768xbf16, #tpu.memory_space<vmem>>, vector<784x768xbf16>,
    %concatenate3A_1084 = tpu.concatenate %slice3A_305, %slice3A_562, %slice3A_819, %slice3A_1076 in 0 : vector<196x768xbf16>, vector<196x768xbf16>, vector<196x768xbf16>, vector<196x768xbf16> -> vector<784x768xbf16>
    %swap3A_1085 = arith.constant 0 : index
    %swap3A_1086 = arith.constant 0 : index
    %swap3A_1087 = vector.load %arg8[%swap3A_1085, %swap3A_1086] : memref<784x768xbf16, #tpu.memory_space<vmem>>, vector<784x768xbf16>
    tpu.vector_store %arg8[%swap3A_1085, %swap3A_1086], %concatenate3A_1084 {strides = array<i32>} : memref<784x768xbf16, #tpu.memory_space<vmem>>, vector<784x768xbf16>,
    return
  }
  func.func @transform_0(%arg0: i32) -> (i32, i32) {
    %c0_i32 = arith.constant 0 : i32
    %c0_i32_0 = arith.constant 0 : i32
    return %arg0, %c0_i32 : i32, i32
  }
  func.func @transform_1(%arg0: i32) -> (i32, i32) {
    %c0_i32 = arith.constant 0 : i32
    %c0_i32_0 = arith.constant 0 : i32
    %c0_i32_1 = arith.constant 0 : i32
    return %c0_i32, %c0_i32_0 : i32, i32
  }
  func.func @transform_2(%arg0: i32) -> (i32, i32) {
    %c0_i32 = arith.constant 0 : i32
    %c0_i32_0 = arith.constant 0 : i32
    %c0_i32_1 = arith.constant 0 : i32
    return %c0_i32, %c0_i32_0 : i32, i32
  }
  func.func @transform_3(%arg0: i32) -> (i32, i32) {
    %c0_i32 = arith.constant 0 : i32
    %c0_i32_0 = arith.constant 0 : i32
    %c0_i32_1 = arith.constant 0 : i32
    return %c0_i32, %c0_i32_0 : i32, i32
  }
  func.func @transform_4(%arg0: i32) -> (i32, i32) {
    %c0_i32 = arith.constant 0 : i32
    %c0_i32_0 = arith.constant 0 : i32
    %c0_i32_1 = arith.constant 0 : i32
    return %c0_i32, %c0_i32_0 : i32, i32
  }
  func.func @transform_5(%arg0: i32) -> (i32, i32) {
    %c0_i32 = arith.constant 0 : i32
    %c0_i32_0 = arith.constant 0 : i32
    return %arg0, %c0_i32 : i32, i32
  }
  func.func @transform_6(%arg0: i32) -> (i32, i32) {
    %c0_i32 = arith.constant 0 : i32
    %c0_i32_0 = arith.constant 0 : i32
    return %arg0, %c0_i32 : i32, i32
  }
  func.func @transform_7(%arg0: i32) -> (i32, i32) {
    %c0_i32 = arith.constant 0 : i32
    %c0_i32_0 = arith.constant 0 : i32
    return %arg0, %c0_i32 : i32, i32
  }
}

</mosaic_0001>

<sc_bundles>
// kernel: sparse-core-data-format-call.1.cloned.1.call-start
scs
called_computation.1_lowered:
.L_overlay_start_0:
0x0: {  	s2 =	sld [smem:$0x3FD9]  }
0x1: {  	s3 =	sld [smem:$0x3FFE];
	_ =	sdelay $0x1  }
0x2: {  	s1 =	srdreg.scid  }
0x3: {  	s0 =	sand.u32 $0x1, s1  }
0x4: {  	s18 =	sshll.u32 s0, $0xA;
	s2 =	sadd.s32 s3, s2  }
0x5: {  	s2 =	sadd.s32 s2, s18  }
0x6: {  	[smem:$0x3FC2] =	sst s2  }
0x7: {  	_ = 	snop  }
0x8: {  	s2 =	sld [smem:$0x3FD0];
	(tm) =	ssettm $0x1  }
0x9: {  	s19 =	sld [smem:$0x3FFB];
	_ =	sdelay $0x3  }
0xa: {  	_ =	strace s19  }
0xb: {  	s3 =	sld [smem:$0x3FFC];
	_ =	sdelay $0x3  }
0xc: {  	_ =	strace s3  }
0xd: {  	s3 =	sld [smem:$0x3FFD];
	_ =	sdelay $0x3  }
0xe: {  	_ =	strace s3  }
0xf: {  	_ =	strace $0x8FFFFFFF  }
0x10: {  	s20 =	sld [smem:$0x3FDB];
	_ =	sdelay $0x1  }
0x11: {  	s4 =	simm.s32 $_scs_section_size  }
0x12: {  	s5 =	simm.s32 $_size__tile_overlayer_lowered;
	s6 =	simm.s32 $_tile_overlayer_lowered  }
0x13: {  	s23 =	simm.s32 $0x1BFF;
	s22 =	sshll.u32 s6, $0x1;
	s3 =	sadd.s32 s4, s20  }
0x14: {  	s7 =	simm.s32 $0x0;
	s21 =	sshll.u32 s5, $0x1;
	s5 =	sadd.s32 s22, s3  }
0x15: {  	[timem:s7], [sflag:s23] =	dma.local [hbm:s5], s21  }
0x16: {  	_ =	swait.ge [sflag:s23], s21  }
0x17: {  	s4 =	ssub.s32 $0x0, s21;
	[sflag:s23] =	ssyncset.done $0x0  }
0x18: {  	[sflag:s23] =	ssyncadd.s32 s4;
	_ =	sdelay $0x1  }
0x19: {  	s24 =	simm.s32 $0x1B8B  }
0x1a: {  	_ =	swait.ge [sflag:s24], $0x1  }
0x1b: {  	[sflag:s24] =	ssyncset.done $0x0  }
0x1c: {  	s26 =	simm.s32 $0x1B8E;
	s25 =	sld [smem:$0x3FFE];
	[sflag:s24] =	ssyncadd.s32 $0xFFFFFFFF  }
0x1d: {  	s27 =	simm.s32 $execute0_lowered;
	[smem:$0x3FD2] =	sst s26  }
0x1e: {  	s5 =	sshll.u32 s27, $0x1;
	_ =	strace $0x80000049;
	[dreg:$0x1] =	wrdreg $0xFFFFFFFF  }
0x1f: {  	s28 =	simm.s32 $_size_execute0_lowered;
	s3 =	sadd.s32 s3, s5;
	[dreg:$0x0] =	wrdreg $0x0  }
0x20: {  	s5 =	sshll.u32 s28, $0x1;
	[dreg:$0x2] =	wrdreg s3  }
0x21: {  	[dreg:$0x3] =	wrdreg s5  }
0x22: {  	[dreg:$0x4] =	wrdreg $0xC0  }
0x23: {  	_ =	task [dreg:s7], $0x5FFFF  }
0x24: {  	[dreg:$0x1] =	wrdreg $0xFFFFFFFF  }
0x25: {  	[dreg:$0x0] =	wrdreg $0x60  }
0x26: {  	[dreg:$0x2] =	wrdreg s25  }
0x27: {  	[dreg:$0x3] =	wrdreg s2  }
0x28: {  	[dreg:$0x4] =	wrdreg $0x9  }
0x29: {  	_ =	task.clear_ibuf [dreg:s7], $0x5FFFF;
	_ =	strace $0x90000049  }
0x2a: {  	s29 =	simm.s32 $0x9;
	_ =	strace $0x8000004B  }
0x2b: {  	_ =	swait.ge [sflag:s29], $0x1  }
0x2c: {  	[sflag:s29] =	ssyncadd.s32 $0xFFFFFFFF  }
0x2d: {  	_ =	strace $0x9000004B  }
0x2e: {  	_ =	sfence  }
0x2f: {  	s30 =	sld [smem:$0x0];
	_ =	sdelay $0x2  }
0x30: {  	s31 =	sshll.u32 s1, $0xD;
	s1 =	sshrl.u32 s1, $0x2  }
0x31: {  	s3 =	sand.u32 $0x4000, s31;
	s1 =	sadd.s32 s1, s30  }
0x32: {  	s0 =	sor.u32 s3, s0;
	s1 =	sshll.u32 s1, $0x11  }
0x33: {  	s0 =	sor.u32 s1, s0  }
0x34: {  	s0 =	sadd.s32 $0x8F2B, s0  }
0x35: {  	[sflag:s0] =	ssyncadd.remote.s32 $0x1  }
0x36: {  	_ =	sfence.sel $0xFFFF  }
0x37: {  	[dreg:$0x0] =	wrdreg $0xFFFFFFFF;
	(pc) =	sbr.abs _section_cstart, $3  }
0x38: {  	[dreg:$0x1] =	wrdreg $0xFFFFFFFF  }
0x39: {  	_ =	task.clear_ibuf [dreg:s7], $0x2FFFF;
	_ =	strace $0x9FFFFFFF  }
0x3a: {  	(tm) =	ssettm $0x7FFFFFFF  }
0x3b: {  	_ =	shalt  }
tec
execute0_lowered:
.L_overlay_start_1:
0x0: {  	(tag) =	ssettag $0x1  }
0x1: {  	s0 =	stileid.u32  }
0x2: {  	s1 =	srdreg.scid;
	s10 =	rddreg [dreg:$0x0]  }
0x3: {  	s8 =	simm.s32 $0x2;
	s2 =	sshll.u32 s0, $0x5;
	s1 =	sshll.u32 s1, $0x9  }
0x4: {  	s19 =	simm.s32 $0x0;
	s3 =	sshll.u32 s0, $0x2;
	s2 =	sor.u32 s2, s1  }
0x5: {  	s12 =	simm.s32 $0xC00;
	s1 =	sand.u32 $0x4, s3;
	s2 =	sand.u32 $0x3C0, s2  }
0x6: {  	s13 =	simm.s32 $0x0;
	s3 =	ssub.s32 $0x8, s1;
	s4 =	ssub.s32 $0xC40, s2  }
0x7: {  	s18 =	simm.s32 $0x0;
	s5 =	sshrl.u32 s3, $0x3;
	s6 =	sand.u32 $0x3C0, s4  }
0x8: {  	s3 =	sshrl.u32 s3, $0x2;
	p0 =	sne.s32 s6, $0x0;
	s6 =	simm.s32 $0x1  }
0x9: {  	s3 =	sand.u32 $0x1, s3;
	s7 =	sshrl.u32 s4, $0xA;
	s6 =	simm.s32 @!p0 $0x0  }
0xa: {  	s20 =	simm.s32 $0x0;
	s5 =	sadd.s32 s5, s3;
	s6 =	sadd.s32 s6, s7  }
0xb: {  	s14 =	simm.s32 $0x0;
	s17 =	simm.s32 $0x0;
	s7 =	smul.u32 s6, s5  }
.Ltmp0:
0xc: {  	s9 =	sadd.s32 $0x4BA00, s10;
	s4 =	rddreg [dreg:$0x1];
	(pc) =	sbr.rel .LBB1_1-.Ltmp0, $4  }
0xd: {  	s3 =	rddreg [dreg:$0x2];
	_ =	strace $0x8000004A;
	s6 =	simm.s32 $0x1  }
0xe: {  	s16 =	smov.u32 s1;
	[sflag:s6] =	ssyncpa.u1 $0x0;
	s7 =	smul.u32 $0x6, s7  }
0xf: {  	s15 =	smov.u32 s2;
	s5 =	sadd.s32 $0x2200, s10;
	[sflag:s8] =	ssyncpa.u1 $0x0  }
0x10: {  	s8 =	sadd.s32 $0x26E00, s10;
	s10 =	sadd.s32 $0x70600, s10;
	s11 =	sor.u32 $0x1, s7  }
.LBB1_7:
0x11: {  	s21 =	sadd.s32 $0x80, s14  }
0x12: {  	s18 =	sadd.s32 $0x400, s15;
	s22 =	smov.u32 s15;
	p1 =	sgt.s32 s21, $0x2FF  }
0x13: {  	s22 =	smov.u32 @p1 s18  }
0x14: {  	s24 =	smov.u32 s16;
	s18 =	sadd.s32 $0x8, s16;
	p2 =	sgt.s32 s22, $0xC3F  }
0x15: {  	s24 =	smov.u32 @p2 s18  }
0x16: {  	s21 =	simm.s32 @p1 $0x0;
	p1 =	sgt.s32 s24, $0x7  }
0x17: {  	p0 =	slt.u32 s17, $0x2;
	s24 =	smov.u32 @p1 s1;
	p1 =	sne.s32 s17, s11  }
.Ltmp1:
0x18: {  	s23 =	simm.s32 @!p0 $0x2;
	(pc) =	sbr.rel @!p1 .LBB1_8-.Ltmp1, $4  }
0x19: {  	s19 =	smov.u32 s14;
	s20 =	smov.u32 s16;
	_ =	swait.ge @!p0 [sflag:s23], $0x4000  }
0x1a: {  	s13 =	sadd.s32 $0x8000, s13;
	[sflag:s23] =	ssyncset.done @!p0 $0x0;
	s14 =	smov.u32 s21  }
0x1b: {  	s22 =	smov.u32 @p2 s2;
	s18 =	smov.u32 s15;
	[sflag:s23] =	ssyncadd.s32 @!p0 $0xFFFFC000  }
0x1c: {  	s15 =	smov.u32 s22;
	s17 =	sadd.s32 $0x1, s17;
	s16 =	smov.u32 s24  }
.LBB1_1:
0x1d: {  	p0 =	sge.u32 s17, s7  }
0x1e: {  	s21 =	sshrl.u32 @!p0 s15, $0x3  }
0x1f: {  	s22 =	sshll.u32 @!p0 s14, $0x3;
	s21 =	smul.u32 @!p0 $0x1800, s21  }
0x20: {  	s23 =	sshll.u32 @!p0 s15, $0x7;
	s22 =	sand.u32 @!p0 $0xFFFFFC00, s22  }
0x21: {  	s21 =	sadd.s32 @!p0 s21, s22;
	s22 =	sand.u32 @!p0 $0x300, s23  }
0x22: {  	s21 =	sor.u32 @!p0 s22, s21  }
0x23: {  	s22 =	sshll.u32 @!p0 s14, $0x1;
	s23 =	smulhi.u32 @!p0 $0xAAAAAAAB, s21  }
0x24: {  	s24 =	sand.u32 @!p0 $0x1, s15;
	s22 =	sand.u32 @!p0 $0xFE, s22  }
0x25: {  	s22 =	sor.u32 @!p0 s24, s22;
	s23 =	sshrl.u32 @!p0 s23, $0x9  }
0x26: {  	s21 =	sor.u32 @!p0 s21, s22;
	s22 =	smulhi.u32 @!p0 $0x539783, s23  }
0x27: {  	s24 =	smulhi.u32 @!p0 $0xAAAAAAAB, s21  }
0x28: {  	s22 =	sshrl.u32 @!p0 s22, $0x2  }
0x29: {  	s24 =	sshrl.u32 @!p0 s24, $0x9;
	s22 =	smul.u32 @!p0 $0xC40, s22  }
0x2a: {  	s24 =	smul.u32 @!p0 $0x300, s24  }
0x2b: {  	s25 =	sxor.u32 @!p0 $0xFFFFFFFF, s17;
	s22 =	ssub.s32 @!p0 s23, s22;
	s23 =	smul.u32 @!p0 $0x24C00, s16  }
0x2c: {  	s27 =	simm.s32 @!p0 $0xC00;
	s21 =	ssub.s32 @!p0 s21, s24;
	s22 =	smul.u32 @!p0 $0x30, s22  }
0x2d: {  	s26 =	sshrl.u32 @!p0 s21, $0x4;
	s21 =	sshll.u32 @!p0 s21, $0x11;
	s24 =	sadd.s32 @!p0 s5, s23  }
0x2e: {  	s25 =	sshll.u32 @!p0 s25, $0xE;
	s21 =	sand.u32 @!p0 $0x1C0000, s21;
	s24 =	sadd.s32 @!p0 s22, s24  }
0x2f: {  	s25 =	sand.u32 @!p0 $0x4000, s25;
	s21 =	sor.u32 @!p0 $0x200, s21;
	s24 =	sadd.s32 @!p0 s26, s24  }
0x30: {  	[tilespmem:s25], [sflag:$0x1] =	stream.strided.gather @!p0 [hbm4b:s24+s21], $0x1000, s27, s21, $0x38;
	[tilespmem:$0x10000] =	vst v63  }
0x31: {  	s24 =	sadd.s32 @!p0 s23, s8  }
0x32: {  	s24 =	sadd.s32 @!p0 s22, s24  }
0x33: {  	s28 =	sor.u32 @!p0 $0x1000, s25;
	s24 =	sadd.s32 @!p0 s26, s24  }
0x34: {  	[tilespmem:s28], [sflag:$0x1] =	stream.strided.gather @!p0 [hbm4b:s24+s21], $0x1000, s27, s21, $0x38;
	[tilespmem:$0x10000] =	vst v63  }
0x35: {  	s24 =	sadd.s32 @!p0 s23, s9  }
0x36: {  	s23 =	sadd.s32 @!p0 s23, s10;
	s24 =	sadd.s32 @!p0 s22, s24  }
0x37: {  	s28 =	sor.u32 @!p0 $0x2000, s25;
	s22 =	sadd.s32 @!p0 s22, s23;
	s24 =	sadd.s32 @!p0 s26, s24  }
0x38: {  	[tilespmem:s28], [sflag:$0x1] =	stream.strided.gather @!p0 [hbm4b:s24+s21], $0x1000, s27, s21, $0x38;
	[tilespmem:$0x10000] =	vst v63  }
0x39: {  	s31 =	sadd.s32 $0xFFFFFFFF, s17;
	s23 =	sor.u32 @!p0 $0x3000, s25;
	s22 =	sadd.s32 @!p0 s26, s22  }
0x3a: {  	[tilespmem:s23], [sflag:$0x1] =	stream.strided.gather @!p0 [hbm4b:s22+s21], $0x1000, s27, s21, $0x38;
	[tilespmem:$0x10000] =	vst v63  }
0x3b: {  	p0 =	sge.u32 s31, s7  }
.Ltmp2:
0x3c: {  	_ = 	snop;
	(pc) =	sbr.rel @p0 .LBB1_7-.Ltmp2, $1  }
0x3d: {  	_ =	sdelay $0x3  }
0x3e: {  	s21 =	sshll.u32 s13, $0x1  }
0x3f: {  	_ =	swait.ge [sflag:s6], $0x4000;
	s22 =	sshll.u32 s17, $0xE;
	s24 =	simm.s32 $0x0  }
0x40: {  	p1 =	por $0x1, $0x1;
	s21 =	sand.u32 $0x10000, s21;
	[sflag:s6] =	ssyncset.done $0x0  }
0x41: {  	s22 =	sand.u32 $0x4000, s22;
	s23 =	sshrl.u32 s21, $0x2;
	[sflag:s6] =	ssyncadd.s32 $0xFFFFC000  }
0x42: {  	s21 =	sor.u32 $0x8000, s22;
	s22 =	sadd.s32 $0x1000, s23;
	s23 =	sadd.s32 $0x8100, s23  }
.LBB1_3:
0x43: {  	s25 =	sshll.u32 s24, $0xC  }
0x44: {  	s25 =	sand.u32 $0x3FFFF000, s25  }
0x45: {  	s25 =	sadd.s32 s25, s22  }
0x46: {  	v0 =	vld [tilespmem:s25+$0xFFFFF070]  }
0x47: {  	v1 =	vld [tilespmem:s25+$0x70]  }
0x48: {  	v2 =	vld [tilespmem:s25+$0x0]  }
0x49: {  	v3 =	vld [tilespmem:s25+$0xFFFFF010]  }
0x4a: {  	v4 =	vld [tilespmem:s25+$0x10]  }
0x4b: {  	v5 =	vld [tilespmem:s25+$0xFFFFF020]  }
0x4c: {  	v7 =	vld [tilespmem:s25+$0x20]  }
0x4d: {  	s31 =	sshll.u32 s24, $0x6;
	v12 =	vld [tilespmem:s25+$0xFFFFF040];
	v6 =	vunpack.i.l.s16.s32 v0;
	v8 =	vunpack.i.u.s16.s32 v0;
	v9 =	vunpack.i.u.s16.s32 v1  }
0x4e: {  	s24 =	sand.u32 $0x3FFFFFC0, s31;
	v10 =	vunpack.i.l.s16.s32 v1;
	v0 =	vunpack.i.u.s16.s32 v2;
	v1 =	vunpack.i.l.s16.s32 v2;
	v2 =	vld [tilespmem:s25+$0xFFFFF030]  }
0x4f: {  	s24 =	sadd.s32 s24, s23;
	v11 =	vld [tilespmem:s25+$0x30];
	v8 =	vpack.i.b32.b16 v9, v8;
	v9 =	vunpack.i.u.s16.s32 v3;
	v3 =	vunpack.i.l.s16.s32 v3  }
0x50: {  	v6 =	vpack.i.b32.b16 v10, v6;
	[tilespmem:s24+$0x70] =	vst v8;
	v8 =	vunpack.i.u.s16.s32 v4;
	v4 =	vunpack.i.l.s16.s32 v4  }
0x51: {  	v13 =	vld [tilespmem:s25+$0x40];
	v10 =	vunpack.i.u.s16.s32 v5;
	v5 =	vunpack.i.l.s16.s32 v5;
	[tilespmem:s24+$0xFFFFFF70] =	vst v6;
	v3 =	vpack.i.b32.b16 v4, v3  }
0x52: {  	v6 =	vunpack.i.u.s16.s32 v7;
	v7 =	vunpack.i.l.s16.s32 v7;
	v4 =	vld [tilespmem:s25+$0xFFFFF050];
	[tilespmem:s24+$0xFFFFFF10] =	vst v3;
	v3 =	vpack.i.b32.b16 v8, v9  }
0x53: {  	v8 =	vunpack.i.l.s16.s32 v12;
	[tilespmem:s24+$0x10] =	vst v3;
	v3 =	vpack.i.b32.b16 v7, v5;
	v9 =	vunpack.i.u.s16.s32 v2;
	v5 =	vld [tilespmem:s25+$0x50]  }
0x54: {  	v7 =	vunpack.i.l.s16.s32 v2;
	v2 =	vld [tilespmem:s25+$0xFFFFF060];
	[tilespmem:s24+$0xFFFFFF20] =	vst v3;
	v3 =	vpack.i.b32.b16 v6, v10;
	v6 =	vunpack.i.l.s16.s32 v11  }
0x55: {  	p0 =	por p1, p1;
	v10 =	vunpack.i.u.s16.s32 v11;
	[tilespmem:s24+$0x20] =	vst v3;
	v11 =	vpack.i.b32.b16 v6, v7;
	v7 =	vunpack.i.u.s16.s32 v12;
	v3 =	vld [tilespmem:s25+$0x60]  }
0x56: {  	s26 =	simm.s32 $0x0;
	s27 =	sadd.s32 $0x80, s25;
	v6 =	vld [tilespmem:s25+$0xFFFFF000];
	v10 =	vpack.i.b32.b16 v10, v9;
	v9 =	vunpack.i.u.s16.s32 v13;
	s25 =	smov.u32 s24;
	[tilespmem:s24+$0xFFFFFF30] =	vst v11;
	v11 =	vunpack.i.l.s16.s32 v13  }
.LBB1_4:
0x57: {  	v12 =	vld [tilespmem:s27+$0xFFFFF070];
	[tilespmem:s24+$0x30] =	vst v10;
	v8 =	vpack.i.b32.b16 v11, v8;
	v10 =	vunpack.i.u.s16.s32 v4;
	v4 =	vunpack.i.l.s16.s32 v4  }
0x58: {  	s26 =	sadd.s32 $0x2, s26;
	v7 =	vpack.i.b32.b16 v9, v7;
	v11 =	vld [tilespmem:s27+$0x70];
	[tilespmem:s24+$0xFFFFFF40] =	vst v8;
	v8 =	vunpack.i.u.s16.s32 v5;
	v5 =	vunpack.i.l.s16.s32 v5  }
0x59: {  	p1 =	slt.u32 s26, $0x3E;
	v9 =	vld [tilespmem:s27+$0x0];
	[tilespmem:s24+$0x40] =	vst v7;
	v4 =	vpack.i.b32.b16 v5, v4;
	v5 =	vunpack.i.u.s16.s32 v2;
	v2 =	vunpack.i.l.s16.s32 v2  }
0x5a: {  	v7 =	vld [tilespmem:s27+$0xFFFFF010];
	[tilespmem:s24+$0xFFFFFF50] =	vst v4;
	v4 =	vpack.i.b32.b16 v8, v10;
	v8 =	vunpack.i.u.s16.s32 v3;
	v3 =	vunpack.i.l.s16.s32 v3  }
0x5b: {  	v10 =	vld [tilespmem:s27+$0x10];
	v13 =	vunpack.i.u.s16.s32 v6;
	v6 =	vunpack.i.l.s16.s32 v6;
	[tilespmem:s24+$0x50] =	vst v4;
	v2 =	vpack.i.b32.b16 v3, v2  }
0x5c: {  	v3 =	vld [tilespmem:s27+$0xFFFFF020];
	v4 =	vunpack.i.l.s16.s32 v12;
	v1 =	vpack.i.b32.b16 v1, v6;
	v6 =	vpack.i.b32.b16 v0, v13;
	[tilespmem:s24+$0xFFFFFF60] =	vst v2  }
0x5d: {  	v12 =	vunpack.i.u.s16.s32 v12;
	v2 =	vld [tilespmem:s27+$0x20];
	v13 =	vunpack.i.u.s16.s32 v11;
	v11 =	vunpack.i.l.s16.s32 v11;
	[tilespmem:s24+$0xFFFFFF00] =	vst v1  }
0x5e: {  	s24 =	sadd.s32 $0x200, s24;
	v0 =	vunpack.i.u.s16.s32 v9;
	v1 =	vunpack.i.l.s16.s32 v9;
	v9 =	vld [tilespmem:s27+$0xFFFFF030];
	v12 =	vpack.i.b32.b16 v13, v12;
	[tilespmem:s25+$0x0] =	vst v6  }
0x5f: {  	v5 =	vpack.i.b32.b16 v8, v5;
	v6 =	vunpack.i.u.s16.s32 v7;
	v7 =	vunpack.i.l.s16.s32 v7;
	v13 =	vld [tilespmem:s27+$0x30];
	[tilespmem:s24+$0x70] =	vst v12  }
0x60: {  	v4 =	vpack.i.b32.b16 v11, v4;
	v8 =	vunpack.i.u.s16.s32 v10;
	v10 =	vunpack.i.l.s16.s32 v10;
	v12 =	vld [tilespmem:s27+$0xFFFFF040];
	[tilespmem:s25+$0x60] =	vst v5;
	s25 =	smov.u32 s24  }
0x61: {  	v5 =	vpack.i.b32.b16 v10, v7;
	v7 =	vunpack.i.u.s16.s32 v3;
	v3 =	vunpack.i.l.s16.s32 v3;
	v11 =	vld [tilespmem:s27+$0x40];
	[tilespmem:s24+$0xFFFFFF70] =	vst v4  }
.Ltmp3:
0x62: {  	[tilespmem:s24+$0xFFFFFF10] =	vst v5;
	v5 =	vpack.i.b32.b16 v8, v6;
	v6 =	vunpack.i.u.s16.s32 v2;
	v2 =	vunpack.i.l.s16.s32 v2;
	v4 =	vld [tilespmem:s27+$0xFFFFF050];
	(pc) =	sbr.rel @p1 .LBB1_4-.Ltmp3, $4  }
0x63: {  	[tilespmem:s24+$0x10] =	vst v5;
	v2 =	vpack.i.b32.b16 v2, v3;
	v10 =	vunpack.i.u.s16.s32 v9;
	v3 =	vunpack.i.l.s16.s32 v9;
	v5 =	vld [tilespmem:s27+$0x50]  }
0x64: {  	v6 =	vpack.i.b32.b16 v6, v7;
	[tilespmem:s24+$0xFFFFFF20] =	vst v2;
	v9 =	vunpack.i.u.s16.s32 v13;
	v7 =	vunpack.i.l.s16.s32 v13;
	v2 =	vld [tilespmem:s27+$0xFFFFF060]  }
0x65: {  	[tilespmem:s24+$0x20] =	vst v6;
	v13 =	vpack.i.b32.b16 v7, v3;
	v7 =	vunpack.i.u.s16.s32 v12;
	v8 =	vunpack.i.l.s16.s32 v12;
	v3 =	vld [tilespmem:s27+$0x60]  }
0x66: {  	v10 =	vpack.i.b32.b16 v9, v10;
	v6 =	vld [tilespmem:s27+$0xFFFFF000];
	[tilespmem:s24+$0xFFFFFF30] =	vst v13;
	v9 =	vunpack.i.u.s16.s32 v11;
	v11 =	vunpack.i.l.s16.s32 v11;
	s27 =	sadd.s32 $0x80, s27  }
0x67: {  	[tilespmem:s24+$0x30] =	vst v10;
	v8 =	vpack.i.b32.b16 v11, v8  }
0x68: {  	v51 =	vunpack.i.l.s16.s32 v4;
	v7 =	vpack.i.b32.b16 v9, v7;
	[tilespmem:s24+$0xFFFFFF40] =	vst v8;
	v52 =	vunpack.i.l.s16.s32 v5  }
0x69: {  	v53 =	vunpack.i.u.s16.s32 v4;
	v54 =	vunpack.i.u.s16.s32 v5;
	[tilespmem:s24+$0x40] =	vst v7;
	v55 =	vpack.i.b32.b16 v52, v51  }
0x6a: {  	v56 =	vunpack.i.l.s16.s32 v2;
	v4 =	vpack.i.b32.b16 v54, v53;
	[tilespmem:s24+$0xFFFFFF50] =	vst v55;
	v57 =	vunpack.i.l.s16.s32 v3  }
.Ltmp4:
0x6b: {  	[tilespmem:s24+$0x50] =	vst v4;
	v58 =	vunpack.i.l.s16.s32 v6;
	v59 =	vpack.i.b32.b16 v57, v56;
	(pc) =	sbr.rel @p0 .LBB1_3-.Ltmp4, $4  }
0x6c: {  	v61 =	vunpack.i.u.s16.s32 v2;
	v62 =	vunpack.i.u.s16.s32 v3;
	v1 =	vpack.i.b32.b16 v1, v58;
	[tilespmem:s24+$0xFFFFFF60] =	vst v59  }
0x6d: {  	v60 =	vunpack.i.u.s16.s32 v6;
	v63 =	vpack.i.b32.b16 v62, v61;
	[tilespmem:s24+$0xFFFFFF00] =	vst v1  }
0x6e: {  	v0 =	vpack.i.b32.b16 v0, v60;
	[tilespmem:s25+$0x60] =	vst v63  }
0x6f: {  	p1 =	por $0x0, $0x0;
	s24 =	simm.s32 $0x2;
	[tilespmem:s25+$0x0] =	vst v0  }
0x70: {  	s22 =	sshrl.u32 s20, $0x3  }
0x71: {  	s23 =	sand.u32 $0x1, s20;
	s24 =	sshll.u32 s19, $0x3;
	s22 =	smul.u32 $0x1800, s22  }
0x72: {  	s27 =	sshll.u32 s20, $0x7;
	s28 =	sshll.u32 s19, $0x1;
	s24 =	sand.u32 $0xFFFFFC00, s24  }
0x73: {  	s20 =	sand.u32 $0x300, s27;
	s19 =	sand.u32 $0xFE, s28;
	s22 =	sadd.s32 s22, s24  }
0x74: {  	s19 =	sor.u32 s23, s19;
	s20 =	sor.u32 s20, s22  }
0x75: {  	s19 =	sor.u32 s20, s19;
	s20 =	smulhi.u32 $0xAAAAAAAB, s20  }
0x76: {  	s29 =	smulhi.u32 $0xAAAAAAAB, s19;
	_ =	sdelay $0x1  }
0x77: {  	s18 =	smul.u32 $0x180, s18;
	s20 =	sshrl.u32 s20, $0x9;
	s22 =	sshrl.u32 s29, $0x9  }
0x78: {  	s20 =	sand.u32 $0x7, s20;
	s22 =	smul.u32 $0x300, s22  }
0x79: {  	s20 =	smul.u32 $0x30, s20  }
.Ltmp5:
0x7a: {  	s19 =	ssub.s32 s19, s22;
	(pc) =	sbr.rel .LBB1_7-.Ltmp5, $4  }
0x7b: {  	s18 =	sadd.s32 s4, s18;
	s22 =	sshll.u32 s19, $0x11  }
0x7c: {  	s18 =	sadd.s32 s20, s18;
	s19 =	sshrl.u32 s19, $0x4;
	s30 =	sand.u32 $0x1C0000, s22  }
0x7d: {  	s18 =	sadd.s32 s19, s18;
	s31 =	sor.u32 $0x100, s30  }
0x7e: {  	[hbm4b:s18+s31] =	stream.strided.scatter [tilespmem:s21], [sflag:$0x2], $0x4000, s12, s31, $0x38;
	[tilespmem:$0x10000] =	vst v63  }
.LBB1_8:
0x7f: {  	_ =	sfence.sel $0x180000  }
0x80: {  	s1 =	simm.s32 $0x1;
	[bflag:$0x0] =	sbarrier.arrive $0xFFFF  }
0x81: {  	s31 =	simm.s32 $0x2;
	[sflag:s1] =	ssyncpa.u1 $0x1  }
0x82: {  	[sflag:s31] =	ssyncpa.u1 $0x1  }
0x83: {  	p0 =	sne.s32 s0, $0x0;
	_ =	strace $0x9000004A  }
0x84: {  	s0 =	sadd.s32 @!p0 $0x100000, s3;
	[bflag:$0x2] =	sbarrier.arrive $0xFFFF  }
0x85: {  	[sflag:s0] =	ssyncadd.tile.s32 @!p0 $0x1;
	_ =	shalt  }
.Lfunc_end1:
_tile_overlayer_lowered:
.L_overlay_start_2:
0x86: {  	(tag) =	ssettag $0x2  }
0x87: {  	s0 =	rddreg [dreg:$0x0];
	s2 =	stileid.u32  }
0x88: {  	s1 =	rddreg [dreg:$0x1];
	p0 =	sne.s32 s2, $0x0  }
0x89: {  	s3 =	rddreg [dreg:$0x2];
	[bflag:$0x3] =	sbarrier.arrive $0xFFFF;
	s2 =	simm.s32 @!p0 $0x1C01  }
0x8a: {  	[timem:s3], [sflag:s2] =	dma.local @!p0 [hbm:s0], s1  }
0x8b: {  	s0 =	simm.s32 @!p0 $0x1  }
0x8c: {  	_ =	swait.ge @!p0 [sflag:s0], s1  }
0x8d: {  	s1 =	ssub.s32 @!p0 $0x0, s1;
	[sflag:s0] =	ssyncset.done @!p0 $0x0  }
0x8e: {  	[sflag:s0] =	ssyncadd.s32 @!p0 s1  }
0x8f: {  	[bflag:$0x3] =	sbarrier.arrive $0xFFFF  }
0x90: {  	_ =	shalt  }

// kernel: sparse-core-data-format-call.2.cloned.1.call-start
scs
called_computation.2_lowered:
.L_overlay_start_0:
0x0: {  	s2 =	sld [smem:$0x3FD9]  }
0x1: {  	s3 =	sld [smem:$0x3FFE];
	_ =	sdelay $0x1  }
0x2: {  	s1 =	srdreg.scid  }
0x3: {  	s0 =	sand.u32 $0x1, s1  }
0x4: {  	s18 =	sshll.u32 s0, $0xA;
	s2 =	sadd.s32 s3, s2  }
0x5: {  	s2 =	sadd.s32 s2, s18  }
0x6: {  	[smem:$0x3FC2] =	sst s2  }
0x7: {  	_ = 	snop  }
0x8: {  	s2 =	sld [smem:$0x3FD0];
	(tm) =	ssettm $0x1  }
0x9: {  	s19 =	sld [smem:$0x3FFB];
	_ =	sdelay $0x3  }
0xa: {  	_ =	strace s19  }
0xb: {  	s3 =	sld [smem:$0x3FFC];
	_ =	sdelay $0x3  }
0xc: {  	_ =	strace s3  }
0xd: {  	s3 =	sld [smem:$0x3FFD];
	_ =	sdelay $0x3  }
0xe: {  	_ =	strace s3  }
0xf: {  	_ =	strace $0x8FFFFFFF  }
0x10: {  	s20 =	sld [smem:$0x3FDB];
	_ =	sdelay $0x1  }
0x11: {  	s4 =	simm.s32 $_scs_section_size  }
0x12: {  	s5 =	simm.s32 $_size__tile_overlayer_lowered;
	s6 =	simm.s32 $_tile_overlayer_lowered  }
0x13: {  	s23 =	simm.s32 $0x1BFF;
	s22 =	sshll.u32 s6, $0x1;
	s3 =	sadd.s32 s4, s20  }
0x14: {  	s7 =	simm.s32 $0x0;
	s21 =	sshll.u32 s5, $0x1;
	s5 =	sadd.s32 s22, s3  }
0x15: {  	[timem:s7], [sflag:s23] =	dma.local [hbm:s5], s21  }
0x16: {  	_ =	swait.ge [sflag:s23], s21  }
0x17: {  	s4 =	ssub.s32 $0x0, s21;
	[sflag:s23] =	ssyncset.done $0x0  }
0x18: {  	[sflag:s23] =	ssyncadd.s32 s4;
	_ =	sdelay $0x1  }
0x19: {  	s24 =	simm.s32 $0x1B8B  }
0x1a: {  	_ =	swait.ge [sflag:s24], $0x1  }
0x1b: {  	[sflag:s24] =	ssyncset.done $0x0  }
0x1c: {  	s26 =	simm.s32 $0x1B8E;
	s25 =	sld [smem:$0x3FFE];
	[sflag:s24] =	ssyncadd.s32 $0xFFFFFFFF  }
0x1d: {  	s27 =	simm.s32 $execute0_lowered;
	[smem:$0x3FD2] =	sst s26  }
0x1e: {  	s5 =	sshll.u32 s27, $0x1;
	_ =	strace $0x80000046;
	[dreg:$0x1] =	wrdreg $0xFFFFFFFF  }
0x1f: {  	s28 =	simm.s32 $_size_execute0_lowered;
	s3 =	sadd.s32 s3, s5;
	[dreg:$0x0] =	wrdreg $0x0  }
0x20: {  	s5 =	sshll.u32 s28, $0x1;
	[dreg:$0x2] =	wrdreg s3  }
0x21: {  	[dreg:$0x3] =	wrdreg s5  }
0x22: {  	[dreg:$0x4] =	wrdreg $0xC0  }
0x23: {  	_ =	task [dreg:s7], $0x5FFFF  }
0x24: {  	[dreg:$0x1] =	wrdreg $0xFFFFFFFF  }
0x25: {  	[dreg:$0x0] =	wrdreg $0x60  }
0x26: {  	[dreg:$0x2] =	wrdreg s2  }
0x27: {  	[dreg:$0x3] =	wrdreg s25  }
0x28: {  	[dreg:$0x4] =	wrdreg $0x9  }
0x29: {  	_ =	task.clear_ibuf [dreg:s7], $0x5FFFF;
	_ =	strace $0x90000046  }
0x2a: {  	s29 =	simm.s32 $0x9;
	_ =	strace $0x80000048  }
0x2b: {  	_ =	swait.ge [sflag:s29], $0x1  }
0x2c: {  	[sflag:s29] =	ssyncadd.s32 $0xFFFFFFFF  }
0x2d: {  	_ =	strace $0x90000048  }
0x2e: {  	_ =	sfence  }
0x2f: {  	s30 =	sld [smem:$0x0];
	_ =	sdelay $0x2  }
0x30: {  	s31 =	sshll.u32 s1, $0xD;
	s1 =	sshrl.u32 s1, $0x2  }
0x31: {  	s3 =	sand.u32 $0x4000, s31;
	s1 =	sadd.s32 s1, s30  }
0x32: {  	s0 =	sor.u32 s3, s0;
	s1 =	sshll.u32 s1, $0x11  }
0x33: {  	s0 =	sor.u32 s1, s0  }
0x34: {  	s0 =	sadd.s32 $0x8F2B, s0  }
0x35: {  	[sflag:s0] =	ssyncadd.remote.s32 $0x1  }
0x36: {  	_ =	sfence.sel $0xFFFF  }
0x37: {  	[dreg:$0x0] =	wrdreg $0xFFFFFFFF;
	(pc) =	sbr.abs _section_cstart, $3  }
0x38: {  	[dreg:$0x1] =	wrdreg $0xFFFFFFFF  }
0x39: {  	_ =	task.clear_ibuf [dreg:s7], $0x2FFFF;
	_ =	strace $0x9FFFFFFF  }
0x3a: {  	(tm) =	ssettm $0x7FFFFFFF  }
0x3b: {  	_ =	shalt  }
tec
execute0_lowered:
.L_overlay_start_1:
0x0: {  	(tag) =	ssettag $0x1  }
0x1: {  	s0 =	stileid.u32;
	s2 =	srdreg.scid  }
0x2: {  	s10 =	rddreg [dreg:$0x1];
	s8 =	simm.s32 $0x2;
	s18 =	simm.s32 $0x0  }
0x3: {  	s12 =	simm.s32 $0xC00;
	s1 =	sshll.u32 s0, $0x6;
	s3 =	sshll.u32 s2, $0x2  }
0x4: {  	s17 =	simm.s32 $0x0;
	s3 =	sand.u32 $0x4, s3;
	s4 =	ssub.s32 $0xC40, s1  }
0x5: {  	s5 =	sshrl.u32 s4, $0xA;
	s4 =	sand.u32 $0x3C0, s4;
	s6 =	ssub.s32 $0x8, s3  }
0x6: {  	p0 =	sne.s32 s4, $0x0;
	s4 =	simm.s32 $0x1;
	s7 =	sshrl.u32 s6, $0x2  }
0x7: {  	s6 =	sshrl.u32 s6, $0x3;
	s4 =	simm.s32 @!p0 $0x0;
	s7 =	sand.u32 $0x1, s7  }
0x8: {  	s19 =	simm.s32 $0x0;
	s5 =	sadd.s32 s4, s5;
	s6 =	sadd.s32 s6, s7  }
0x9: {  	s13 =	simm.s32 $0x0;
	s16 =	simm.s32 $0x0;
	s6 =	smul.u32 s6, s5  }
.Ltmp0:
0xa: {  	s2 =	rddreg [dreg:$0x0];
	s9 =	sadd.s32 $0x4BA00, s10;
	(pc) =	sbr.rel .LBB1_1-.Ltmp0, $4  }
0xb: {  	s4 =	rddreg [dreg:$0x2];
	_ =	strace $0x80000047;
	s5 =	simm.s32 $0x1  }
0xc: {  	s15 =	smov.u32 s1;
	[sflag:s5] =	ssyncpa.u1 $0x0;
	s6 =	smul.u32 $0x6, s6  }
0xd: {  	s14 =	smov.u32 s3;
	s7 =	sadd.s32 $0x2200, s10;
	[sflag:s8] =	ssyncpa.u1 $0x0  }
0xe: {  	s8 =	sadd.s32 $0x26E00, s10;
	s10 =	sadd.s32 $0x70600, s10;
	s11 =	sor.u32 $0x1, s6  }
.LBB1_7:
0xf: {  	s20 =	sadd.s32 $0x80, s13  }
0x10: {  	s17 =	sadd.s32 $0x8, s14;
	s21 =	smov.u32 s14;
	p1 =	sgt.s32 s20, $0x2FF  }
0x11: {  	s21 =	smov.u32 @p1 s17  }
0x12: {  	s23 =	smov.u32 s15;
	s17 =	sadd.s32 $0x400, s15;
	p2 =	sgt.s32 s21, $0x7  }
0x13: {  	s23 =	smov.u32 @p2 s17  }
0x14: {  	s20 =	simm.s32 @p1 $0x0;
	p1 =	sgt.s32 s23, $0xC3F  }
0x15: {  	p0 =	slt.u32 s16, $0x2;
	s23 =	smov.u32 @p1 s1;
	p1 =	sne.s32 s16, s11  }
.Ltmp1:
0x16: {  	s22 =	simm.s32 @!p0 $0x2;
	(pc) =	sbr.rel @!p1 .LBB1_8-.Ltmp1, $4  }
0x17: {  	s18 =	smov.u32 s13;
	_ =	swait.ge @!p0 [sflag:s22], $0x4000  }
0x18: {  	s19 =	smov.u32 s15;
	[sflag:s22] =	ssyncset.done @!p0 $0x0;
	s13 =	smov.u32 s20  }
0x19: {  	s21 =	smov.u32 @p2 s3;
	s17 =	smov.u32 s14;
	[sflag:s22] =	ssyncadd.s32 @!p0 $0xFFFFC000  }
0x1a: {  	s14 =	smov.u32 s21;
	s16 =	sadd.s32 $0x1, s16;
	s15 =	smov.u32 s23  }
.LBB1_1:
0x1b: {  	p0 =	sge.u32 s16, s6  }
0x1c: {  	s20 =	sshrl.u32 @!p0 s14, $0x3  }
0x1d: {  	s21 =	sand.u32 @!p0 $0x1, s14;
	s22 =	sshll.u32 @!p0 s13, $0x3;
	s20 =	smul.u32 @!p0 $0x1800, s20  }
0x1e: {  	s23 =	sshll.u32 @!p0 s14, $0x7;
	s24 =	sshll.u32 @!p0 s13, $0x1;
	s22 =	sand.u32 @!p0 $0xFFFFFC00, s22  }
0x1f: {  	s20 =	sadd.s32 @!p0 s20, s22;
	s22 =	sand.u32 @!p0 $0x300, s23;
	s23 =	sand.u32 @!p0 $0xFE, s24  }
0x20: {  	s20 =	sor.u32 @!p0 s22, s20;
	s21 =	sor.u32 @!p0 s21, s23  }
0x21: {  	s21 =	sor.u32 @!p0 s20, s21;
	s20 =	smulhi.u32 @!p0 $0xAAAAAAAB, s20  }
0x22: {  	s22 =	smulhi.u32 @!p0 $0xAAAAAAAB, s21;
	_ =	sdelay $0x1  }
0x23: {  	s23 =	smul.u32 @!p0 $0x180, s15;
	s20 =	sshrl.u32 @!p0 s20, $0x9;
	s22 =	sshrl.u32 @!p0 s22, $0x9  }
0x24: {  	s20 =	sand.u32 @!p0 $0x7, s20;
	s22 =	smul.u32 @!p0 $0x300, s22  }
0x25: {  	s31 =	sadd.s32 $0xFFFFFFFF, s16;
	s20 =	smul.u32 @!p0 $0x30, s20  }
0x26: {  	s24 =	sxor.u32 @!p0 $0xFFFFFFFF, s16;
	s21 =	ssub.s32 @!p0 s21, s22;
	s22 =	sadd.s32 @!p0 s2, s23  }
0x27: {  	s23 =	sshrl.u32 @!p0 s21, $0x4;
	s20 =	sadd.s32 @!p0 s20, s22;
	s21 =	sshll.u32 @!p0 s21, $0x11  }
0x28: {  	s22 =	sshll.u32 @!p0 s24, $0xE;
	s20 =	sadd.s32 @!p0 s23, s20;
	s21 =	sand.u32 @!p0 $0x1C0000, s21  }
0x29: {  	s22 =	sand.u32 @!p0 $0x4000, s22;
	s23 =	simm.s32 @!p0 $0xC00;
	s21 =	sor.u32 @!p0 $0x100, s21  }
0x2a: {  	[tilespmem:s22], [sflag:$0x1] =	stream.strided.gather @!p0 [hbm4b:s20+s21], $0x4000, s23, s21, $0x38;
	[tilespmem:$0x10000] =	vst v63  }
0x2b: {  	p0 =	sge.u32 s31, s6  }
.Ltmp2:
0x2c: {  	_ = 	snop;
	(pc) =	sbr.rel @p0 .LBB1_7-.Ltmp2, $1  }
0x2d: {  	_ =	sdelay $0x3  }
0x2e: {  	_ =	swait.ge [sflag:s5], $0x4000;
	s20 =	sshll.u32 s16, $0xE  }
0x2f: {  	[sflag:s5] =	ssyncset.done $0x0;
	s20 =	sand.u32 $0x4000, s20  }
0x30: {  	s22 =	simm.s32 $0x0;
	[sflag:s5] =	ssyncadd.s32 $0xFFFFC000;
	s21 =	sor.u32 $0x8000, s20  }
.LBB1_3:
0x31: {  	s23 =	sshll.u32 s22, $0x8  }
0x32: {  	s24 =	sand.u32 $0x3FFFFF00, s23  }
0x33: {  	s24 =	sadd.s32 s24, s20  }
0x34: {  	s23 =	sshll.u32 s22, $0x7;
	s26 =	sadd.s32 $0x100, s24;
	v0 =	vmov s24  }
0x35: {  	s25 =	sor.u32 $0x80, s23;
	v1 =	vmov s26  }
0x36: {  	s25 =	sshrl.u32 s25, $0x1  }
0x37: {  	p0 =	por $0x1, $0x1;
	s24 =	simm.s32 $0x0;
	v2 =	vmov s25  }
.LBB1_4:
0x38: {  	s26 =	sshll.u32 s24, $0x6  }
0x39: {  	v3 =	vld.idx.msk [tilespmem:v0+s26+$0x0 ss:$0x1], $0xffff  }
0x3a: {  	v4 =	vld.idx.msk [tilespmem:v1+s26+$0x0 ss:$0x1], $0xffff  }
0x3b: {  	v5 =	vld.idx.msk [tilespmem:v0+s26+$0x10 ss:$0x1], $0xffff  }
0x3c: {  	v6 =	vld.idx.msk [tilespmem:v1+s26+$0x10 ss:$0x1], $0xffff  }
0x3d: {  	s31 =	sshll.u32 s24, $0xC;
	v7 =	vld.idx.msk [tilespmem:v0+s26+$0x20 ss:$0x1], $0xffff  }
0x3e: {  	s24 =	sand.u32 $0x3FFFF000, s31;
	v8 =	vld.idx.msk [tilespmem:v1+s26+$0x20 ss:$0x1], $0xffff  }
0x3f: {  	s27 =	sshrl.u32 s23, $0x1;
	v11 =	vld.idx.msk [tilespmem:v0+s26+$0x30 ss:$0x1], $0xffff;
	s24 =	sadd.s32 s24, s21;
	v9 =	vunpack.i.l.s16.s32 v3;
	v10 =	vunpack.i.l.s16.s32 v4  }
0x40: {  	v36 =	vld.idx.msk [tilespmem:v1+s26+$0x30 ss:$0x1], $0xffff;
	s26 =	sor.u32 $0x40, s26;
	s28 =	sadd.s32 s27, s24;
	s25 =	sadd.s32 $0x1000, s24;
	v3 =	vunpack.i.u.s16.s32 v3;
	v4 =	vunpack.i.u.s16.s32 v4;
	v9 =	vpack.i.b32.b16 v10, v9  }
0x41: {  	v12 =	vld.idx.msk [tilespmem:v0+s26+$0x0 ss:$0x1], $0xffff;
	s27 =	sadd.s32 s27, s25;
	v37 =	vunpack.i.l.s16.s32 v5;
	v38 =	vunpack.i.l.s16.s32 v6;
	v3 =	vpack.i.b32.b16 v4, v3;
	[tilespmem:s28+$0x0] =	vst v9  }
0x42: {  	v40 =	vld.idx.msk [tilespmem:v1+s26+$0x0 ss:$0x1], $0xffff;
	v39 =	vunpack.i.u.s16.s32 v6;
	v4 =	vpack.i.b32.b16 v38, v37;
	[tilespmem:s27+$0x0] =	vst v3;
	v3 =	vunpack.i.u.s16.s32 v5  }
0x43: {  	v43 =	vld.idx.msk [tilespmem:v0+s26+$0x10 ss:$0x1], $0xffff;
	v41 =	vunpack.i.l.s16.s32 v7;
	v42 =	vunpack.i.l.s16.s32 v8;
	[tilespmem:s28+$0x10] =	vst v4;
	v3 =	vpack.i.b32.b16 v39, v3  }
0x44: {  	v45 =	vld.idx.msk [tilespmem:v1+s26+$0x10 ss:$0x1], $0xffff;
	v44 =	vunpack.i.u.s16.s32 v8;
	v4 =	vpack.i.b32.b16 v42, v41;
	[tilespmem:s27+$0x10] =	vst v3;
	v3 =	vunpack.i.u.s16.s32 v7  }
0x45: {  	v48 =	vld.idx.msk [tilespmem:v0+s26+$0x20 ss:$0x1], $0xffff;
	v46 =	vunpack.i.l.s16.s32 v11;
	v47 =	vunpack.i.l.s16.s32 v36;
	[tilespmem:s28+$0x20] =	vst v4;
	v3 =	vpack.i.b32.b16 v44, v3  }
0x46: {  	v49 =	vld.idx.msk [tilespmem:v1+s26+$0x20 ss:$0x1], $0xffff;
	v10 =	vunpack.i.u.s16.s32 v36;
	v4 =	vpack.i.b32.b16 v47, v46;
	[tilespmem:s27+$0x20] =	vst v3;
	v3 =	vunpack.i.u.s16.s32 v11  }
0x47: {  	v52 =	vld.idx.msk [tilespmem:v0+s26+$0x30 ss:$0x1], $0xffff;
	v50 =	vunpack.i.l.s16.s32 v12;
	v51 =	vunpack.i.l.s16.s32 v40;
	[tilespmem:s28+$0x30] =	vst v4;
	v3 =	vpack.i.b32.b16 v10, v3  }
0x48: {  	v53 =	vld.idx.msk [tilespmem:v1+s26+$0x30 ss:$0x1], $0xffff;
	v6 =	vunpack.i.u.s16.s32 v40;
	v4 =	vpack.i.b32.b16 v51, v50;
	[tilespmem:s27+$0x30] =	vst v3;
	v3 =	vunpack.i.u.s16.s32 v12  }
0x49: {  	v54 =	vunpack.i.l.s16.s32 v43;
	v55 =	vunpack.i.l.s16.s32 v45;
	[tilespmem:v2+s24+$0x0 ss:$0x1] =	vst.idx.msk $0xffff, v4;
	v3 =	vpack.i.b32.b16 v6, v3  }
0x4a: {  	v56 =	vunpack.i.u.s16.s32 v43;
	v5 =	vunpack.i.u.s16.s32 v45;
	[tilespmem:v2+s25+$0x0 ss:$0x1] =	vst.idx.msk $0xffff, v3;
	v3 =	vpack.i.b32.b16 v55, v54  }
0x4b: {  	p1 =	por p0, p0;
	v57 =	vunpack.i.l.s16.s32 v48;
	v58 =	vunpack.i.l.s16.s32 v49;
	[tilespmem:v2+s24+$0x10 ss:$0x1] =	vst.idx.msk $0xffff, v3;
	v3 =	vpack.i.b32.b16 v5, v56  }
.Ltmp3:
0x4c: {  	v59 =	vunpack.i.u.s16.s32 v48;
	v60 =	vunpack.i.u.s16.s32 v49;
	[tilespmem:v2+s25+$0x10 ss:$0x1] =	vst.idx.msk $0xffff, v3;
	v3 =	vpack.i.b32.b16 v58, v57;
	(pc) =	sbr.rel @p1 .LBB1_4-.Ltmp3, $4  }
0x4d: {  	v61 =	vunpack.i.l.s16.s32 v52;
	v62 =	vunpack.i.l.s16.s32 v53;
	[tilespmem:v2+s24+$0x20 ss:$0x1] =	vst.idx.msk $0xffff, v3;
	v3 =	vpack.i.b32.b16 v60, v59  }
0x4e: {  	v63 =	vunpack.i.u.s16.s32 v53;
	v4 =	vpack.i.b32.b16 v62, v61;
	[tilespmem:v2+s25+$0x20 ss:$0x1] =	vst.idx.msk $0xffff, v3;
	v3 =	vunpack.i.u.s16.s32 v52  }
0x4f: {  	[tilespmem:v2+s24+$0x30 ss:$0x1] =	vst.idx.msk $0xffff, v4;
	v3 =	vpack.i.b32.b16 v63, v3  }
0x50: {  	p0 =	por $0x0, $0x0;
	s24 =	simm.s32 $0x2;
	[tilespmem:v2+s25+$0x30 ss:$0x1] =	vst.idx.msk $0xffff, v3  }
0x51: {  	p0 =	slt.u32 s22, $0x3E  }
.Ltmp4:
0x52: {  	_ = 	snop;
	(pc) =	sbr.rel @p0 .LBB1_3-.Ltmp4, $3  }
0x53: {  	_ =	sdelay $0x1  }
0x54: {  	s23 =	sadd.s32 $0x2, s22  }
0x55: {  	s22 =	smov.u32 s23  }
0x56: {  	s22 =	sshrl.u32 s19, $0x3  }
0x57: {  	s23 =	sshll.u32 s18, $0x3;
	s22 =	smul.u32 $0x1800, s22  }
0x58: {  	s24 =	sshll.u32 s19, $0x7;
	s23 =	sand.u32 $0xFFFFFC00, s23  }
0x59: {  	s28 =	sand.u32 $0x300, s24;
	s22 =	sadd.s32 s22, s23  }
0x5a: {  	s22 =	sor.u32 s28, s22  }
0x5b: {  	s29 =	sshll.u32 s18, $0x1;
	s23 =	smulhi.u32 $0xAAAAAAAB, s22  }
0x5c: {  	s30 =	sand.u32 $0x1, s19;
	s18 =	sand.u32 $0xFE, s29  }
0x5d: {  	s18 =	sor.u32 s30, s18;
	s31 =	sshrl.u32 s23, $0x9  }
0x5e: {  	s18 =	sor.u32 s22, s18;
	s24 =	smulhi.u32 $0x539783, s31  }
0x5f: {  	s25 =	smulhi.u32 $0xAAAAAAAB, s18  }
0x60: {  	s22 =	sshrl.u32 s24, $0x2  }
0x61: {  	s23 =	sshrl.u32 s25, $0x9;
	s22 =	smul.u32 $0xC40, s22  }
0x62: {  	s23 =	smul.u32 $0x300, s23  }
0x63: {  	s17 =	smul.u32 $0x24C00, s17;
	s19 =	ssub.s32 s31, s22  }
0x64: {  	s18 =	ssub.s32 s18, s23;
	s19 =	smul.u32 $0x30, s19  }
0x65: {  	s26 =	sadd.s32 s7, s17;
	s23 =	sshll.u32 s18, $0x11  }
0x66: {  	s18 =	sshrl.u32 s18, $0x4;
	s23 =	sand.u32 $0x1C0000, s23;
	s22 =	sadd.s32 s19, s26  }
0x67: {  	s27 =	sadd.s32 s17, s8;
	s23 =	sor.u32 $0x200, s23;
	s22 =	sadd.s32 s18, s22  }
0x68: {  	[hbm4b:s22+s23] =	stream.strided.scatter [tilespmem:s21], [sflag:$0x2], $0x1000, s12, s23, $0x38;
	[tilespmem:$0x10000] =	vst v63  }
0x69: {  	s21 =	sadd.s32 s19, s27  }
0x6a: {  	s29 =	sadd.s32 s17, s9;
	s28 =	sadd.s32 $0x9000, s20;
	s21 =	sadd.s32 s18, s21  }
0x6b: {  	[hbm4b:s21+s23] =	stream.strided.scatter [tilespmem:s28], [sflag:$0x2], $0x1000, s12, s23, $0x38;
	[tilespmem:$0x10000] =	vst v63  }
.Ltmp5:
0x6c: {  	s17 =	sadd.s32 s17, s10;
	s21 =	sadd.s32 s19, s29;
	(pc) =	sbr.rel .LBB1_7-.Ltmp5, $4  }
0x6d: {  	s30 =	sadd.s32 $0xA000, s20;
	s17 =	sadd.s32 s19, s17;
	s21 =	sadd.s32 s18, s21  }
0x6e: {  	[hbm4b:s21+s23] =	stream.strided.scatter [tilespmem:s30], [sflag:$0x2], $0x1000, s12, s23, $0x38;
	[tilespmem:$0x10000] =	vst v63  }
0x6f: {  	s31 =	sadd.s32 $0xB000, s20;
	s17 =	sadd.s32 s18, s17  }
0x70: {  	[hbm4b:s17+s23] =	stream.strided.scatter [tilespmem:s31], [sflag:$0x2], $0x1000, s12, s23, $0x38;
	[tilespmem:$0x10000] =	vst v63  }
.LBB1_8:
0x71: {  	_ =	sfence.sel $0x180000  }
0x72: {  	s1 =	simm.s32 $0x1;
	[bflag:$0x0] =	sbarrier.arrive $0xFFFF  }
0x73: {  	s31 =	simm.s32 $0x2;
	[sflag:s1] =	ssyncpa.u1 $0x1  }
0x74: {  	[sflag:s31] =	ssyncpa.u1 $0x1  }
0x75: {  	p0 =	sne.s32 s0, $0x0;
	_ =	strace $0x90000047  }
0x76: {  	s0 =	sadd.s32 @!p0 $0x100000, s4;
	[bflag:$0x2] =	sbarrier.arrive $0xFFFF  }
0x77: {  	[sflag:s0] =	ssyncadd.tile.s32 @!p0 $0x1;
	_ =	shalt  }
.Lfunc_end1:
_tile_overlayer_lowered:
.L_overlay_start_2:
0x78: {  	(tag) =	ssettag $0x2  }
0x79: {  	s0 =	rddreg [dreg:$0x0];
	s2 =	stileid.u32  }
0x7a: {  	s1 =	rddreg [dreg:$0x1];
	p0 =	sne.s32 s2, $0x0  }
0x7b: {  	s3 =	rddreg [dreg:$0x2];
	[bflag:$0x3] =	sbarrier.arrive $0xFFFF;
	s2 =	simm.s32 @!p0 $0x1C01  }
0x7c: {  	[timem:s3], [sflag:s2] =	dma.local @!p0 [hbm:s0], s1  }
0x7d: {  	s0 =	simm.s32 @!p0 $0x1  }
0x7e: {  	_ =	swait.ge @!p0 [sflag:s0], s1  }
0x7f: {  	s1 =	ssub.s32 @!p0 $0x0, s1;
	[sflag:s0] =	ssyncset.done @!p0 $0x0  }
0x80: {  	[sflag:s0] =	ssyncadd.s32 @!p0 s1  }
0x81: {  	[bflag:$0x3] =	sbarrier.arrive $0xFFFF  }
0x82: {  	_ =	shalt  }

// kernel: sparse-core-data-format-call.cloned.1.call-start
scs
called_computation_lowered:
.L_overlay_start_0:
0x0: {  	s2 =	sld [smem:$0x3FD9]  }
0x1: {  	s3 =	sld [smem:$0x3FFE];
	_ =	sdelay $0x1  }
0x2: {  	s1 =	srdreg.scid  }
0x3: {  	s0 =	sand.u32 $0x1, s1  }
0x4: {  	s18 =	sshll.u32 s0, $0xA;
	s2 =	sadd.s32 s3, s2  }
0x5: {  	s2 =	sadd.s32 s2, s18  }
0x6: {  	[smem:$0x3FC2] =	sst s2  }
0x7: {  	_ = 	snop  }
0x8: {  	s2 =	sld [smem:$0x3FD0];
	(tm) =	ssettm $0x1  }
0x9: {  	s19 =	sld [smem:$0x3FFB];
	_ =	sdelay $0x3  }
0xa: {  	_ =	strace s19  }
0xb: {  	s3 =	sld [smem:$0x3FFC];
	_ =	sdelay $0x3  }
0xc: {  	_ =	strace s3  }
0xd: {  	s3 =	sld [smem:$0x3FFD];
	_ =	sdelay $0x3  }
0xe: {  	_ =	strace s3  }
0xf: {  	_ =	strace $0x8FFFFFFF  }
0x10: {  	s20 =	sld [smem:$0x3FDB];
	_ =	sdelay $0x1  }
0x11: {  	s4 =	simm.s32 $_scs_section_size  }
0x12: {  	s5 =	simm.s32 $_size__tile_overlayer_lowered;
	s6 =	simm.s32 $_tile_overlayer_lowered  }
0x13: {  	s23 =	simm.s32 $0x1BFF;
	s22 =	sshll.u32 s6, $0x1;
	s3 =	sadd.s32 s4, s20  }
0x14: {  	s7 =	simm.s32 $0x0;
	s21 =	sshll.u32 s5, $0x1;
	s5 =	sadd.s32 s22, s3  }
0x15: {  	[timem:s7], [sflag:s23] =	dma.local [hbm:s5], s21  }
0x16: {  	_ =	swait.ge [sflag:s23], s21  }
0x17: {  	s4 =	ssub.s32 $0x0, s21;
	[sflag:s23] =	ssyncset.done $0x0  }
0x18: {  	[sflag:s23] =	ssyncadd.s32 s4;
	_ =	sdelay $0x1  }
0x19: {  	s24 =	simm.s32 $0x1B8B  }
0x1a: {  	_ =	swait.ge [sflag:s24], $0x1  }
0x1b: {  	[sflag:s24] =	ssyncset.done $0x0  }
0x1c: {  	s26 =	simm.s32 $0x1B8E;
	s25 =	sld [smem:$0x3FFE];
	[sflag:s24] =	ssyncadd.s32 $0xFFFFFFFF  }
0x1d: {  	s27 =	simm.s32 $execute0_lowered;
	[smem:$0x3FD2] =	sst s26  }
0x1e: {  	s5 =	sshll.u32 s27, $0x1;
	_ =	strace $0x8000004C;
	[dreg:$0x1] =	wrdreg $0xFFFFFFFF  }
0x1f: {  	s28 =	simm.s32 $_size_execute0_lowered;
	s3 =	sadd.s32 s3, s5;
	[dreg:$0x0] =	wrdreg $0x0  }
0x20: {  	s5 =	sshll.u32 s28, $0x1;
	[dreg:$0x2] =	wrdreg s3  }
0x21: {  	[dreg:$0x3] =	wrdreg s5  }
0x22: {  	[dreg:$0x4] =	wrdreg $0xC0  }
0x23: {  	_ =	task [dreg:s7], $0x5FFFF  }
0x24: {  	[dreg:$0x1] =	wrdreg $0xFFFFFFFF  }
0x25: {  	[dreg:$0x0] =	wrdreg $0x60  }
0x26: {  	[dreg:$0x2] =	wrdreg s2  }
0x27: {  	[dreg:$0x3] =	wrdreg s25  }
0x28: {  	[dreg:$0x4] =	wrdreg $0x9  }
0x29: {  	_ =	task.clear_ibuf [dreg:s7], $0x5FFFF;
	_ =	strace $0x9000004C  }
0x2a: {  	s29 =	simm.s32 $0x9;
	_ =	strace $0x8000004E  }
0x2b: {  	_ =	swait.ge [sflag:s29], $0x1  }
0x2c: {  	[sflag:s29] =	ssyncadd.s32 $0xFFFFFFFF  }
0x2d: {  	_ =	strace $0x9000004E  }
0x2e: {  	_ =	sfence  }
0x2f: {  	s30 =	sld [smem:$0x0];
	_ =	sdelay $0x2  }
0x30: {  	s31 =	sshll.u32 s1, $0xD;
	s1 =	sshrl.u32 s1, $0x2  }
0x31: {  	s3 =	sand.u32 $0x4000, s31;
	s1 =	sadd.s32 s1, s30  }
0x32: {  	s0 =	sor.u32 s3, s0;
	s1 =	sshll.u32 s1, $0x11  }
0x33: {  	s0 =	sor.u32 s1, s0  }
0x34: {  	s0 =	sadd.s32 $0x8F2B, s0  }
0x35: {  	[sflag:s0] =	ssyncadd.remote.s32 $0x1  }
0x36: {  	_ =	sfence.sel $0xFFFF  }
0x37: {  	[dreg:$0x0] =	wrdreg $0xFFFFFFFF;
	(pc) =	sbr.abs _section_cstart, $3  }
0x38: {  	[dreg:$0x1] =	wrdreg $0xFFFFFFFF  }
0x39: {  	_ =	task.clear_ibuf [dreg:s7], $0x2FFFF;
	_ =	strace $0x9FFFFFFF  }
0x3a: {  	(tm) =	ssettm $0x7FFFFFFF  }
0x3b: {  	_ =	shalt  }
tec
execute0_lowered:
.L_overlay_start_1:
0x0: {  	(tag) =	ssettag $0x1  }
0x1: {  	s0 =	srdreg.scid  }
0x2: {  	s1 =	stileid.u32;
	s5 =	rddreg [dreg:$0x0]  }
0x3: {  	s17 =	rddreg [dreg:$0x1];
	_ =	strace $0x8000004D;
	s4 =	simm.s32 $0x1  }
0x4: {  	s20 =	simm.s32 $0x2;
	s31 =	simm.s32 $0x0;
	s27 =	simm.s32 $0x0  }
0x5: {  	s29 =	simm.s32 $0x0;
	s30 =	simm.s32 $0x0;
	s0 =	sshll.u32 s0, $0x4  }
0x6: {  	[sflag:s4] =	ssyncpa.u1 $0x0;
	s21 =	sadd.s32 $0x12600, s5;
	s22 =	sadd.s32 $0x24C00, s5  }
0x7: {  	s23 =	sadd.s32 $0x37200, s5;
	s24 =	sadd.s32 $0x49800, s5;
	[dreg:$0x4] =	wrdreg s21  }
0x8: {  	s25 =	sadd.s32 $0x5BE00, s5;
	s26 =	sadd.s32 $0x6E400, s5;
	[dreg:$0x5] =	wrdreg s22  }
0x9: {  	s13 =	sadd.s32 $0x80A00, s5;
	s14 =	sadd.s32 $0x93000, s5;
	[dreg:$0x6] =	wrdreg s23  }
0xa: {  	s15 =	sadd.s32 $0xA5600, s5;
	s0 =	sand.u32 $0x10, s0;
	[dreg:$0x7] =	wrdreg s24  }
0xb: {  	s16 =	sadd.s32 $0xB7C00, s5;
	[dreg:$0x8] =	wrdreg s25;
	s0 =	sor.u32 s1, s0  }
0xc: {  	[sflag:s20] =	ssyncpa.u1 $0x0;
	s20 =	sadd.s32 $0x101400, s5;
	s3 =	sshll.u32 s0, $0x1  }
0xd: {  	[dreg:$0x9] =	wrdreg s26;
	s21 =	sadd.s32 $0x113A00, s5;
	s18 =	ssub.s32 $0xC4, s3  }
0xe: {  	s23 =	simm.s32 $0xC00;
	s25 =	simm.s32 $0x0;
	s2 =	sand.u32 $0x3E, s18  }
0xf: {  	s24 =	simm.s32 $0x0;
	p0 =	sne.s32 s2, $0x0;
	s2 =	simm.s32 $0x1  }
.Ltmp0:
0x10: {  	s1 =	sshrl.u32 s18, $0x6;
	s2 =	simm.s32 @!p0 $0x0;
	(pc) =	sbr.rel .LBB1_1-.Ltmp0, $4  }
0x11: {  	s26 =	simm.s32 $0x0;
	s0 =	sadd.s32 $0x2200, s17;
	s19 =	sadd.s32 s2, s1  }
0x12: {  	s17 =	sadd.s32 $0xCA200, s5;
	[dreg:$0x3] =	wrdreg s0;
	s6 =	smul.u32 $0x6, s19  }
0x13: {  	s0 =	simm.s32 $0x0;
	s28 =	smov.u32 s3;
	s18 =	sadd.s32 $0xDC800, s5  }
0x14: {  	s1 =	simm.s32 $0x0;
	s19 =	sadd.s32 $0xEEE00, s5;
	s22 =	sor.u32 $0x1, s6  }
.LBB1_9:
0x15: {  	s2 =	sadd.s32 $0x80, s26  }
0x16: {  	s0 =	sadd.s32 $0x8, s27;
	s5 =	smov.u32 s27;
	p1 =	sgt.s32 s2, $0x2FF  }
0x17: {  	s5 =	smov.u32 @p1 s0  }
0x18: {  	s7 =	smov.u32 s28;
	s0 =	sadd.s32 $0x40, s28;
	p2 =	sgt.s32 s5, $0x7  }
0x19: {  	s7 =	smov.u32 @p2 s0  }
0x1a: {  	s8 =	smov.u32 s29;
	s0 =	sadd.s32 $0x10, s29;
	p3 =	sgt.s32 s7, $0xC3  }
0x1b: {  	p0 =	slt.u32 s30, $0x2;
	s8 =	smov.u32 @p3 s0  }
0x1c: {  	s31 =	smov.u32 s27;
	s2 =	simm.s32 @p1 $0x0;
	p1 =	sgt.s32 s8, $0xF  }
0x1d: {  	s9 =	simm.s32 @!p0 $0x2;
	s8 =	simm.s32 @p1 $0x0;
	p1 =	sne.s32 s30, s22  }
.Ltmp1:
0x1e: {  	s24 =	smov.u32 s28;
	_ =	swait.ge @!p0 [sflag:s9], $0x4000;
	(pc) =	sbr.rel @!p1 .LBB1_10-.Ltmp1, $4  }
0x1f: {  	s1 =	smov.u32 s29;
	[sflag:s9] =	ssyncset.done @!p0 $0x0;
	s5 =	simm.s32 @p2 $0x0  }
0x20: {  	s25 =	sadd.s32 $0x8000, s25;
	[sflag:s9] =	ssyncadd.s32 @!p0 $0xFFFFC000;
	s27 =	smov.u32 s5  }
0x21: {  	s7 =	smov.u32 @p3 s3;
	s0 =	smov.u32 s26;
	s26 =	smov.u32 s2  }
0x22: {  	s28 =	smov.u32 s7;
	s30 =	sadd.s32 $0x1, s30;
	s29 =	smov.u32 s8  }
.LBB1_1:
0x23: {  	p0 =	sge.u32 s30, s6  }
.Ltmp2:
0x24: {  	_ = 	snop;
	(pc) =	sbr.rel @p0 .LBB1_3-.Ltmp2, $1  }
0x25: {  	_ =	sdelay $0x3  }
0x26: {  	s2 =	sshrl.u32 s27, $0x3  }
0x27: {  	s5 =	sand.u32 $0x1, s27;
	s7 =	sshll.u32 s26, $0x3;
	s2 =	smul.u32 $0x1800, s2  }
0x28: {  	s8 =	sshll.u32 s27, $0x7;
	s9 =	sshll.u32 s26, $0x1;
	s7 =	sand.u32 $0xFFFFFC00, s7  }
0x29: {  	s8 =	sand.u32 $0x300, s8;
	s10 =	sand.u32 $0xFE, s9;
	s2 =	sadd.s32 s2, s7  }
0x2a: {  	s5 =	sor.u32 s5, s10;
	s2 =	sor.u32 s8, s2  }
0x2b: {  	s7 =	sor.u32 s2, s5;
	s2 =	smulhi.u32 $0xAAAAAAAB, s2  }
0x2c: {  	s5 =	smulhi.u32 $0xAAAAAAAB, s7;
	_ =	sdelay $0x1  }
0x2d: {  	s12 =	sshrl.u32 s2, $0x9;
	s2 =	smul.u32 $0x12600, s29;
	s5 =	sshrl.u32 s5, $0x9  }
0x2e: {  	s11 =	smul.u32 $0x300, s5  }
0x2f: {  	s10 =	sand.u32 $0x7, s12;
	s5 =	smul.u32 $0x180, s28  }
0x30: {  	s11 =	ssub.s32 s7, s11;
	s7 =	smul.u32 $0x30, s10;
	s10 =	rddreg [dreg:$0x0]  }
0x31: {  	s9 =	sxor.u32 $0xFFFFFFFF, s30;
	s12 =	sadd.s32 s10, s2  }
0x32: {  	s8 =	sshrl.u32 s11, $0x4;
	s11 =	sshll.u32 s11, $0x11;
	s10 =	sadd.s32 s5, s12  }
0x33: {  	s9 =	sshll.u32 s9, $0xE;
	s11 =	sand.u32 $0x1C0000, s11;
	s10 =	sadd.s32 s7, s10  }
0x34: {  	s9 =	sand.u32 $0x4000, s9;
	s12 =	sadd.s32 s8, s10;
	s10 =	sor.u32 $0x200, s11  }
0x35: {  	[tilespmem:s9], [sflag:$0x1] =	stream.strided.gather [hbm4b:s12+s10], $0x400, s23, s10, $0x38;
	[tilespmem:$0x10000] =	vst v63  }
0x36: {  	s12 =	rddreg [dreg:$0x4]  }
0x37: {  	s11 =	sadd.s32 s2, s12  }
0x38: {  	s11 =	sadd.s32 s5, s11  }
0x39: {  	s11 =	sadd.s32 s7, s11  }
0x3a: {  	s12 =	sor.u32 $0x400, s9;
	s11 =	sadd.s32 s8, s11  }
0x3b: {  	[tilespmem:s12], [sflag:$0x1] =	stream.strided.gather [hbm4b:s11+s10], $0x400, s23, s10, $0x38;
	[tilespmem:$0x10000] =	vst v63  }
0x3c: {  	s12 =	rddreg [dreg:$0x5]  }
0x3d: {  	s11 =	sadd.s32 s2, s12  }
0x3e: {  	s11 =	sadd.s32 s5, s11  }
0x3f: {  	s11 =	sadd.s32 s7, s11  }
0x40: {  	s12 =	sor.u32 $0x800, s9;
	s11 =	sadd.s32 s8, s11  }
0x41: {  	[tilespmem:s12], [sflag:$0x1] =	stream.strided.gather [hbm4b:s11+s10], $0x400, s23, s10, $0x38;
	[tilespmem:$0x10000] =	vst v63  }
0x42: {  	s12 =	rddreg [dreg:$0x6]  }
0x43: {  	s11 =	sadd.s32 s2, s12  }
0x44: {  	s11 =	sadd.s32 s5, s11  }
0x45: {  	s11 =	sadd.s32 s7, s11  }
0x46: {  	s12 =	sor.u32 $0xC00, s9;
	s11 =	sadd.s32 s8, s11  }
0x47: {  	[tilespmem:s12], [sflag:$0x1] =	stream.strided.gather [hbm4b:s11+s10], $0x400, s23, s10, $0x38;
	[tilespmem:$0x10000] =	vst v63  }
0x48: {  	s12 =	rddreg [dreg:$0x7]  }
0x49: {  	s11 =	sadd.s32 s2, s12  }
0x4a: {  	s11 =	sadd.s32 s5, s11  }
0x4b: {  	s11 =	sadd.s32 s7, s11  }
0x4c: {  	s12 =	sor.u32 $0x1000, s9;
	s11 =	sadd.s32 s8, s11  }
0x4d: {  	[tilespmem:s12], [sflag:$0x1] =	stream.strided.gather [hbm4b:s11+s10], $0x400, s23, s10, $0x38;
	[tilespmem:$0x10000] =	vst v63  }
0x4e: {  	s12 =	rddreg [dreg:$0x8]  }
0x4f: {  	s11 =	sadd.s32 s2, s12  }
0x50: {  	s11 =	sadd.s32 s5, s11  }
0x51: {  	s11 =	sadd.s32 s7, s11  }
0x52: {  	s12 =	sor.u32 $0x1400, s9;
	s11 =	sadd.s32 s8, s11  }
0x53: {  	[tilespmem:s12], [sflag:$0x1] =	stream.strided.gather [hbm4b:s11+s10], $0x400, s23, s10, $0x38;
	[tilespmem:$0x10000] =	vst v63  }
0x54: {  	s12 =	rddreg [dreg:$0x9]  }
0x55: {  	s11 =	sadd.s32 s2, s12  }
0x56: {  	s11 =	sadd.s32 s5, s11  }
0x57: {  	s11 =	sadd.s32 s7, s11  }
0x58: {  	s12 =	sor.u32 $0x1800, s9;
	s11 =	sadd.s32 s8, s11  }
0x59: {  	[tilespmem:s12], [sflag:$0x1] =	stream.strided.gather [hbm4b:s11+s10], $0x400, s23, s10, $0x38;
	[tilespmem:$0x10000] =	vst v63  }
0x5a: {  	s12 =	sadd.s32 s2, s13  }
0x5b: {  	s11 =	sadd.s32 s5, s12  }
0x5c: {  	s11 =	sadd.s32 s7, s11  }
0x5d: {  	s12 =	sor.u32 $0x1C00, s9;
	s11 =	sadd.s32 s8, s11  }
0x5e: {  	[tilespmem:s12], [sflag:$0x1] =	stream.strided.gather [hbm4b:s11+s10], $0x400, s23, s10, $0x38;
	[tilespmem:$0x10000] =	vst v63  }
0x5f: {  	s12 =	sadd.s32 s2, s14  }
0x60: {  	s11 =	sadd.s32 s5, s12  }
0x61: {  	s11 =	sadd.s32 s7, s11  }
0x62: {  	s12 =	sor.u32 $0x2000, s9;
	s11 =	sadd.s32 s8, s11  }
0x63: {  	[tilespmem:s12], [sflag:$0x1] =	stream.strided.gather [hbm4b:s11+s10], $0x400, s23, s10, $0x38;
	[tilespmem:$0x10000] =	vst v63  }
0x64: {  	s12 =	sadd.s32 s2, s15  }
0x65: {  	s11 =	sadd.s32 s5, s12  }
0x66: {  	s11 =	sadd.s32 s7, s11  }
0x67: {  	s12 =	sor.u32 $0x2400, s9;
	s11 =	sadd.s32 s8, s11  }
0x68: {  	[tilespmem:s12], [sflag:$0x1] =	stream.strided.gather [hbm4b:s11+s10], $0x400, s23, s10, $0x38;
	[tilespmem:$0x10000] =	vst v63  }
0x69: {  	s12 =	sadd.s32 s2, s16  }
0x6a: {  	s11 =	sadd.s32 s5, s12  }
0x6b: {  	s11 =	sadd.s32 s7, s11  }
0x6c: {  	s12 =	sor.u32 $0x2800, s9;
	s11 =	sadd.s32 s8, s11  }
0x6d: {  	[tilespmem:s12], [sflag:$0x1] =	stream.strided.gather [hbm4b:s11+s10], $0x400, s23, s10, $0x38;
	[tilespmem:$0x10000] =	vst v63  }
0x6e: {  	s12 =	sadd.s32 s2, s17  }
0x6f: {  	s11 =	sadd.s32 s5, s12  }
0x70: {  	s11 =	sadd.s32 s7, s11  }
0x71: {  	s12 =	sor.u32 $0x2C00, s9;
	s11 =	sadd.s32 s8, s11  }
0x72: {  	[tilespmem:s12], [sflag:$0x1] =	stream.strided.gather [hbm4b:s11+s10], $0x400, s23, s10, $0x38;
	[tilespmem:$0x10000] =	vst v63  }
0x73: {  	s12 =	sadd.s32 s2, s18  }
0x74: {  	s11 =	sadd.s32 s5, s12  }
0x75: {  	s11 =	sadd.s32 s7, s11  }
0x76: {  	s12 =	sor.u32 $0x3000, s9;
	s11 =	sadd.s32 s8, s11  }
0x77: {  	[tilespmem:s12], [sflag:$0x1] =	stream.strided.gather [hbm4b:s11+s10], $0x400, s23, s10, $0x38;
	[tilespmem:$0x10000] =	vst v63  }
0x78: {  	s12 =	sadd.s32 s2, s19  }
0x79: {  	s11 =	sadd.s32 s5, s12  }
0x7a: {  	s11 =	sadd.s32 s7, s11  }
0x7b: {  	s12 =	sor.u32 $0x3400, s9;
	s11 =	sadd.s32 s8, s11  }
0x7c: {  	[tilespmem:s12], [sflag:$0x1] =	stream.strided.gather [hbm4b:s11+s10], $0x400, s23, s10, $0x38;
	[tilespmem:$0x10000] =	vst v63  }
0x7d: {  	s12 =	sadd.s32 s2, s20  }
0x7e: {  	s2 =	sadd.s32 s2, s21;
	s11 =	sadd.s32 s5, s12  }
0x7f: {  	s2 =	sadd.s32 s5, s2;
	s11 =	sadd.s32 s7, s11  }
0x80: {  	s12 =	sor.u32 $0x3800, s9;
	s2 =	sadd.s32 s7, s2;
	s11 =	sadd.s32 s8, s11  }
0x81: {  	[tilespmem:s12], [sflag:$0x1] =	stream.strided.gather [hbm4b:s11+s10], $0x400, s23, s10, $0x38;
	[tilespmem:$0x10000] =	vst v63  }
0x82: {  	s2 =	sadd.s32 s8, s2;
	s12 =	sor.u32 $0x3C00, s9  }
0x83: {  	[tilespmem:s12], [sflag:$0x1] =	stream.strided.gather [hbm4b:s2+s10], $0x400, s23, s10, $0x38;
	[tilespmem:$0x10000] =	vst v63  }
.LBB1_3:
0x84: {  	s2 =	sadd.s32 $0xFFFFFFFF, s30  }
0x85: {  	p0 =	sge.u32 s2, s6  }
.Ltmp3:
0x86: {  	_ = 	snop;
	(pc) =	sbr.rel @p0 .LBB1_9-.Ltmp3, $1  }
0x87: {  	_ =	sdelay $0x3  }
0x88: {  	s2 =	sshrl.u32 s25, $0x1;
	_ =	swait.ge [sflag:s4], $0x4000  }
0x89: {  	s7 =	sshll.u32 s30, $0xE;
	s8 =	simm.s32 $0x0;
	s2 =	sand.u32 $0x4000, s2  }
0x8a: {  	[sflag:s4] =	ssyncset.done $0x0;
	s12 =	sand.u32 $0x4000, s7;
	s5 =	sor.u32 $0x200, s2  }
0x8b: {  	s10 =	sor.u32 $0x8800, s2;
	[sflag:s4] =	ssyncadd.s32 $0xFFFFC000;
	s2 =	sor.u32 $0x8000, s12  }
.LBB1_5:
0x8c: {  	v0 =	vld [tilespmem:s5+$0xFFFFFE70]  }
0x8d: {  	v1 =	vld [tilespmem:s5+$0x70]  }
0x8e: {  	v2 =	vld [tilespmem:s5+$0x0]  }
0x8f: {  	v3 =	vld [tilespmem:s5+$0xFFFFFE10]  }
0x90: {  	v4 =	vld [tilespmem:s5+$0x10]  }
0x91: {  	v5 =	vld [tilespmem:s5+$0xFFFFFE20]  }
0x92: {  	v7 =	vld [tilespmem:s5+$0x20]  }
0x93: {  	v11 =	vld [tilespmem:s5+$0x30];
	v6 =	vunpack.i.l.s16.s32 v0;
	v8 =	vunpack.i.u.s16.s32 v0;
	v9 =	vunpack.i.u.s16.s32 v1  }
0x94: {  	v10 =	vunpack.i.l.s16.s32 v1;
	v0 =	vunpack.i.u.s16.s32 v2;
	v1 =	vunpack.i.l.s16.s32 v2;
	v2 =	vld [tilespmem:s5+$0xFFFFFE30]  }
0x95: {  	v8 =	vpack.i.b32.b16 v9, v8;
	v9 =	vunpack.i.u.s16.s32 v3;
	v3 =	vunpack.i.l.s16.s32 v3  }
0x96: {  	v12 =	vld [tilespmem:s5+$0xFFFFFE40];
	v6 =	vpack.i.b32.b16 v10, v6;
	[tilespmem:s10+$0x70] =	vst v8;
	v8 =	vunpack.i.u.s16.s32 v4;
	v4 =	vunpack.i.l.s16.s32 v4  }
0x97: {  	v13 =	vld [tilespmem:s5+$0x40];
	v10 =	vunpack.i.u.s16.s32 v5;
	v5 =	vunpack.i.l.s16.s32 v5;
	[tilespmem:s10+$0xFFFFF870] =	vst v6;
	v3 =	vpack.i.b32.b16 v4, v3  }
0x98: {  	v6 =	vunpack.i.l.s16.s32 v7;
	v4 =	vld [tilespmem:s5+$0xFFFFFE50];
	[tilespmem:s10+$0xFFFFF810] =	vst v3;
	v3 =	vpack.i.b32.b16 v8, v9;
	v8 =	vunpack.i.u.s16.s32 v7  }
0x99: {  	v7 =	vunpack.i.l.s16.s32 v11;
	[tilespmem:s10+$0x10] =	vst v3;
	v3 =	vpack.i.b32.b16 v6, v5;
	v9 =	vunpack.i.u.s16.s32 v2;
	v6 =	vld [tilespmem:s5+$0x50]  }
0x9a: {  	v5 =	vunpack.i.l.s16.s32 v2;
	v2 =	vld [tilespmem:s5+$0xFFFFFE60];
	[tilespmem:s10+$0xFFFFF820] =	vst v3;
	v3 =	vpack.i.b32.b16 v8, v10;
	v10 =	vunpack.i.u.s16.s32 v11  }
0x9b: {  	s11 =	simm.s32 $0x0;
	v11 =	vpack.i.b32.b16 v7, v5;
	v7 =	vunpack.i.u.s16.s32 v12;
	v8 =	vunpack.i.l.s16.s32 v12;
	[tilespmem:s10+$0x20] =	vst v3;
	v3 =	vld [tilespmem:s5+$0x60]  }
0x9c: {  	s12 =	sadd.s32 $0x80, s5;
	s9 =	smov.u32 s10;
	s7 =	smov.u32 s10;
	v5 =	vld [tilespmem:s5+$0xFFFFFE00];
	[tilespmem:s10+$0xFFFFF830] =	vst v11;
	v10 =	vpack.i.b32.b16 v10, v9;
	v9 =	vunpack.i.u.s16.s32 v13;
	v11 =	vunpack.i.l.s16.s32 v13  }
.LBB1_6:
0x9d: {  	v12 =	vld [tilespmem:s12+$0xFFFFFE70];
	[tilespmem:s9+$0x30] =	vst v10;
	v8 =	vpack.i.b32.b16 v11, v8;
	v10 =	vunpack.i.u.s16.s32 v4;
	v4 =	vunpack.i.l.s16.s32 v4  }
0x9e: {  	s11 =	sadd.s32 $0x2, s11;
	v7 =	vpack.i.b32.b16 v9, v7;
	v11 =	vld [tilespmem:s12+$0x70];
	[tilespmem:s9+$0xFFFFF840] =	vst v8;
	v8 =	vunpack.i.u.s16.s32 v6;
	v6 =	vunpack.i.l.s16.s32 v6  }
0x9f: {  	p0 =	slt.u32 s11, $0x6;
	v9 =	vld [tilespmem:s12+$0x0];
	[tilespmem:s9+$0x40] =	vst v7;
	v4 =	vpack.i.b32.b16 v6, v4;
	v6 =	vunpack.i.u.s16.s32 v2;
	v2 =	vunpack.i.l.s16.s32 v2  }
0xa0: {  	v7 =	vld [tilespmem:s12+$0xFFFFFE10];
	[tilespmem:s9+$0xFFFFF850] =	vst v4;
	v4 =	vpack.i.b32.b16 v8, v10;
	v8 =	vunpack.i.u.s16.s32 v3;
	v3 =	vunpack.i.l.s16.s32 v3  }
0xa1: {  	v10 =	vld [tilespmem:s12+$0x10];
	v13 =	vunpack.i.u.s16.s32 v5;
	v5 =	vunpack.i.l.s16.s32 v5;
	[tilespmem:s9+$0x50] =	vst v4;
	v2 =	vpack.i.b32.b16 v3, v2  }
0xa2: {  	v3 =	vld [tilespmem:s12+$0xFFFFFE20];
	v4 =	vunpack.i.l.s16.s32 v12;
	v1 =	vpack.i.b32.b16 v1, v5;
	v5 =	vpack.i.b32.b16 v0, v13;
	[tilespmem:s9+$0xFFFFF860] =	vst v2  }
0xa3: {  	v12 =	vunpack.i.u.s16.s32 v12;
	v2 =	vld [tilespmem:s12+$0x20];
	v13 =	vunpack.i.u.s16.s32 v11;
	v11 =	vunpack.i.l.s16.s32 v11;
	[tilespmem:s9+$0xFFFFF800] =	vst v1  }
0xa4: {  	s9 =	sadd.s32 $0x1000, s9;
	v0 =	vunpack.i.u.s16.s32 v9;
	v1 =	vunpack.i.l.s16.s32 v9;
	v9 =	vld [tilespmem:s12+$0xFFFFFE30];
	v12 =	vpack.i.b32.b16 v13, v12;
	[tilespmem:s7+$0x0] =	vst v5  }
0xa5: {  	v6 =	vpack.i.b32.b16 v8, v6;
	v5 =	vunpack.i.u.s16.s32 v7;
	v7 =	vunpack.i.l.s16.s32 v7;
	v13 =	vld [tilespmem:s12+$0x30];
	[tilespmem:s9+$0x70] =	vst v12  }
0xa6: {  	v4 =	vpack.i.b32.b16 v11, v4;
	v8 =	vunpack.i.u.s16.s32 v10;
	v10 =	vunpack.i.l.s16.s32 v10;
	v12 =	vld [tilespmem:s12+$0xFFFFFE40];
	[tilespmem:s7+$0x60] =	vst v6;
	s7 =	smov.u32 s9  }
0xa7: {  	v6 =	vpack.i.b32.b16 v10, v7;
	v7 =	vunpack.i.u.s16.s32 v3;
	v3 =	vunpack.i.l.s16.s32 v3;
	v11 =	vld [tilespmem:s12+$0x40];
	[tilespmem:s9+$0xFFFFF870] =	vst v4  }
.Ltmp4:
0xa8: {  	v5 =	vpack.i.b32.b16 v8, v5;
	[tilespmem:s9+$0xFFFFF810] =	vst v6;
	v8 =	vunpack.i.u.s16.s32 v2;
	v2 =	vunpack.i.l.s16.s32 v2;
	v4 =	vld [tilespmem:s12+$0xFFFFFE50];
	(pc) =	sbr.rel @p0 .LBB1_6-.Ltmp4, $4  }
0xa9: {  	[tilespmem:s9+$0x10] =	vst v5;
	v2 =	vpack.i.b32.b16 v2, v3;
	v10 =	vunpack.i.u.s16.s32 v9;
	v3 =	vunpack.i.l.s16.s32 v9;
	v6 =	vld [tilespmem:s12+$0x50]  }
0xaa: {  	v5 =	vpack.i.b32.b16 v8, v7;
	[tilespmem:s9+$0xFFFFF820] =	vst v2;
	v9 =	vunpack.i.u.s16.s32 v13;
	v7 =	vunpack.i.l.s16.s32 v13;
	v2 =	vld [tilespmem:s12+$0xFFFFFE60]  }
0xab: {  	[tilespmem:s9+$0x20] =	vst v5;
	v13 =	vpack.i.b32.b16 v7, v3;
	v7 =	vunpack.i.u.s16.s32 v12;
	v8 =	vunpack.i.l.s16.s32 v12;
	v3 =	vld [tilespmem:s12+$0x60]  }
0xac: {  	v10 =	vpack.i.b32.b16 v9, v10;
	v5 =	vld [tilespmem:s12+$0xFFFFFE00];
	[tilespmem:s9+$0xFFFFF830] =	vst v13;
	v9 =	vunpack.i.u.s16.s32 v11;
	v11 =	vunpack.i.l.s16.s32 v11;
	s12 =	sadd.s32 $0x80, s12  }
0xad: {  	[tilespmem:s9+$0x30] =	vst v10;
	v8 =	vpack.i.b32.b16 v11, v8  }
0xae: {  	v51 =	vunpack.i.l.s16.s32 v4;
	v7 =	vpack.i.b32.b16 v9, v7;
	[tilespmem:s9+$0xFFFFF840] =	vst v8;
	v52 =	vunpack.i.l.s16.s32 v6  }
0xaf: {  	v53 =	vunpack.i.u.s16.s32 v4;
	s8 =	sadd.s32 $0x1, s8;
	v54 =	vunpack.i.u.s16.s32 v6;
	[tilespmem:s9+$0x40] =	vst v7;
	v55 =	vpack.i.b32.b16 v52, v51  }
0xb0: {  	p0 =	sne.s32 s8, $0x10;
	v56 =	vunpack.i.l.s16.s32 v2;
	v4 =	vpack.i.b32.b16 v54, v53;
	[tilespmem:s9+$0xFFFFF850] =	vst v55;
	v57 =	vunpack.i.l.s16.s32 v3  }
.Ltmp5:
0xb1: {  	[tilespmem:s9+$0x50] =	vst v4;
	v58 =	vunpack.i.l.s16.s32 v5;
	v59 =	vpack.i.b32.b16 v57, v56;
	(pc) =	sbr.rel @p0 .LBB1_5-.Ltmp5, $4  }
0xb2: {  	v61 =	vunpack.i.u.s16.s32 v2;
	v62 =	vunpack.i.u.s16.s32 v3;
	v1 =	vpack.i.b32.b16 v1, v58;
	[tilespmem:s9+$0xFFFFF860] =	vst v59  }
0xb3: {  	v60 =	vunpack.i.u.s16.s32 v5;
	v63 =	vpack.i.b32.b16 v62, v61;
	[tilespmem:s9+$0xFFFFF800] =	vst v1  }
0xb4: {  	v0 =	vpack.i.b32.b16 v0, v60;
	[tilespmem:s7+$0x60] =	vst v63  }
0xb5: {  	s5 =	sadd.s32 $0x400, s5;
	s10 =	sadd.s32 $0x80, s10;
	[tilespmem:s7+$0x0] =	vst v0  }
0xb6: {  	s5 =	sshrl.u32 s24, $0x3  }
0xb7: {  	s7 =	sand.u32 $0x1, s24;
	s8 =	sshll.u32 s0, $0x3;
	s5 =	smul.u32 $0x1800, s5  }
0xb8: {  	s9 =	sshll.u32 s24, $0x7;
	s10 =	sshll.u32 s0, $0x1;
	s8 =	sand.u32 $0xFFFFFC00, s8  }
0xb9: {  	s11 =	sand.u32 $0x300, s9;
	s0 =	sand.u32 $0xFE, s10;
	s5 =	sadd.s32 s5, s8  }
0xba: {  	s0 =	sor.u32 s7, s0;
	s5 =	sor.u32 s11, s5  }
0xbb: {  	s0 =	sor.u32 s5, s0;
	s5 =	smulhi.u32 $0xAAAAAAAB, s5;
	_ =	sdelay $0x1  }
0xbc: {  	s1 =	smul.u32 $0x2580, s1;
	s5 =	sshrl.u32 s5, $0x9  }
0xbd: {  	s24 =	smulhi.u32 $0x147AE15, s5  }
0xbe: {  	s12 =	smulhi.u32 $0xAAAAAAAB, s0  }
0xbf: {  	s8 =	smul.u32 $0xC8, s24  }
0xc0: {  	s9 =	smul.u32 $0x25800, s31;
	s7 =	sshrl.u32 s12, $0x9  }
0xc1: {  	s7 =	smul.u32 $0x300, s7;
	s5 =	ssub.s32 s5, s8  }
0xc2: {  	s10 =	rddreg [dreg:$0x3];
	s5 =	smul.u32 $0x30, s5  }
.Ltmp6:
0xc3: {  	s1 =	sadd.s32 s10, s1;
	s0 =	ssub.s32 s0, s7;
	(pc) =	sbr.rel .LBB1_9-.Ltmp6, $4  }
0xc4: {  	s1 =	sadd.s32 s9, s1;
	s11 =	sshll.u32 s0, $0x11  }
0xc5: {  	s0 =	sshrl.u32 s0, $0x4;
	s12 =	sand.u32 $0x1C0000, s11;
	s1 =	sadd.s32 s5, s1  }
0xc6: {  	s31 =	simm.s32 $0x12C00;
	s24 =	sor.u32 $0x80, s12;
	s0 =	sadd.s32 s0, s1  }
0xc7: {  	[hbm4b:s0+s24] =	stream.strided.scatter [tilespmem:s2], [sflag:$0x2], $0x4000, s31, s24, $0x38;
	[tilespmem:$0x10000] =	vst v63  }
.LBB1_10:
0xc8: {  	_ =	sfence.sel $0x180000  }
0xc9: {  	s0 =	simm.s32 $0x1;
	[bflag:$0x0] =	sbarrier.arrive $0xFFFF  }
0xca: {  	s30 =	simm.s32 $0x2;
	[sflag:s0] =	ssyncpa.u1 $0x1  }
0xcb: {  	[sflag:s30] =	ssyncpa.u1 $0x1  }
0xcc: {  	_ =	strace $0x9000004D  }
0xcd: {  	s31 =	stileid.u32;
	[bflag:$0x2] =	sbarrier.arrive $0xFFFF  }
0xce: {  	p0 =	sne.s32 s31, $0x0;
	s0 =	rddreg [dreg:$0x2]  }
0xcf: {  	s0 =	sadd.s32 @!p0 $0x100000, s0  }
0xd0: {  	[sflag:s0] =	ssyncadd.tile.s32 @!p0 $0x1;
	_ =	shalt  }
.Lfunc_end1:
_tile_overlayer_lowered:
.L_overlay_start_2:
0xd1: {  	(tag) =	ssettag $0x2  }
0xd2: {  	s0 =	rddreg [dreg:$0x0];
	s2 =	stileid.u32  }
0xd3: {  	s1 =	rddreg [dreg:$0x1];
	p0 =	sne.s32 s2, $0x0  }
0xd4: {  	s3 =	rddreg [dreg:$0x2];
	[bflag:$0x3] =	sbarrier.arrive $0xFFFF;
	s2 =	simm.s32 @!p0 $0x1C01  }
0xd5: {  	[timem:s3], [sflag:s2] =	dma.local @!p0 [hbm:s0], s1  }
0xd6: {  	s0 =	simm.s32 @!p0 $0x1  }
0xd7: {  	_ =	swait.ge @!p0 [sflag:s0], s1  }
0xd8: {  	s1 =	ssub.s32 @!p0 $0x0, s1;
	[sflag:s0] =	ssyncset.done @!p0 $0x0  }
0xd9: {  	[sflag:s0] =	ssyncadd.s32 @!p0 s1  }
0xda: {  	[bflag:$0x3] =	sbarrier.arrive $0xFFFF  }
0xdb: {  	_ =	shalt  }

</sc_bundles>
